<compile_context>
chip_gen: v7x
topology: tpu7x:2x2x1
jax: 0.10.2.dev20260603
libtpu: 0.0.44.dev20260713+nightly
codegen_flags: <defaults>
</compile_context>

<pallas_src>
import functools

import jax
import jax.numpy as jnp
from jax import lax
from jax.experimental import pallas as pl
from jax.experimental.pallas import tpu as pltpu
from jax.experimental.pallas import tpu_sc as plsc

_N_ITEMS = 1000
_N_PERSONS = 100000
_N_GRADES = 5
_N_RESPONSES_REF = 2000000

_L = 16
_NC, _NS = 2, 16
_NW = _NC * _NS
_IT_PAD = 1008
_CHUNK = 4000
_GROUPS = _CHUNK // _L

_LN2 = 0.69314718055994530942


def _logf(x):
    xi = lax.bitcast_convert_type(x, jnp.int32)
    e = (xi >> 23) - 127
    m = lax.bitcast_convert_type(
        (xi & jnp.int32(0x007FFFFF)) | jnp.int32(0x3F800000), jnp.float32)
    z = m - 1.0
    p = jnp.float32(0.041550807862246186)
    for c in (-0.15783775201785516, 0.30656068045901524,
              -0.4970307397424109, 0.9999449867283122):
        p = p * z + jnp.float32(c)
    return z * p + e.astype(jnp.float32) * jnp.float32(_LN2)


def _softplus(x):
    return jnp.maximum(x, 0.0) + _logf(1.0 + jnp.exp(-jnp.abs(x)))


def _body(packed_hbm, a_hbm, bb_hbm, bd_hbm, t_hbm,
          out_hbm, t_v, a_v, b_v, bb_v, bd_v, pk0_v, pk1_v,
          part_v, sem0, sem1, *, n_chunks, pair_iters, prior_scale,
          with_prior):
    cid = lax.axis_index("c")
    sid = lax.axis_index("s")
    wid = sid * _NC + cid

    pltpu.sync_copy(t_hbm, t_v)
    pltpu.sync_copy(a_hbm, a_v)
    pltpu.sync_copy(bb_hbm, bb_v)
    pltpu.sync_copy(bd_hbm, bd_v)

    iota = lax.iota(jnp.int32, _L)
    widv = jnp.full((_L,), wid, jnp.int32)
    on_tile0 = widv == 0

    def tbody(i, pacc):
        rows = iota + i * _L
        a = _softplus(plsc.load_gather(a_v, [rows]))
        plsc.store_scatter(a_v, [rows], a)
        rows3 = rows * 3
        rows4 = rows * 4
        b0 = plsc.load_gather(bb_v, [rows])
        d0 = plsc.load_gather(bd_v, [rows3])
        d1 = plsc.load_gather(bd_v, [rows3 + 1])
        d2 = plsc.load_gather(bd_v, [rows3 + 2])
        b1 = b0 + _softplus(d0)
        b2 = b1 + _softplus(d1)
        b3 = b2 + _softplus(d2)
        plsc.store_scatter(b_v, [rows4], b0)
        plsc.store_scatter(b_v, [rows4 + 1], b1)
        plsc.store_scatter(b_v, [rows4 + 2], b2)
        plsc.store_scatter(b_v, [rows4 + 3], b3)
        if not with_prior:
            return pacc
        m0 = jnp.logical_and(rows < _N_ITEMS, on_tile0)
        sq = a * a + b0 * b0 + b1 * b1 + b2 * b2 + b3 * b3
        return pacc + jnp.where(m0, sq, 0.0)

    pacc = lax.fori_loop(0, _IT_PAD // _L, tbody,
                         jnp.zeros((_L,), jnp.float32))

    if with_prior:
        n_tg = _N_PERSONS // _L
        t_iters = -(-n_tg // _NW)

        def pbody(j, pacc):
            idxs = (wid + j * _NW) * _L + iota
            valid = idxs < _N_PERSONS
            tv = plsc.load_gather(t_v, [jnp.where(valid, idxs, 0)])
            return pacc + jnp.where(valid, tv * tv, 0.0)

        pacc = lax.fori_loop(0, t_iters, pbody, pacc)

    def start(c, buf):
        cc = jnp.minimum(c, n_chunks - 1)
        sem = sem0 if buf is pk0_v else sem1
        pltpu.async_copy(packed_hbm.at[pl.ds(cc * _CHUNK, _CHUNK)], buf, sem)

    def wait(buf):
        sem = sem0 if buf is pk0_v else sem1
        pltpu.make_async_copy(packed_hbm.at[pl.ds(0, _CHUNK)], buf, sem).wait()

    def process(buf, c):
        cvalid = jnp.full((_L,), c, jnp.int32) < n_chunks

        def gbody(g, carry):
            prod, esum = carry
            rows = iota + g * _L
            packed = plsc.load_gather(buf, [rows])
            item = packed & 0x3FF
            r = (packed >> 10) & 7
            person = packed >> 13
            tg = plsc.load_gather(t_v, [person])
            ag = plsc.load_gather(a_v, [item])
            item4 = item * 4
            bu = plsc.load_gather(b_v, [item4 + jnp.maximum(r - 1, 0)])
            bv = plsc.load_gather(b_v, [item4 + jnp.minimum(r, _N_GRADES - 2)])
            su = 1.0 / (1.0 + jnp.exp(ag * (bu - tg)))
            sv = 1.0 / (1.0 + jnp.exp(ag * (bv - tg)))
            plo = jnp.where(r == 0, 1.0, su)
            phi = jnp.where(r == _N_GRADES - 1, 0.0, sv)
            p = jnp.maximum(plo - phi, 1e-12)
            prod = prod * p
            bits = lax.bitcast_convert_type(prod, jnp.int32)
            esum = esum + (bits >> 23)
            prod = lax.bitcast_convert_type(
                (bits & jnp.int32(0x007FFFFF)) | jnp.int32(0x3F800000),
                jnp.float32)
            return prod, esum

        prod, esum = lax.fori_loop(
            0, _GROUPS, gbody,
            (jnp.ones((_L,), jnp.float32), jnp.zeros((_L,), jnp.int32)))
        chunk_acc = (_logf(prod)
                     + (esum - 127 * _GROUPS).astype(jnp.float32)
                     * jnp.float32(_LN2))
        return jnp.where(cvalid, chunk_acc, 0.0)

    iters = pair_iters * 2
    start(wid, pk0_v)

    def pair_body(j2, acc):
        j = j2 * 2
        c0 = wid + j * _NW
        start(c0 + _NW, pk1_v)
        wait(pk0_v)
        acc = acc + process(pk0_v, c0)

        @pl.when(j + 2 < iters)
        def _():
            start(c0 + 2 * _NW, pk0_v)

        wait(pk1_v)
        return acc + process(pk1_v, c0 + _NW)

    acc = lax.fori_loop(0, pair_iters, pair_body,
                        jnp.zeros((_L,), jnp.float32))

    part_v[...] = acc - jnp.float32(0.5 * prior_scale) * pacc
    pltpu.sync_copy(part_v, out_hbm.at[wid])


@functools.lru_cache(maxsize=None)
def _make_kernel(n_responses, total_responses, with_prior):
    n_chunks = n_responses // _CHUNK
    pair_iters = -(-n_chunks // (2 * _NW))
    prior_scale = total_responses / _N_RESPONSES_REF
    mesh = plsc.VectorSubcoreMesh(core_axis_name="c", subcore_axis_name="s")
    return pl.kernel(
        functools.partial(_body, n_chunks=n_chunks, pair_iters=pair_iters,
                          prior_scale=prior_scale, with_prior=with_prior),
        out_type=jax.ShapeDtypeStruct((_NW, _L), jnp.float32),
        mesh=mesh,
        compiler_params=pltpu.CompilerParams(
            needs_layout_passes=False, use_tc_tiling_on_sc=False),
        scratch_types=[
            pltpu.VMEM((_N_PERSONS,), jnp.float32),
            pltpu.VMEM((_IT_PAD,), jnp.float32),
            pltpu.VMEM((_IT_PAD * 4,), jnp.float32),
            pltpu.VMEM((_IT_PAD,), jnp.float32),
            pltpu.VMEM((_IT_PAD * 3,), jnp.float32),
            pltpu.VMEM((_CHUNK,), jnp.int32),
            pltpu.VMEM((_CHUNK,), jnp.int32),
            pltpu.VMEM((_L,), jnp.float32),
            pltpu.SemaphoreType.DMA,
            pltpu.SemaphoreType.DMA,
        ],
    )


_SPLIT_FRACS = (0.57, 0.43)


def kernel(indices, a_, b_base_, b_diff_, t_):
    pad = _IT_PAD - a_.shape[0]
    a_p = jnp.pad(a_, (0, pad))
    bb_p = jnp.pad(b_base_.reshape(-1), (0, pad))
    bd_p = jnp.pad(b_diff_, ((0, pad), (0, 0))).reshape(-1)
    w = jnp.array([1, 1 << 13, 1 << 10], jnp.int32)
    n = indices.shape[0]
    sizes = [int(f * n) // _CHUNK * _CHUNK for f in _SPLIT_FRACS[:-1]]
    sizes.append(n - sum(sizes))
    total = jnp.float32(0)
    off = 0
    for i, sz in enumerate(sizes):
        sl = lax.slice_in_dim(indices, off, off + sz, axis=0)
        off += sz
        packed = lax.optimization_barrier(jnp.sum(sl * w[None, :], axis=1))
        parts = _make_kernel(sz, n, i == 0)(packed, a_p, bb_p, bd_p, t_)
        total = total + jnp.sum(parts)
    return -total

# --- scband reference (transcript-rebuilt; emitter-appended) ---
"""Pipeline reference for scband-grmmapmodule-78288663871811 (READ-ONLY COPY).

The authoritative reference and input builder live on the scoring server;
editing this copy changes nothing except your own understanding.
"""

import jax, jax.numpy as jnp
import numpy as np

N_ITEMS = 1000
N_PERSONS = 100000
N_GRADES = 5
N_RESPONSES = 2000000


def log_normal(x, mean, std):
    return -jnp.sum(((x - mean) / std) ** 2) / 2.0


def setup_inputs(seed: int = 0) -> dict:
    key = jax.random.key(seed)
    k1, k2, k3, k4, k5, k6, k7 = jax.random.split(key, 7)
    item_idx = jax.random.randint(k1, (N_RESPONSES,), 0, N_ITEMS)
    person_idx = jax.random.randint(k2, (N_RESPONSES,), 0, N_PERSONS)
    resp_idx = jax.random.randint(k3, (N_RESPONSES,), 0, N_GRADES)
    indices = jnp.stack([item_idx, person_idx, resp_idx], axis=1)
    # learned parameters (torch init is zeros; use small random for non-degenerate test)
    a_ = jax.random.normal(k4, (N_ITEMS,), dtype=jnp.float32) * 0.1
    b_base_ = jax.random.normal(k5, (N_ITEMS, 1), dtype=jnp.float32) * 0.1
    b_diff_ = jax.random.normal(k6, (N_ITEMS, N_GRADES - 2), dtype=jnp.float32) * 0.1
    t_ = jax.random.normal(k7, (N_PERSONS,), dtype=jnp.float32) * 0.1
    return {"indices": indices, "a_": a_, "b_base_": b_base_, "b_diff_": b_diff_, "t_": t_}


def reference(indices, a_, b_base_, b_diff_, t_):
    # transformed parameters
    a = jax.nn.softplus(a_)                                             # (n_items,)
    b = jnp.cumsum(jnp.concatenate([b_base_, jax.nn.softplus(b_diff_)], axis=1), axis=1)  # (n_items, n_grades-1)
    t = t_                                                              # (n_persons,)

    item_index = indices[:, 0]
    person_index = indices[:, 1]
    response_index = indices[:, 2]

    log_prior = (log_normal(a, 0.0, 1.0)
                 + log_normal(b, 0.0, 1.0)
                 + log_normal(t, 0.0, 1.0))

    # Graded Response Model log-likelihood (log_likelihood2)
    a_g = jnp.take(a, item_index, axis=0)          # (R,)
    b_g = jnp.take(b, item_index, axis=0)          # (R, n_grades-1)
    t_g = jnp.take(t, person_index, axis=0)        # (R,)
    p_star = jax.nn.sigmoid(a_g[:, None] * (t_g[:, None] - b_g))  # (R, n_grades-1)
    R = indices.shape[0]
    p_full = jnp.concatenate([jnp.ones((R, 1), p_star.dtype), p_star,
                              jnp.zeros((R, 1), p_star.dtype)], axis=1)  # (R, n_grades+1)
    p_lo = jnp.take_along_axis(p_full, response_index[:, None], axis=1)
    p_hi = jnp.take_along_axis(p_full, response_index[:, None] + 1, axis=1)
    p = jnp.squeeze(p_lo - p_hi, axis=1)
    log_likelihood = jnp.sum(jnp.log(jnp.clip(p, 1e-12, None)))

    log_posterior = log_likelihood + log_prior * (indices.shape[0] / N_RESPONSES)
    return -log_posterior

if __name__ == "__main__":
    import jax
    _d = setup_inputs()
    print(jax.jit(kernel)(*tuple(_d.values())))

</pallas_src>

<mosaic_0001>
#map = affine_map<(d0, d1) -> (0)>
#map1 = affine_map<(d0, d1) -> (0, 0)>
module attributes {stable_mosaic.version = 14 : i64} {
  func.func @_body(%arg0: i32, %arg1: i32, %arg2: memref<1140000xi32, #tpu.memory_space<hbm>>, %arg3: memref<1008xf32, #tpu.memory_space<hbm>>, %arg4: memref<1008xf32, #tpu.memory_space<hbm>>, %arg5: memref<3024xf32, #tpu.memory_space<hbm>>, %arg6: memref<100000xf32, #tpu.memory_space<hbm>>, %arg7: memref<32x16xf32, #tpu.memory_space<hbm>>, %arg8: memref<100000xf32, #tpu.memory_space<vmem>>, %arg9: memref<1008xf32, #tpu.memory_space<vmem>>, %arg10: memref<4032xf32, #tpu.memory_space<vmem>>, %arg11: memref<1008xf32, #tpu.memory_space<vmem>>, %arg12: memref<3024xf32, #tpu.memory_space<vmem>>, %arg13: memref<4000xi32, #tpu.memory_space<vmem>>, %arg14: memref<4000xi32, #tpu.memory_space<vmem>>, %arg15: memref<16xf32, #tpu.memory_space<vmem>>, %arg16: memref<!tpu.dma_semaphore, #tpu.memory_space<semaphore_mem>>, %arg17: memref<!tpu.dma_semaphore, #tpu.memory_space<semaphore_mem>>) attributes {dimension_semantics = [#tpu.dimension_semantics<core_parallel>, #tpu.dimension_semantics<subcore_parallel>], iteration_bounds = array<i64: 2, 16>, scalar_prefetch = 0 : i64, scratch_operands = 10 : i64, tpu.core_type = #tpu.core_type<sc_vector_subcore>, window_params = [{transform_indices = #map}, {transform_indices = #map}, {transform_indices = #map}, {transform_indices = #map}, {transform_indices = #map}, {transform_indices = #map1}]} {
    %mul3A = arith.constant 2 : i32
    %mul3A_0 = arith.muli %arg1, %mul3A : i32
    %add3A = arith.addi %mul3A_0, %arg0 : i32
    "tpu.region"() ({
      %run_scoped3A = tpu.sem_alloc : memref<!tpu.dma_semaphore, #tpu.memory_space<semaphore_mem>>
      tpu.enqueue_dma source(%arg6 : memref<100000xf32, #tpu.memory_space<hbm>>) target(%arg8 : memref<100000xf32, #tpu.memory_space<vmem>>) target_semaphore(%run_scoped3A : memref<!tpu.dma_semaphore, #tpu.memory_space<semaphore_mem>>)
      tpu.wait_dma2 semaphore(%run_scoped3A : memref<!tpu.dma_semaphore, #tpu.memory_space<semaphore_mem>>) src(%arg6 : memref<100000xf32, #tpu.memory_space<hbm>>) dst(%arg8 : memref<100000xf32, #tpu.memory_space<vmem>>)
      tpu.yield
    }) : () -> ()
    "tpu.region"() ({
      %run_scoped3A = tpu.sem_alloc : memref<!tpu.dma_semaphore, #tpu.memory_space<semaphore_mem>>
      tpu.enqueue_dma source(%arg3 : memref<1008xf32, #tpu.memory_space<hbm>>) target(%arg9 : memref<1008xf32, #tpu.memory_space<vmem>>) target_semaphore(%run_scoped3A : memref<!tpu.dma_semaphore, #tpu.memory_space<semaphore_mem>>)
      tpu.wait_dma2 semaphore(%run_scoped3A : memref<!tpu.dma_semaphore, #tpu.memory_space<semaphore_mem>>) src(%arg3 : memref<1008xf32, #tpu.memory_space<hbm>>) dst(%arg9 : memref<1008xf32, #tpu.memory_space<vmem>>)
      tpu.yield
    }) : () -> ()
    "tpu.region"() ({
      %run_scoped3A = tpu.sem_alloc : memref<!tpu.dma_semaphore, #tpu.memory_space<semaphore_mem>>
      tpu.enqueue_dma source(%arg4 : memref<1008xf32, #tpu.memory_space<hbm>>) target(%arg11 : memref<1008xf32, #tpu.memory_space<vmem>>) target_semaphore(%run_scoped3A : memref<!tpu.dma_semaphore, #tpu.memory_space<semaphore_mem>>)
      tpu.wait_dma2 semaphore(%run_scoped3A : memref<!tpu.dma_semaphore, #tpu.memory_space<semaphore_mem>>) src(%arg4 : memref<1008xf32, #tpu.memory_space<hbm>>) dst(%arg11 : memref<1008xf32, #tpu.memory_space<vmem>>)
      tpu.yield
    }) : () -> ()
    "tpu.region"() ({
      %run_scoped3A = tpu.sem_alloc : memref<!tpu.dma_semaphore, #tpu.memory_space<semaphore_mem>>
      tpu.enqueue_dma source(%arg5 : memref<3024xf32, #tpu.memory_space<hbm>>) target(%arg12 : memref<3024xf32, #tpu.memory_space<vmem>>) target_semaphore(%run_scoped3A : memref<!tpu.dma_semaphore, #tpu.memory_space<semaphore_mem>>)
      tpu.wait_dma2 semaphore(%run_scoped3A : memref<!tpu.dma_semaphore, #tpu.memory_space<semaphore_mem>>) src(%arg5 : memref<3024xf32, #tpu.memory_space<hbm>>) dst(%arg12 : memref<3024xf32, #tpu.memory_space<vmem>>)
      tpu.yield
    }) : () -> ()
    %iota3A = tpu.iota {dimensions = array<i32: 0>} : vector<16xi32>
    %broadcast_in_dim3A = vector.broadcast %add3A : i32 to vector<16xi32>
    %eq3A = arith.constant 0 : i32
    %eq3A_1 = vector.broadcast %eq3A : i32 to vector<16xi32>
    %eq3A_2 = arith.cmpi eq, %broadcast_in_dim3A, %eq3A_1 : vector<16xi32>
    %broadcast_in_dim3A_3 = arith.constant 0.000000e+00 : f32
    %broadcast_in_dim3A_4 = vector.broadcast %broadcast_in_dim3A_3 : f32 to vector<16xf32>
    %scan3A = arith.constant 0 : i32
    %scan3A_5 = arith.constant 63 : i32
    %scan3A_6 = arith.addi %scan3A, %scan3A_5 : i32
    %scan3A_7 = arith.constant 1 : i32
    %scan3A_8 = scf.for %scan3A_32 = %scan3A to %scan3A_6 step %scan3A_7 iter_args(%scan3A_33 = %broadcast_in_dim3A_4) -> (vector<16xf32>)  : i32 {
      %mul3A_34 = arith.constant 16 : i32
      %mul3A_35 = arith.muli %scan3A_32, %mul3A_34 : i32
      %add3A_36 = vector.broadcast %mul3A_35 : i32 to vector<16xi32>
      %add3A_37 = arith.addi %iota3A, %add3A_36 : vector<16xi32>
      %gather3A = tpu.vector_load_idx %arg9[%add3A_37] : memref<1008xf32, #tpu.memory_space<vmem>>[vector<16xi32>], vector<16xf32>,
      %max3A = arith.constant 0.000000e+00 : f32
      %max3A_38 = vector.broadcast %max3A : f32 to vector<16xf32>
      %max3A_39 = arith.maximumf %gather3A, %max3A_38 : vector<16xf32>
      %abs3A = math.absf %gather3A : vector<16xf32>
      %neg3A = arith.constant 0.000000e+00 : f32
      %neg3A_40 = vector.broadcast %neg3A : f32 to vector<16xf32>
      %neg3A_41 = arith.subf %neg3A_40, %abs3A : vector<16xf32>
      %exp3A = math.exp %neg3A_41 : vector<16xf32>
      %add3A_42 = arith.constant 1.000000e+00 : f32
      %add3A_43 = vector.broadcast %add3A_42 : f32 to vector<16xf32>
      %add3A_44 = arith.addf %add3A_43, %exp3A : vector<16xf32>
      %bitcast_convert_type3A = tpu.bitcast %add3A_44 : vector<16xf32> -> vector<16xi32>
      %shift_right_arithmetic3A = arith.constant 23 : i32
      %shift_right_arithmetic3A_45 = vector.broadcast %shift_right_arithmetic3A : i32 to vector<16xi32>
      %shift_right_arithmetic3A_46 = arith.shrsi %bitcast_convert_type3A, %shift_right_arithmetic3A_45 : vector<16xi32>
      %sub3A_47 = arith.constant 127 : i32
      %sub3A_48 = vector.broadcast %sub3A_47 : i32 to vector<16xi32>
      %sub3A_49 = arith.subi %shift_right_arithmetic3A_46, %sub3A_48 : vector<16xi32>
      %and3A = arith.constant 8388607 : i32
      %and3A_50 = vector.broadcast %and3A : i32 to vector<16xi32>
      %and3A_51 = arith.andi %bitcast_convert_type3A, %and3A_50 : vector<16xi32>
      %or3A = arith.constant 1065353216 : i32
      %or3A_52 = vector.broadcast %or3A : i32 to vector<16xi32>
      %or3A_53 = arith.ori %and3A_51, %or3A_52 : vector<16xi32>
      %bitcast_convert_type3A_54 = tpu.bitcast %or3A_53 : vector<16xi32> -> vector<16xf32>
      %sub3A_55 = arith.constant 1.000000e+00 : f32
      %sub3A_56 = vector.broadcast %sub3A_55 : f32 to vector<16xf32>
      %sub3A_57 = arith.subf %bitcast_convert_type3A_54, %sub3A_56 : vector<16xf32>
      %mul3A_58 = arith.constant 0.0415508077 : f32
      %mul3A_59 = vector.broadcast %mul3A_58 : f32 to vector<16xf32>
      %mul3A_60 = arith.mulf %mul3A_59, %sub3A_57 : vector<16xf32>
      %add3A_61 = arith.constant -0.157837749 : f32
      %add3A_62 = vector.broadcast %add3A_61 : f32 to vector<16xf32>
      %add3A_63 = arith.addf %mul3A_60, %add3A_62 : vector<16xf32>
      %mul3A_64 = arith.mulf %add3A_63, %sub3A_57 : vector<16xf32>
      %add3A_65 = arith.constant 0.306560695 : f32
      %add3A_66 = vector.broadcast %add3A_65 : f32 to vector<16xf32>
      %add3A_67 = arith.addf %mul3A_64, %add3A_66 : vector<16xf32>
      %mul3A_68 = arith.mulf %add3A_67, %sub3A_57 : vector<16xf32>
      %add3A_69 = arith.constant -0.497030735 : f32
      %add3A_70 = vector.broadcast %add3A_69 : f32 to vector<16xf32>
      %add3A_71 = arith.addf %mul3A_68, %add3A_70 : vector<16xf32>
      %mul3A_72 = arith.mulf %add3A_71, %sub3A_57 : vector<16xf32>
      %add3A_73 = arith.constant 0.999944984 : f32
      %add3A_74 = vector.broadcast %add3A_73 : f32 to vector<16xf32>
      %add3A_75 = arith.addf %mul3A_72, %add3A_74 : vector<16xf32>
      %mul3A_76 = arith.mulf %sub3A_57, %add3A_75 : vector<16xf32>
      %convert_element_type3A = arith.sitofp %sub3A_49 : vector<16xi32> to vector<16xf32>
      %mul3A_77 = arith.constant 0.693147182 : f32
      %mul3A_78 = vector.broadcast %mul3A_77 : f32 to vector<16xf32>
      %mul3A_79 = arith.mulf %convert_element_type3A, %mul3A_78 : vector<16xf32>
      %add3A_80 = arith.addf %mul3A_76, %mul3A_79 : vector<16xf32>
      %add3A_81 = arith.addf %max3A_39, %add3A_80 : vector<16xf32>
      tpu.vector_store_idx %arg9[%add3A_37], %add3A_81 : memref<1008xf32, #tpu.memory_space<vmem>>[vector<16xi32>], vector<16xf32>,
      %mul3A_82 = arith.constant 3 : i32
      %mul3A_83 = vector.broadcast %mul3A_82 : i32 to vector<16xi32>
      %mul3A_84 = arith.muli %add3A_37, %mul3A_83 : vector<16xi32>
      %mul3A_85 = arith.constant 4 : i32
      %mul3A_86 = vector.broadcast %mul3A_85 : i32 to vector<16xi32>
      %mul3A_87 = arith.muli %add3A_37, %mul3A_86 : vector<16xi32>
      %gather3A_88 = tpu.vector_load_idx %arg11[%add3A_37] : memref<1008xf32, #tpu.memory_space<vmem>>[vector<16xi32>], vector<16xf32>,
      %gather3A_89 = tpu.vector_load_idx %arg12[%mul3A_84] : memref<3024xf32, #tpu.memory_space<vmem>>[vector<16xi32>], vector<16xf32>,
      %add3A_90 = arith.constant 1 : i32
      %add3A_91 = vector.broadcast %add3A_90 : i32 to vector<16xi32>
      %add3A_92 = arith.addi %mul3A_84, %add3A_91 : vector<16xi32>
      %gather3A_93 = tpu.vector_load_idx %arg12[%add3A_92] : memref<3024xf32, #tpu.memory_space<vmem>>[vector<16xi32>], vector<16xf32>,
      %add3A_94 = arith.constant 2 : i32
      %add3A_95 = vector.broadcast %add3A_94 : i32 to vector<16xi32>
      %add3A_96 = arith.addi %mul3A_84, %add3A_95 : vector<16xi32>
      %gather3A_97 = tpu.vector_load_idx %arg12[%add3A_96] : memref<3024xf32, #tpu.memory_space<vmem>>[vector<16xi32>], vector<16xf32>,
      %max3A_98 = arith.constant 0.000000e+00 : f32
      %max3A_99 = vector.broadcast %max3A_98 : f32 to vector<16xf32>
      %max3A_100 = arith.maximumf %gather3A_89, %max3A_99 : vector<16xf32>
      %abs3A_101 = math.absf %gather3A_89 : vector<16xf32>
      %neg3A_102 = arith.constant 0.000000e+00 : f32
      %neg3A_103 = vector.broadcast %neg3A_102 : f32 to vector<16xf32>
      %neg3A_104 = arith.subf %neg3A_103, %abs3A_101 : vector<16xf32>
      %exp3A_105 = math.exp %neg3A_104 : vector<16xf32>
      %add3A_106 = arith.constant 1.000000e+00 : f32
      %add3A_107 = vector.broadcast %add3A_106 : f32 to vector<16xf32>
      %add3A_108 = arith.addf %add3A_107, %exp3A_105 : vector<16xf32>
      %bitcast_convert_type3A_109 = tpu.bitcast %add3A_108 : vector<16xf32> -> vector<16xi32>
      %shift_right_arithmetic3A_110 = arith.constant 23 : i32
      %shift_right_arithmetic3A_111 = vector.broadcast %shift_right_arithmetic3A_110 : i32 to vector<16xi32>
      %shift_right_arithmetic3A_112 = arith.shrsi %bitcast_convert_type3A_109, %shift_right_arithmetic3A_111 : vector<16xi32>
      %sub3A_113 = arith.constant 127 : i32
      %sub3A_114 = vector.broadcast %sub3A_113 : i32 to vector<16xi32>
      %sub3A_115 = arith.subi %shift_right_arithmetic3A_112, %sub3A_114 : vector<16xi32>
      %and3A_116 = arith.constant 8388607 : i32
      %and3A_117 = vector.broadcast %and3A_116 : i32 to vector<16xi32>
      %and3A_118 = arith.andi %bitcast_convert_type3A_109, %and3A_117 : vector<16xi32>
      %or3A_119 = arith.constant 1065353216 : i32
      %or3A_120 = vector.broadcast %or3A_119 : i32 to vector<16xi32>
      %or3A_121 = arith.ori %and3A_118, %or3A_120 : vector<16xi32>
      %bitcast_convert_type3A_122 = tpu.bitcast %or3A_121 : vector<16xi32> -> vector<16xf32>
      %sub3A_123 = arith.constant 1.000000e+00 : f32
      %sub3A_124 = vector.broadcast %sub3A_123 : f32 to vector<16xf32>
      %sub3A_125 = arith.subf %bitcast_convert_type3A_122, %sub3A_124 : vector<16xf32>
      %mul3A_126 = arith.constant 0.0415508077 : f32
      %mul3A_127 = vector.broadcast %mul3A_126 : f32 to vector<16xf32>
      %mul3A_128 = arith.mulf %mul3A_127, %sub3A_125 : vector<16xf32>
      %add3A_129 = arith.constant -0.157837749 : f32
      %add3A_130 = vector.broadcast %add3A_129 : f32 to vector<16xf32>
      %add3A_131 = arith.addf %mul3A_128, %add3A_130 : vector<16xf32>
      %mul3A_132 = arith.mulf %add3A_131, %sub3A_125 : vector<16xf32>
      %add3A_133 = arith.constant 0.306560695 : f32
      %add3A_134 = vector.broadcast %add3A_133 : f32 to vector<16xf32>
      %add3A_135 = arith.addf %mul3A_132, %add3A_134 : vector<16xf32>
      %mul3A_136 = arith.mulf %add3A_135, %sub3A_125 : vector<16xf32>
      %add3A_137 = arith.constant -0.497030735 : f32
      %add3A_138 = vector.broadcast %add3A_137 : f32 to vector<16xf32>
      %add3A_139 = arith.addf %mul3A_136, %add3A_138 : vector<16xf32>
      %mul3A_140 = arith.mulf %add3A_139, %sub3A_125 : vector<16xf32>
      %add3A_141 = arith.constant 0.999944984 : f32
      %add3A_142 = vector.broadcast %add3A_141 : f32 to vector<16xf32>
      %add3A_143 = arith.addf %mul3A_140, %add3A_142 : vector<16xf32>
      %mul3A_144 = arith.mulf %sub3A_125, %add3A_143 : vector<16xf32>
      %convert_element_type3A_145 = arith.sitofp %sub3A_115 : vector<16xi32> to vector<16xf32>
      %mul3A_146 = arith.constant 0.693147182 : f32
      %mul3A_147 = vector.broadcast %mul3A_146 : f32 to vector<16xf32>
      %mul3A_148 = arith.mulf %convert_element_type3A_145, %mul3A_147 : vector<16xf32>
      %add3A_149 = arith.addf %mul3A_144, %mul3A_148 : vector<16xf32>
      %add3A_150 = arith.addf %max3A_100, %add3A_149 : vector<16xf32>
      %add3A_151 = arith.addf %gather3A_88, %add3A_150 : vector<16xf32>
      %max3A_152 = arith.constant 0.000000e+00 : f32
      %max3A_153 = vector.broadcast %max3A_152 : f32 to vector<16xf32>
      %max3A_154 = arith.maximumf %gather3A_93, %max3A_153 : vector<16xf32>
      %abs3A_155 = math.absf %gather3A_93 : vector<16xf32>
      %neg3A_156 = arith.constant 0.000000e+00 : f32
      %neg3A_157 = vector.broadcast %neg3A_156 : f32 to vector<16xf32>
      %neg3A_158 = arith.subf %neg3A_157, %abs3A_155 : vector<16xf32>
      %exp3A_159 = math.exp %neg3A_158 : vector<16xf32>
      %add3A_160 = arith.constant 1.000000e+00 : f32
      %add3A_161 = vector.broadcast %add3A_160 : f32 to vector<16xf32>
      %add3A_162 = arith.addf %add3A_161, %exp3A_159 : vector<16xf32>
      %bitcast_convert_type3A_163 = tpu.bitcast %add3A_162 : vector<16xf32> -> vector<16xi32>
      %shift_right_arithmetic3A_164 = arith.constant 23 : i32
      %shift_right_arithmetic3A_165 = vector.broadcast %shift_right_arithmetic3A_164 : i32 to vector<16xi32>
      %shift_right_arithmetic3A_166 = arith.shrsi %bitcast_convert_type3A_163, %shift_right_arithmetic3A_165 : vector<16xi32>
      %sub3A_167 = arith.constant 127 : i32
      %sub3A_168 = vector.broadcast %sub3A_167 : i32 to vector<16xi32>
      %sub3A_169 = arith.subi %shift_right_arithmetic3A_166, %sub3A_168 : vector<16xi32>
      %and3A_170 = arith.constant 8388607 : i32
      %and3A_171 = vector.broadcast %and3A_170 : i32 to vector<16xi32>
      %and3A_172 = arith.andi %bitcast_convert_type3A_163, %and3A_171 : vector<16xi32>
      %or3A_173 = arith.constant 1065353216 : i32
      %or3A_174 = vector.broadcast %or3A_173 : i32 to vector<16xi32>
      %or3A_175 = arith.ori %and3A_172, %or3A_174 : vector<16xi32>
      %bitcast_convert_type3A_176 = tpu.bitcast %or3A_175 : vector<16xi32> -> vector<16xf32>
      %sub3A_177 = arith.constant 1.000000e+00 : f32
      %sub3A_178 = vector.broadcast %sub3A_177 : f32 to vector<16xf32>
      %sub3A_179 = arith.subf %bitcast_convert_type3A_176, %sub3A_178 : vector<16xf32>
      %mul3A_180 = arith.constant 0.0415508077 : f32
      %mul3A_181 = vector.broadcast %mul3A_180 : f32 to vector<16xf32>
      %mul3A_182 = arith.mulf %mul3A_181, %sub3A_179 : vector<16xf32>
      %add3A_183 = arith.constant -0.157837749 : f32
      %add3A_184 = vector.broadcast %add3A_183 : f32 to vector<16xf32>
      %add3A_185 = arith.addf %mul3A_182, %add3A_184 : vector<16xf32>
      %mul3A_186 = arith.mulf %add3A_185, %sub3A_179 : vector<16xf32>
      %add3A_187 = arith.constant 0.306560695 : f32
      %add3A_188 = vector.broadcast %add3A_187 : f32 to vector<16xf32>
      %add3A_189 = arith.addf %mul3A_186, %add3A_188 : vector<16xf32>
      %mul3A_190 = arith.mulf %add3A_189, %sub3A_179 : vector<16xf32>
      %add3A_191 = arith.constant -0.497030735 : f32
      %add3A_192 = vector.broadcast %add3A_191 : f32 to vector<16xf32>
      %add3A_193 = arith.addf %mul3A_190, %add3A_192 : vector<16xf32>
      %mul3A_194 = arith.mulf %add3A_193, %sub3A_179 : vector<16xf32>
      %add3A_195 = arith.constant 0.999944984 : f32
      %add3A_196 = vector.broadcast %add3A_195 : f32 to vector<16xf32>
      %add3A_197 = arith.addf %mul3A_194, %add3A_196 : vector<16xf32>
      %mul3A_198 = arith.mulf %sub3A_179, %add3A_197 : vector<16xf32>
      %convert_element_type3A_199 = arith.sitofp %sub3A_169 : vector<16xi32> to vector<16xf32>
      %mul3A_200 = arith.constant 0.693147182 : f32
      %mul3A_201 = vector.broadcast %mul3A_200 : f32 to vector<16xf32>
      %mul3A_202 = arith.mulf %convert_element_type3A_199, %mul3A_201 : vector<16xf32>
      %add3A_203 = arith.addf %mul3A_198, %mul3A_202 : vector<16xf32>
      %add3A_204 = arith.addf %max3A_154, %add3A_203 : vector<16xf32>
      %add3A_205 = arith.addf %add3A_151, %add3A_204 : vector<16xf32>
      %max3A_206 = arith.constant 0.000000e+00 : f32
      %max3A_207 = vector.broadcast %max3A_206 : f32 to vector<16xf32>
      %max3A_208 = arith.maximumf %gather3A_97, %max3A_207 : vector<16xf32>
      %abs3A_209 = math.absf %gather3A_97 : vector<16xf32>
      %neg3A_210 = arith.constant 0.000000e+00 : f32
      %neg3A_211 = vector.broadcast %neg3A_210 : f32 to vector<16xf32>
      %neg3A_212 = arith.subf %neg3A_211, %abs3A_209 : vector<16xf32>
      %exp3A_213 = math.exp %neg3A_212 : vector<16xf32>
      %add3A_214 = arith.constant 1.000000e+00 : f32
      %add3A_215 = vector.broadcast %add3A_214 : f32 to vector<16xf32>
      %add3A_216 = arith.addf %add3A_215, %exp3A_213 : vector<16xf32>
      %bitcast_convert_type3A_217 = tpu.bitcast %add3A_216 : vector<16xf32> -> vector<16xi32>
      %shift_right_arithmetic3A_218 = arith.constant 23 : i32
      %shift_right_arithmetic3A_219 = vector.broadcast %shift_right_arithmetic3A_218 : i32 to vector<16xi32>
      %shift_right_arithmetic3A_220 = arith.shrsi %bitcast_convert_type3A_217, %shift_right_arithmetic3A_219 : vector<16xi32>
      %sub3A_221 = arith.constant 127 : i32
      %sub3A_222 = vector.broadcast %sub3A_221 : i32 to vector<16xi32>
      %sub3A_223 = arith.subi %shift_right_arithmetic3A_220, %sub3A_222 : vector<16xi32>
      %and3A_224 = arith.constant 8388607 : i32
      %and3A_225 = vector.broadcast %and3A_224 : i32 to vector<16xi32>
      %and3A_226 = arith.andi %bitcast_convert_type3A_217, %and3A_225 : vector<16xi32>
      %or3A_227 = arith.constant 1065353216 : i32
      %or3A_228 = vector.broadcast %or3A_227 : i32 to vector<16xi32>
      %or3A_229 = arith.ori %and3A_226, %or3A_228 : vector<16xi32>
      %bitcast_convert_type3A_230 = tpu.bitcast %or3A_229 : vector<16xi32> -> vector<16xf32>
      %sub3A_231 = arith.constant 1.000000e+00 : f32
      %sub3A_232 = vector.broadcast %sub3A_231 : f32 to vector<16xf32>
      %sub3A_233 = arith.subf %bitcast_convert_type3A_230, %sub3A_232 : vector<16xf32>
      %mul3A_234 = arith.constant 0.0415508077 : f32
      %mul3A_235 = vector.broadcast %mul3A_234 : f32 to vector<16xf32>
      %mul3A_236 = arith.mulf %mul3A_235, %sub3A_233 : vector<16xf32>
      %add3A_237 = arith.constant -0.157837749 : f32
      %add3A_238 = vector.broadcast %add3A_237 : f32 to vector<16xf32>
      %add3A_239 = arith.addf %mul3A_236, %add3A_238 : vector<16xf32>
      %mul3A_240 = arith.mulf %add3A_239, %sub3A_233 : vector<16xf32>
      %add3A_241 = arith.constant 0.306560695 : f32
      %add3A_242 = vector.broadcast %add3A_241 : f32 to vector<16xf32>
      %add3A_243 = arith.addf %mul3A_240, %add3A_242 : vector<16xf32>
      %mul3A_244 = arith.mulf %add3A_243, %sub3A_233 : vector<16xf32>
      %add3A_245 = arith.constant -0.497030735 : f32
      %add3A_246 = vector.broadcast %add3A_245 : f32 to vector<16xf32>
      %add3A_247 = arith.addf %mul3A_244, %add3A_246 : vector<16xf32>
      %mul3A_248 = arith.mulf %add3A_247, %sub3A_233 : vector<16xf32>
      %add3A_249 = arith.constant 0.999944984 : f32
      %add3A_250 = vector.broadcast %add3A_249 : f32 to vector<16xf32>
      %add3A_251 = arith.addf %mul3A_248, %add3A_250 : vector<16xf32>
      %mul3A_252 = arith.mulf %sub3A_233, %add3A_251 : vector<16xf32>
      %convert_element_type3A_253 = arith.sitofp %sub3A_223 : vector<16xi32> to vector<16xf32>
      %mul3A_254 = arith.constant 0.693147182 : f32
      %mul3A_255 = vector.broadcast %mul3A_254 : f32 to vector<16xf32>
      %mul3A_256 = arith.mulf %convert_element_type3A_253, %mul3A_255 : vector<16xf32>
      %add3A_257 = arith.addf %mul3A_252, %mul3A_256 : vector<16xf32>
      %add3A_258 = arith.addf %max3A_208, %add3A_257 : vector<16xf32>
      %add3A_259 = arith.addf %add3A_205, %add3A_258 : vector<16xf32>
      tpu.vector_store_idx %arg10[%mul3A_87], %gather3A_88 : memref<4032xf32, #tpu.memory_space<vmem>>[vector<16xi32>], vector<16xf32>,
      %add3A_260 = arith.constant 1 : i32
      %add3A_261 = vector.broadcast %add3A_260 : i32 to vector<16xi32>
      %add3A_262 = arith.addi %mul3A_87, %add3A_261 : vector<16xi32>
      tpu.vector_store_idx %arg10[%add3A_262], %add3A_151 : memref<4032xf32, #tpu.memory_space<vmem>>[vector<16xi32>], vector<16xf32>,
      %add3A_263 = arith.constant 2 : i32
      %add3A_264 = vector.broadcast %add3A_263 : i32 to vector<16xi32>
      %add3A_265 = arith.addi %mul3A_87, %add3A_264 : vector<16xi32>
      tpu.vector_store_idx %arg10[%add3A_265], %add3A_205 : memref<4032xf32, #tpu.memory_space<vmem>>[vector<16xi32>], vector<16xf32>,
      %add3A_266 = arith.constant 3 : i32
      %add3A_267 = vector.broadcast %add3A_266 : i32 to vector<16xi32>
      %add3A_268 = arith.addi %mul3A_87, %add3A_267 : vector<16xi32>
      tpu.vector_store_idx %arg10[%add3A_268], %add3A_259 : memref<4032xf32, #tpu.memory_space<vmem>>[vector<16xi32>], vector<16xf32>,
      %lt3A = arith.constant 1000 : i32
      %lt3A_269 = vector.broadcast %lt3A : i32 to vector<16xi32>
      %lt3A_270 = arith.cmpi slt, %add3A_37, %lt3A_269 : vector<16xi32>
      %and3A_271 = arith.andi %lt3A_270, %eq3A_2 : vector<16xi1>
      %mul3A_272 = arith.mulf %add3A_81, %add3A_81 : vector<16xf32>
      %mul3A_273 = arith.mulf %gather3A_88, %gather3A_88 : vector<16xf32>
      %add3A_274 = arith.addf %mul3A_272, %mul3A_273 : vector<16xf32>
      %mul3A_275 = arith.mulf %add3A_151, %add3A_151 : vector<16xf32>
      %add3A_276 = arith.addf %add3A_274, %mul3A_275 : vector<16xf32>
      %mul3A_277 = arith.mulf %add3A_205, %add3A_205 : vector<16xf32>
      %add3A_278 = arith.addf %add3A_276, %mul3A_277 : vector<16xf32>
      %mul3A_279 = arith.mulf %add3A_259, %add3A_259 : vector<16xf32>
      %add3A_280 = arith.addf %add3A_278, %mul3A_279 : vector<16xf32>
      %jit3A = arith.constant 0.000000e+00 : f32
      %broadcast_in_dim3A_281 = vector.broadcast %jit3A : f32 to vector<16xf32>
      %select_n3A = arith.select %and3A_271, %add3A_280, %broadcast_in_dim3A_281 : vector<16xi1>, vector<16xf32>
      %add3A_282 = arith.addf %scan3A_33, %select_n3A : vector<16xf32>
      scf.yield %add3A_282 : vector<16xf32>
    }
    %scan3A_9 = arith.constant 63 : i32
    %scan3A_10 = arith.constant 0 : i32
    %scan3A_11 = arith.constant 196 : i32
    %scan3A_12 = arith.addi %scan3A_10, %scan3A_11 : i32
    %scan3A_13 = arith.constant 1 : i32
    %scan3A_14 = scf.for %scan3A_32 = %scan3A_10 to %scan3A_12 step %scan3A_13 iter_args(%scan3A_33 = %scan3A_8) -> (vector<16xf32>)  : i32 {
      %mul3A_34 = arith.constant 32 : i32
      %mul3A_35 = arith.muli %scan3A_32, %mul3A_34 : i32
      %add3A_36 = arith.addi %add3A, %mul3A_35 : i32
      %mul3A_37 = arith.constant 16 : i32
      %mul3A_38 = arith.muli %add3A_36, %mul3A_37 : i32
      %add3A_39 = vector.broadcast %mul3A_38 : i32 to vector<16xi32>
      %add3A_40 = arith.addi %add3A_39, %iota3A : vector<16xi32>
      %lt3A = arith.constant 100000 : i32
      %lt3A_41 = vector.broadcast %lt3A : i32 to vector<16xi32>
      %lt3A_42 = arith.cmpi slt, %add3A_40, %lt3A_41 : vector<16xi32>
      %jit3A = arith.constant 0 : i32
      %broadcast_in_dim3A_43 = vector.broadcast %jit3A : i32 to vector<16xi32>
      %select_n3A = arith.select %lt3A_42, %add3A_40, %broadcast_in_dim3A_43 : vector<16xi1>, vector<16xi32>
      %gather3A = tpu.vector_load_idx %arg8[%select_n3A] : memref<100000xf32, #tpu.memory_space<vmem>>[vector<16xi32>], vector<16xf32>,
      %mul3A_44 = arith.mulf %gather3A, %gather3A : vector<16xf32>
      %jit3A_45 = arith.constant 0.000000e+00 : f32
      %broadcast_in_dim3A_46 = vector.broadcast %jit3A_45 : f32 to vector<16xf32>
      %select_n3A_47 = arith.select %lt3A_42, %mul3A_44, %broadcast_in_dim3A_46 : vector<16xi1>, vector<16xf32>
      %add3A_48 = arith.addf %scan3A_33, %select_n3A_47 : vector<16xf32>
      scf.yield %add3A_48 : vector<16xf32>
    }
    %scan3A_15 = arith.constant 196 : i32
    %min3A = arith.constant 284 : i32
    %min3A_16 = arith.minsi %add3A, %min3A : i32
    %mul3A_17 = arith.constant 4000 : i32
    %mul3A_18 = arith.muli %min3A_16, %mul3A_17 : i32
    %dma_start3A = tpu.memref_slice %arg2[%mul3A_18] : memref<1140000xi32, #tpu.memory_space<hbm>> -> memref<4000xi32, #tpu.memory_space<hbm>>
    %dma_start3A_19 = tpu.memref_slice %arg2[%mul3A_18] : memref<1140000xi32, #tpu.memory_space<hbm>> -> memref<4000xi32, #tpu.memory_space<hbm>>
    tpu.enqueue_dma source(%dma_start3A_19 : memref<4000xi32, #tpu.memory_space<hbm>>) target(%arg13 : memref<4000xi32, #tpu.memory_space<vmem>>) target_semaphore(%arg16 : memref<!tpu.dma_semaphore, #tpu.memory_space<semaphore_mem>>)
    %broadcast_in_dim3A_20 = arith.constant 0.000000e+00 : f32
    %broadcast_in_dim3A_21 = vector.broadcast %broadcast_in_dim3A_20 : f32 to vector<16xf32>
    %scan3A_22 = arith.constant 0 : i32
    %scan3A_23 = arith.constant 5 : i32
    %scan3A_24 = arith.addi %scan3A_22, %scan3A_23 : i32
    %scan3A_25 = arith.constant 1 : i32
    %scan3A_26 = scf.for %scan3A_32 = %scan3A_22 to %scan3A_24 step %scan3A_25 iter_args(%scan3A_33 = %broadcast_in_dim3A_21) -> (vector<16xf32>)  : i32 {
      %mul3A_34 = arith.constant 2 : i32
      %mul3A_35 = arith.muli %scan3A_32, %mul3A_34 : i32
      %mul3A_36 = arith.constant 32 : i32
      %mul3A_37 = arith.muli %mul3A_35, %mul3A_36 : i32
      %add3A_38 = arith.addi %add3A, %mul3A_37 : i32
      %add3A_39 = arith.constant 32 : i32
      %add3A_40 = arith.addi %add3A_38, %add3A_39 : i32
      %min3A_41 = arith.constant 284 : i32
      %min3A_42 = arith.minsi %add3A_40, %min3A_41 : i32
      %mul3A_43 = arith.constant 4000 : i32
      %mul3A_44 = arith.muli %min3A_42, %mul3A_43 : i32
      %dma_start3A_45 = tpu.memref_slice %arg2[%mul3A_44] : memref<1140000xi32, #tpu.memory_space<hbm>> -> memref<4000xi32, #tpu.memory_space<hbm>>
      %dma_start3A_46 = tpu.memref_slice %arg2[%mul3A_44] : memref<1140000xi32, #tpu.memory_space<hbm>> -> memref<4000xi32, #tpu.memory_space<hbm>>
      tpu.enqueue_dma source(%dma_start3A_46 : memref<4000xi32, #tpu.memory_space<hbm>>) target(%arg14 : memref<4000xi32, #tpu.memory_space<vmem>>) target_semaphore(%arg17 : memref<!tpu.dma_semaphore, #tpu.memory_space<semaphore_mem>>)
      %dma_wait3A = arith.constant 0 : i32
      %dma_wait3A_47 = tpu.memref_slice %arg2[%dma_wait3A] : memref<1140000xi32, #tpu.memory_space<hbm>> -> memref<4000xi32, #tpu.memory_space<hbm>>
      %dma_wait3A_48 = arith.constant 0 : i32
      %dma_wait3A_49 = tpu.memref_slice %arg2[%dma_wait3A_48] : memref<1140000xi32, #tpu.memory_space<hbm>> -> memref<4000xi32, #tpu.memory_space<hbm>>
      tpu.wait_dma2 semaphore(%arg16 : memref<!tpu.dma_semaphore, #tpu.memory_space<semaphore_mem>>) src(%dma_wait3A_49 : memref<4000xi32, #tpu.memory_space<hbm>>) dst(%arg13 : memref<4000xi32, #tpu.memory_space<vmem>>)
      %broadcast_in_dim3A_50 = vector.broadcast %add3A_38 : i32 to vector<16xi32>
      %lt3A = arith.constant 285 : i32
      %lt3A_51 = vector.broadcast %lt3A : i32 to vector<16xi32>
      %lt3A_52 = arith.cmpi slt, %broadcast_in_dim3A_50, %lt3A_51 : vector<16xi32>
      %broadcast_in_dim3A_53 = arith.constant 1.000000e+00 : f32
      %broadcast_in_dim3A_54 = vector.broadcast %broadcast_in_dim3A_53 : f32 to vector<16xf32>
      %broadcast_in_dim3A_55 = arith.constant 0 : i32
      %broadcast_in_dim3A_56 = vector.broadcast %broadcast_in_dim3A_55 : i32 to vector<16xi32>
      %scan3A_57 = arith.constant 0 : i32
      %scan3A_58 = arith.constant 250 : i32
      %scan3A_59 = arith.addi %scan3A_57, %scan3A_58 : i32
      %scan3A_60 = arith.constant 1 : i32
      %scan3A_61:2 = scf.for %scan3A_188 = %scan3A_57 to %scan3A_59 step %scan3A_60 iter_args(%scan3A_189 = %broadcast_in_dim3A_54, %scan3A_190 = %broadcast_in_dim3A_56) -> (vector<16xf32>, vector<16xi32>)  : i32 {
        %mul3A_191 = arith.constant 16 : i32
        %mul3A_192 = arith.muli %scan3A_188, %mul3A_191 : i32
        %add3A_193 = vector.broadcast %mul3A_192 : i32 to vector<16xi32>
        %add3A_194 = arith.addi %iota3A, %add3A_193 : vector<16xi32>
        %gather3A = tpu.vector_load_idx %arg13[%add3A_194] : memref<4000xi32, #tpu.memory_space<vmem>>[vector<16xi32>], vector<16xi32>,
        %and3A_195 = arith.constant 1023 : i32
        %and3A_196 = vector.broadcast %and3A_195 : i32 to vector<16xi32>
        %and3A_197 = arith.andi %gather3A, %and3A_196 : vector<16xi32>
        %shift_right_arithmetic3A_198 = arith.constant 10 : i32
        %shift_right_arithmetic3A_199 = vector.broadcast %shift_right_arithmetic3A_198 : i32 to vector<16xi32>
        %shift_right_arithmetic3A_200 = arith.shrsi %gather3A, %shift_right_arithmetic3A_199 : vector<16xi32>
        %and3A_201 = arith.constant 7 : i32
        %and3A_202 = vector.broadcast %and3A_201 : i32 to vector<16xi32>
        %and3A_203 = arith.andi %shift_right_arithmetic3A_200, %and3A_202 : vector<16xi32>
        %shift_right_arithmetic3A_204 = arith.constant 13 : i32
        %shift_right_arithmetic3A_205 = vector.broadcast %shift_right_arithmetic3A_204 : i32 to vector<16xi32>
        %shift_right_arithmetic3A_206 = arith.shrsi %gather3A, %shift_right_arithmetic3A_205 : vector<16xi32>
        %gather3A_207 = tpu.vector_load_idx %arg8[%shift_right_arithmetic3A_206] : memref<100000xf32, #tpu.memory_space<vmem>>[vector<16xi32>], vector<16xf32>,
        %gather3A_208 = tpu.vector_load_idx %arg9[%and3A_197] : memref<1008xf32, #tpu.memory_space<vmem>>[vector<16xi32>], vector<16xf32>,
        %mul3A_209 = arith.constant 4 : i32
        %mul3A_210 = vector.broadcast %mul3A_209 : i32 to vector<16xi32>
        %mul3A_211 = arith.muli %and3A_197, %mul3A_210 : vector<16xi32>
        %sub3A_212 = arith.constant 1 : i32
        %sub3A_213 = vector.broadcast %sub3A_212 : i32 to vector<16xi32>
        %sub3A_214 = arith.subi %and3A_203, %sub3A_213 : vector<16xi32>
        %max3A = arith.constant 0 : i32
        %max3A_215 = vector.broadcast %max3A : i32 to vector<16xi32>
        %max3A_216 = arith.maxsi %sub3A_214, %max3A_215 : vector<16xi32>
        %add3A_217 = arith.addi %mul3A_211, %max3A_216 : vector<16xi32>
        %gather3A_218 = tpu.vector_load_idx %arg10[%add3A_217] : memref<4032xf32, #tpu.memory_space<vmem>>[vector<16xi32>], vector<16xf32>,
        %min3A_219 = arith.constant 3 : i32
        %min3A_220 = vector.broadcast %min3A_219 : i32 to vector<16xi32>
        %min3A_221 = arith.minsi %and3A_203, %min3A_220 : vector<16xi32>
        %add3A_222 = arith.addi %mul3A_211, %min3A_221 : vector<16xi32>
        %gather3A_223 = tpu.vector_load_idx %arg10[%add3A_222] : memref<4032xf32, #tpu.memory_space<vmem>>[vector<16xi32>], vector<16xf32>,
        %sub3A_224 = arith.subf %gather3A_218, %gather3A_207 : vector<16xf32>
        %mul3A_225 = arith.mulf %gather3A_208, %sub3A_224 : vector<16xf32>
        %exp3A = math.exp %mul3A_225 : vector<16xf32>
        %add3A_226 = arith.constant 1.000000e+00 : f32
        %add3A_227 = vector.broadcast %add3A_226 : f32 to vector<16xf32>
        %add3A_228 = arith.addf %add3A_227, %exp3A : vector<16xf32>
        %div3A = arith.constant 1.000000e+00 : f32
        %div3A_229 = vector.broadcast %div3A : f32 to vector<16xf32>
        %div3A_230 = arith.divf %div3A_229, %add3A_228 : vector<16xf32>
        %sub3A_231 = arith.subf %gather3A_223, %gather3A_207 : vector<16xf32>
        %mul3A_232 = arith.mulf %gather3A_208, %sub3A_231 : vector<16xf32>
        %exp3A_233 = math.exp %mul3A_232 : vector<16xf32>
        %add3A_234 = arith.constant 1.000000e+00 : f32
        %add3A_235 = vector.broadcast %add3A_234 : f32 to vector<16xf32>
        %add3A_236 = arith.addf %add3A_235, %exp3A_233 : vector<16xf32>
        %div3A_237 = arith.constant 1.000000e+00 : f32
        %div3A_238 = vector.broadcast %div3A_237 : f32 to vector<16xf32>
        %div3A_239 = arith.divf %div3A_238, %add3A_236 : vector<16xf32>
        %eq3A_240 = arith.constant 0 : i32
        %eq3A_241 = vector.broadcast %eq3A_240 : i32 to vector<16xi32>
        %eq3A_242 = arith.cmpi eq, %and3A_203, %eq3A_241 : vector<16xi32>
        %jit3A_243 = arith.constant 1.000000e+00 : f32
        %broadcast_in_dim3A_244 = vector.broadcast %jit3A_243 : f32 to vector<16xf32>
        %select_n3A_245 = arith.select %eq3A_242, %broadcast_in_dim3A_244, %div3A_230 : vector<16xi1>, vector<16xf32>
        %eq3A_246 = arith.constant 4 : i32
        %eq3A_247 = vector.broadcast %eq3A_246 : i32 to vector<16xi32>
        %eq3A_248 = arith.cmpi eq, %and3A_203, %eq3A_247 : vector<16xi32>
        %jit3A_249 = arith.constant 0.000000e+00 : f32
        %broadcast_in_dim3A_250 = vector.broadcast %jit3A_249 : f32 to vector<16xf32>
        %select_n3A_251 = arith.select %eq3A_248, %broadcast_in_dim3A_250, %div3A_239 : vector<16xi1>, vector<16xf32>
        %sub3A_252 = arith.subf %select_n3A_245, %select_n3A_251 : vector<16xf32>
        %max3A_253 = arith.constant 9.99999996E-13 : f32
        %max3A_254 = vector.broadcast %max3A_253 : f32 to vector<16xf32>
        %max3A_255 = arith.maximumf %sub3A_252, %max3A_254 : vector<16xf32>
        %mul3A_256 = arith.mulf %scan3A_189, %max3A_255 : vector<16xf32>
        %bitcast_convert_type3A_257 = tpu.bitcast %mul3A_256 : vector<16xf32> -> vector<16xi32>
        %shift_right_arithmetic3A_258 = arith.constant 23 : i32
        %shift_right_arithmetic3A_259 = vector.broadcast %shift_right_arithmetic3A_258 : i32 to vector<16xi32>
        %shift_right_arithmetic3A_260 = arith.shrsi %bitcast_convert_type3A_257, %shift_right_arithmetic3A_259 : vector<16xi32>
        %add3A_261 = arith.addi %scan3A_190, %shift_right_arithmetic3A_260 : vector<16xi32>
        %and3A_262 = arith.constant 8388607 : i32
        %and3A_263 = vector.broadcast %and3A_262 : i32 to vector<16xi32>
        %and3A_264 = arith.andi %bitcast_convert_type3A_257, %and3A_263 : vector<16xi32>
        %or3A_265 = arith.constant 1065353216 : i32
        %or3A_266 = vector.broadcast %or3A_265 : i32 to vector<16xi32>
        %or3A_267 = arith.ori %and3A_264, %or3A_266 : vector<16xi32>
        %bitcast_convert_type3A_268 = tpu.bitcast %or3A_267 : vector<16xi32> -> vector<16xf32>
        scf.yield %bitcast_convert_type3A_268, %add3A_261 : vector<16xf32>, vector<16xi32>
      }
      %scan3A_62 = arith.constant 250 : i32
      %bitcast_convert_type3A = tpu.bitcast %scan3A_61#0 : vector<16xf32> -> vector<16xi32>
      %shift_right_arithmetic3A = arith.constant 23 : i32
      %shift_right_arithmetic3A_63 = vector.broadcast %shift_right_arithmetic3A : i32 to vector<16xi32>
      %shift_right_arithmetic3A_64 = arith.shrsi %bitcast_convert_type3A, %shift_right_arithmetic3A_63 : vector<16xi32>
      %sub3A_65 = arith.constant 127 : i32
      %sub3A_66 = vector.broadcast %sub3A_65 : i32 to vector<16xi32>
      %sub3A_67 = arith.subi %shift_right_arithmetic3A_64, %sub3A_66 : vector<16xi32>
      %and3A = arith.constant 8388607 : i32
      %and3A_68 = vector.broadcast %and3A : i32 to vector<16xi32>
      %and3A_69 = arith.andi %bitcast_convert_type3A, %and3A_68 : vector<16xi32>
      %or3A = arith.constant 1065353216 : i32
      %or3A_70 = vector.broadcast %or3A : i32 to vector<16xi32>
      %or3A_71 = arith.ori %and3A_69, %or3A_70 : vector<16xi32>
      %bitcast_convert_type3A_72 = tpu.bitcast %or3A_71 : vector<16xi32> -> vector<16xf32>
      %sub3A_73 = arith.constant 1.000000e+00 : f32
      %sub3A_74 = vector.broadcast %sub3A_73 : f32 to vector<16xf32>
      %sub3A_75 = arith.subf %bitcast_convert_type3A_72, %sub3A_74 : vector<16xf32>
      %mul3A_76 = arith.constant 0.0415508077 : f32
      %mul3A_77 = vector.broadcast %mul3A_76 : f32 to vector<16xf32>
      %mul3A_78 = arith.mulf %mul3A_77, %sub3A_75 : vector<16xf32>
      %add3A_79 = arith.constant -0.157837749 : f32
      %add3A_80 = vector.broadcast %add3A_79 : f32 to vector<16xf32>
      %add3A_81 = arith.addf %mul3A_78, %add3A_80 : vector<16xf32>
      %mul3A_82 = arith.mulf %add3A_81, %sub3A_75 : vector<16xf32>
      %add3A_83 = arith.constant 0.306560695 : f32
      %add3A_84 = vector.broadcast %add3A_83 : f32 to vector<16xf32>
      %add3A_85 = arith.addf %mul3A_82, %add3A_84 : vector<16xf32>
      %mul3A_86 = arith.mulf %add3A_85, %sub3A_75 : vector<16xf32>
      %add3A_87 = arith.constant -0.497030735 : f32
      %add3A_88 = vector.broadcast %add3A_87 : f32 to vector<16xf32>
      %add3A_89 = arith.addf %mul3A_86, %add3A_88 : vector<16xf32>
      %mul3A_90 = arith.mulf %add3A_89, %sub3A_75 : vector<16xf32>
      %add3A_91 = arith.constant 0.999944984 : f32
      %add3A_92 = vector.broadcast %add3A_91 : f32 to vector<16xf32>
      %add3A_93 = arith.addf %mul3A_90, %add3A_92 : vector<16xf32>
      %mul3A_94 = arith.mulf %sub3A_75, %add3A_93 : vector<16xf32>
      %convert_element_type3A = arith.sitofp %sub3A_67 : vector<16xi32> to vector<16xf32>
      %mul3A_95 = arith.constant 0.693147182 : f32
      %mul3A_96 = vector.broadcast %mul3A_95 : f32 to vector<16xf32>
      %mul3A_97 = arith.mulf %convert_element_type3A, %mul3A_96 : vector<16xf32>
      %add3A_98 = arith.addf %mul3A_94, %mul3A_97 : vector<16xf32>
      %sub3A_99 = arith.constant 31750 : i32
      %sub3A_100 = vector.broadcast %sub3A_99 : i32 to vector<16xi32>
      %sub3A_101 = arith.subi %scan3A_61#1, %sub3A_100 : vector<16xi32>
      %convert_element_type3A_102 = arith.sitofp %sub3A_101 : vector<16xi32> to vector<16xf32>
      %mul3A_103 = arith.constant 0.693147182 : f32
      %mul3A_104 = vector.broadcast %mul3A_103 : f32 to vector<16xf32>
      %mul3A_105 = arith.mulf %convert_element_type3A_102, %mul3A_104 : vector<16xf32>
      %add3A_106 = arith.addf %add3A_98, %mul3A_105 : vector<16xf32>
      %jit3A = arith.constant 0.000000e+00 : f32
      %broadcast_in_dim3A_107 = vector.broadcast %jit3A : f32 to vector<16xf32>
      %select_n3A = arith.select %lt3A_52, %add3A_106, %broadcast_in_dim3A_107 : vector<16xi1>, vector<16xf32>
      %add3A_108 = arith.addf %scan3A_33, %select_n3A : vector<16xf32>
      %add3A_109 = arith.constant 2 : i32
      %add3A_110 = arith.addi %mul3A_35, %add3A_109 : i32
      %lt3A_111 = arith.constant 10 : i32
      %lt3A_112 = arith.cmpi slt, %add3A_110, %lt3A_111 : i32
      %convert_element_type3A_113 = arith.extui %lt3A_112 : i1 to i32
      %cond3A = arith.constant 0 : i32
      %cond3A_114 = arith.cmpi ne, %convert_element_type3A_113, %cond3A : i32
      scf.if %cond3A_114 {
        %add3A_188 = arith.constant 64 : i32
        %add3A_189 = arith.addi %add3A_38, %add3A_188 : i32
        %min3A_190 = arith.constant 284 : i32
        %min3A_191 = arith.minsi %add3A_189, %min3A_190 : i32
        %mul3A_192 = arith.constant 4000 : i32
        %mul3A_193 = arith.muli %min3A_191, %mul3A_192 : i32
        %dma_start3A_194 = tpu.memref_slice %arg2[%mul3A_193] : memref<1140000xi32, #tpu.memory_space<hbm>> -> memref<4000xi32, #tpu.memory_space<hbm>>
        %dma_start3A_195 = tpu.memref_slice %arg2[%mul3A_193] : memref<1140000xi32, #tpu.memory_space<hbm>> -> memref<4000xi32, #tpu.memory_space<hbm>>
        tpu.enqueue_dma source(%dma_start3A_195 : memref<4000xi32, #tpu.memory_space<hbm>>) target(%arg13 : memref<4000xi32, #tpu.memory_space<vmem>>) target_semaphore(%arg16 : memref<!tpu.dma_semaphore, #tpu.memory_space<semaphore_mem>>)
      } else {
      }
      %dma_wait3A_115 = arith.constant 0 : i32
      %dma_wait3A_116 = tpu.memref_slice %arg2[%dma_wait3A_115] : memref<1140000xi32, #tpu.memory_space<hbm>> -> memref<4000xi32, #tpu.memory_space<hbm>>
      %dma_wait3A_117 = arith.constant 0 : i32
      %dma_wait3A_118 = tpu.memref_slice %arg2[%dma_wait3A_117] : memref<1140000xi32, #tpu.memory_space<hbm>> -> memref<4000xi32, #tpu.memory_space<hbm>>
      tpu.wait_dma2 semaphore(%arg17 : memref<!tpu.dma_semaphore, #tpu.memory_space<semaphore_mem>>) src(%dma_wait3A_118 : memref<4000xi32, #tpu.memory_space<hbm>>) dst(%arg14 : memref<4000xi32, #tpu.memory_space<vmem>>)
      %add3A_119 = arith.constant 32 : i32
      %add3A_120 = arith.addi %add3A_38, %add3A_119 : i32
      %broadcast_in_dim3A_121 = vector.broadcast %add3A_120 : i32 to vector<16xi32>
      %lt3A_122 = arith.constant 285 : i32
      %lt3A_123 = vector.broadcast %lt3A_122 : i32 to vector<16xi32>
      %lt3A_124 = arith.cmpi slt, %broadcast_in_dim3A_121, %lt3A_123 : vector<16xi32>
      %broadcast_in_dim3A_125 = arith.constant 1.000000e+00 : f32
      %broadcast_in_dim3A_126 = vector.broadcast %broadcast_in_dim3A_125 : f32 to vector<16xf32>
      %broadcast_in_dim3A_127 = arith.constant 0 : i32
      %broadcast_in_dim3A_128 = vector.broadcast %broadcast_in_dim3A_127 : i32 to vector<16xi32>
      %scan3A_129 = arith.constant 0 : i32
      %scan3A_130 = arith.constant 250 : i32
      %scan3A_131 = arith.addi %scan3A_129, %scan3A_130 : i32
      %scan3A_132 = arith.constant 1 : i32
      %scan3A_133:2 = scf.for %scan3A_188 = %scan3A_129 to %scan3A_131 step %scan3A_132 iter_args(%scan3A_189 = %broadcast_in_dim3A_126, %scan3A_190 = %broadcast_in_dim3A_128) -> (vector<16xf32>, vector<16xi32>)  : i32 {
        %mul3A_191 = arith.constant 16 : i32
        %mul3A_192 = arith.muli %scan3A_188, %mul3A_191 : i32
        %add3A_193 = vector.broadcast %mul3A_192 : i32 to vector<16xi32>
        %add3A_194 = arith.addi %iota3A, %add3A_193 : vector<16xi32>
        %gather3A = tpu.vector_load_idx %arg14[%add3A_194] : memref<4000xi32, #tpu.memory_space<vmem>>[vector<16xi32>], vector<16xi32>,
        %and3A_195 = arith.constant 1023 : i32
        %and3A_196 = vector.broadcast %and3A_195 : i32 to vector<16xi32>
        %and3A_197 = arith.andi %gather3A, %and3A_196 : vector<16xi32>
        %shift_right_arithmetic3A_198 = arith.constant 10 : i32
        %shift_right_arithmetic3A_199 = vector.broadcast %shift_right_arithmetic3A_198 : i32 to vector<16xi32>
        %shift_right_arithmetic3A_200 = arith.shrsi %gather3A, %shift_right_arithmetic3A_199 : vector<16xi32>
        %and3A_201 = arith.constant 7 : i32
        %and3A_202 = vector.broadcast %and3A_201 : i32 to vector<16xi32>
        %and3A_203 = arith.andi %shift_right_arithmetic3A_200, %and3A_202 : vector<16xi32>
        %shift_right_arithmetic3A_204 = arith.constant 13 : i32
        %shift_right_arithmetic3A_205 = vector.broadcast %shift_right_arithmetic3A_204 : i32 to vector<16xi32>
        %shift_right_arithmetic3A_206 = arith.shrsi %gather3A, %shift_right_arithmetic3A_205 : vector<16xi32>
        %gather3A_207 = tpu.vector_load_idx %arg8[%shift_right_arithmetic3A_206] : memref<100000xf32, #tpu.memory_space<vmem>>[vector<16xi32>], vector<16xf32>,
        %gather3A_208 = tpu.vector_load_idx %arg9[%and3A_197] : memref<1008xf32, #tpu.memory_space<vmem>>[vector<16xi32>], vector<16xf32>,
        %mul3A_209 = arith.constant 4 : i32
        %mul3A_210 = vector.broadcast %mul3A_209 : i32 to vector<16xi32>
        %mul3A_211 = arith.muli %and3A_197, %mul3A_210 : vector<16xi32>
        %sub3A_212 = arith.constant 1 : i32
        %sub3A_213 = vector.broadcast %sub3A_212 : i32 to vector<16xi32>
        %sub3A_214 = arith.subi %and3A_203, %sub3A_213 : vector<16xi32>
        %max3A = arith.constant 0 : i32
        %max3A_215 = vector.broadcast %max3A : i32 to vector<16xi32>
        %max3A_216 = arith.maxsi %sub3A_214, %max3A_215 : vector<16xi32>
        %add3A_217 = arith.addi %mul3A_211, %max3A_216 : vector<16xi32>
        %gather3A_218 = tpu.vector_load_idx %arg10[%add3A_217] : memref<4032xf32, #tpu.memory_space<vmem>>[vector<16xi32>], vector<16xf32>,
        %min3A_219 = arith.constant 3 : i32
        %min3A_220 = vector.broadcast %min3A_219 : i32 to vector<16xi32>
        %min3A_221 = arith.minsi %and3A_203, %min3A_220 : vector<16xi32>
        %add3A_222 = arith.addi %mul3A_211, %min3A_221 : vector<16xi32>
        %gather3A_223 = tpu.vector_load_idx %arg10[%add3A_222] : memref<4032xf32, #tpu.memory_space<vmem>>[vector<16xi32>], vector<16xf32>,
        %sub3A_224 = arith.subf %gather3A_218, %gather3A_207 : vector<16xf32>
        %mul3A_225 = arith.mulf %gather3A_208, %sub3A_224 : vector<16xf32>
        %exp3A = math.exp %mul3A_225 : vector<16xf32>
        %add3A_226 = arith.constant 1.000000e+00 : f32
        %add3A_227 = vector.broadcast %add3A_226 : f32 to vector<16xf32>
        %add3A_228 = arith.addf %add3A_227, %exp3A : vector<16xf32>
        %div3A = arith.constant 1.000000e+00 : f32
        %div3A_229 = vector.broadcast %div3A : f32 to vector<16xf32>
        %div3A_230 = arith.divf %div3A_229, %add3A_228 : vector<16xf32>
        %sub3A_231 = arith.subf %gather3A_223, %gather3A_207 : vector<16xf32>
        %mul3A_232 = arith.mulf %gather3A_208, %sub3A_231 : vector<16xf32>
        %exp3A_233 = math.exp %mul3A_232 : vector<16xf32>
        %add3A_234 = arith.constant 1.000000e+00 : f32
        %add3A_235 = vector.broadcast %add3A_234 : f32 to vector<16xf32>
        %add3A_236 = arith.addf %add3A_235, %exp3A_233 : vector<16xf32>
        %div3A_237 = arith.constant 1.000000e+00 : f32
        %div3A_238 = vector.broadcast %div3A_237 : f32 to vector<16xf32>
        %div3A_239 = arith.divf %div3A_238, %add3A_236 : vector<16xf32>
        %eq3A_240 = arith.constant 0 : i32
        %eq3A_241 = vector.broadcast %eq3A_240 : i32 to vector<16xi32>
        %eq3A_242 = arith.cmpi eq, %and3A_203, %eq3A_241 : vector<16xi32>
        %jit3A_243 = arith.constant 1.000000e+00 : f32
        %broadcast_in_dim3A_244 = vector.broadcast %jit3A_243 : f32 to vector<16xf32>
        %select_n3A_245 = arith.select %eq3A_242, %broadcast_in_dim3A_244, %div3A_230 : vector<16xi1>, vector<16xf32>
        %eq3A_246 = arith.constant 4 : i32
        %eq3A_247 = vector.broadcast %eq3A_246 : i32 to vector<16xi32>
        %eq3A_248 = arith.cmpi eq, %and3A_203, %eq3A_247 : vector<16xi32>
        %jit3A_249 = arith.constant 0.000000e+00 : f32
        %broadcast_in_dim3A_250 = vector.broadcast %jit3A_249 : f32 to vector<16xf32>
        %select_n3A_251 = arith.select %eq3A_248, %broadcast_in_dim3A_250, %div3A_239 : vector<16xi1>, vector<16xf32>
        %sub3A_252 = arith.subf %select_n3A_245, %select_n3A_251 : vector<16xf32>
        %max3A_253 = arith.constant 9.99999996E-13 : f32
        %max3A_254 = vector.broadcast %max3A_253 : f32 to vector<16xf32>
        %max3A_255 = arith.maximumf %sub3A_252, %max3A_254 : vector<16xf32>
        %mul3A_256 = arith.mulf %scan3A_189, %max3A_255 : vector<16xf32>
        %bitcast_convert_type3A_257 = tpu.bitcast %mul3A_256 : vector<16xf32> -> vector<16xi32>
        %shift_right_arithmetic3A_258 = arith.constant 23 : i32
        %shift_right_arithmetic3A_259 = vector.broadcast %shift_right_arithmetic3A_258 : i32 to vector<16xi32>
        %shift_right_arithmetic3A_260 = arith.shrsi %bitcast_convert_type3A_257, %shift_right_arithmetic3A_259 : vector<16xi32>
        %add3A_261 = arith.addi %scan3A_190, %shift_right_arithmetic3A_260 : vector<16xi32>
        %and3A_262 = arith.constant 8388607 : i32
        %and3A_263 = vector.broadcast %and3A_262 : i32 to vector<16xi32>
        %and3A_264 = arith.andi %bitcast_convert_type3A_257, %and3A_263 : vector<16xi32>
        %or3A_265 = arith.constant 1065353216 : i32
        %or3A_266 = vector.broadcast %or3A_265 : i32 to vector<16xi32>
        %or3A_267 = arith.ori %and3A_264, %or3A_266 : vector<16xi32>
        %bitcast_convert_type3A_268 = tpu.bitcast %or3A_267 : vector<16xi32> -> vector<16xf32>
        scf.yield %bitcast_convert_type3A_268, %add3A_261 : vector<16xf32>, vector<16xi32>
      }
      %scan3A_134 = arith.constant 250 : i32
      %bitcast_convert_type3A_135 = tpu.bitcast %scan3A_133#0 : vector<16xf32> -> vector<16xi32>
      %shift_right_arithmetic3A_136 = arith.constant 23 : i32
      %shift_right_arithmetic3A_137 = vector.broadcast %shift_right_arithmetic3A_136 : i32 to vector<16xi32>
      %shift_right_arithmetic3A_138 = arith.shrsi %bitcast_convert_type3A_135, %shift_right_arithmetic3A_137 : vector<16xi32>
      %sub3A_139 = arith.constant 127 : i32
      %sub3A_140 = vector.broadcast %sub3A_139 : i32 to vector<16xi32>
      %sub3A_141 = arith.subi %shift_right_arithmetic3A_138, %sub3A_140 : vector<16xi32>
      %and3A_142 = arith.constant 8388607 : i32
      %and3A_143 = vector.broadcast %and3A_142 : i32 to vector<16xi32>
      %and3A_144 = arith.andi %bitcast_convert_type3A_135, %and3A_143 : vector<16xi32>
      %or3A_145 = arith.constant 1065353216 : i32
      %or3A_146 = vector.broadcast %or3A_145 : i32 to vector<16xi32>
      %or3A_147 = arith.ori %and3A_144, %or3A_146 : vector<16xi32>
      %bitcast_convert_type3A_148 = tpu.bitcast %or3A_147 : vector<16xi32> -> vector<16xf32>
      %sub3A_149 = arith.constant 1.000000e+00 : f32
      %sub3A_150 = vector.broadcast %sub3A_149 : f32 to vector<16xf32>
      %sub3A_151 = arith.subf %bitcast_convert_type3A_148, %sub3A_150 : vector<16xf32>
      %mul3A_152 = arith.constant 0.0415508077 : f32
      %mul3A_153 = vector.broadcast %mul3A_152 : f32 to vector<16xf32>
      %mul3A_154 = arith.mulf %mul3A_153, %sub3A_151 : vector<16xf32>
      %add3A_155 = arith.constant -0.157837749 : f32
      %add3A_156 = vector.broadcast %add3A_155 : f32 to vector<16xf32>
      %add3A_157 = arith.addf %mul3A_154, %add3A_156 : vector<16xf32>
      %mul3A_158 = arith.mulf %add3A_157, %sub3A_151 : vector<16xf32>
      %add3A_159 = arith.constant 0.306560695 : f32
      %add3A_160 = vector.broadcast %add3A_159 : f32 to vector<16xf32>
      %add3A_161 = arith.addf %mul3A_158, %add3A_160 : vector<16xf32>
      %mul3A_162 = arith.mulf %add3A_161, %sub3A_151 : vector<16xf32>
      %add3A_163 = arith.constant -0.497030735 : f32
      %add3A_164 = vector.broadcast %add3A_163 : f32 to vector<16xf32>
      %add3A_165 = arith.addf %mul3A_162, %add3A_164 : vector<16xf32>
      %mul3A_166 = arith.mulf %add3A_165, %sub3A_151 : vector<16xf32>
      %add3A_167 = arith.constant 0.999944984 : f32
      %add3A_168 = vector.broadcast %add3A_167 : f32 to vector<16xf32>
      %add3A_169 = arith.addf %mul3A_166, %add3A_168 : vector<16xf32>
      %mul3A_170 = arith.mulf %sub3A_151, %add3A_169 : vector<16xf32>
      %convert_element_type3A_171 = arith.sitofp %sub3A_141 : vector<16xi32> to vector<16xf32>
      %mul3A_172 = arith.constant 0.693147182 : f32
      %mul3A_173 = vector.broadcast %mul3A_172 : f32 to vector<16xf32>
      %mul3A_174 = arith.mulf %convert_element_type3A_171, %mul3A_173 : vector<16xf32>
      %add3A_175 = arith.addf %mul3A_170, %mul3A_174 : vector<16xf32>
      %sub3A_176 = arith.constant 31750 : i32
      %sub3A_177 = vector.broadcast %sub3A_176 : i32 to vector<16xi32>
      %sub3A_178 = arith.subi %scan3A_133#1, %sub3A_177 : vector<16xi32>
      %convert_element_type3A_179 = arith.sitofp %sub3A_178 : vector<16xi32> to vector<16xf32>
      %mul3A_180 = arith.constant 0.693147182 : f32
      %mul3A_181 = vector.broadcast %mul3A_180 : f32 to vector<16xf32>
      %mul3A_182 = arith.mulf %convert_element_type3A_179, %mul3A_181 : vector<16xf32>
      %add3A_183 = arith.addf %add3A_175, %mul3A_182 : vector<16xf32>
      %jit3A_184 = arith.constant 0.000000e+00 : f32
      %broadcast_in_dim3A_185 = vector.broadcast %jit3A_184 : f32 to vector<16xf32>
      %select_n3A_186 = arith.select %lt3A_124, %add3A_183, %broadcast_in_dim3A_185 : vector<16xi1>, vector<16xf32>
      %add3A_187 = arith.addf %add3A_108, %select_n3A_186 : vector<16xf32>
      scf.yield %add3A_187 : vector<16xf32>
    }
    %scan3A_27 = arith.constant 5 : i32
    %mul3A_28 = arith.constant 5.000000e-01 : f32
    %mul3A_29 = vector.broadcast %mul3A_28 : f32 to vector<16xf32>
    %mul3A_30 = arith.mulf %mul3A_29, %scan3A_14 : vector<16xf32>
    %sub3A = arith.subf %scan3A_26, %mul3A_30 : vector<16xf32>
    %swap3A = arith.constant 0 : index
    %swap3A_31 = tpu.vector_load %arg15[%swap3A] {strides = array<i32>} : memref<16xf32, #tpu.memory_space<vmem>>, vector<16xf32>,
    tpu.vector_store %arg15[%swap3A], %sub3A {strides = array<i32>} : memref<16xf32, #tpu.memory_space<vmem>>, vector<16xf32>,
    "tpu.region"() ({
      %run_scoped3A = tpu.sem_alloc : memref<!tpu.dma_semaphore, #tpu.memory_space<semaphore_mem>>
      %dma_start3A_32 = arith.constant 0 : i32
      %dma_start3A_33 = tpu.memref_slice %arg7[%add3A, %dma_start3A_32] : memref<32x16xf32, #tpu.memory_space<hbm>> -> memref<1x16xf32, #tpu.memory_space<hbm>>
      %dma_start3A_34 = tpu.memref_squeeze %dma_start3A_33 : memref<1x16xf32, #tpu.memory_space<hbm>> -> memref<16xf32, #tpu.memory_space<hbm>>
      %dma_start3A_35 = arith.constant 0 : i32
      %dma_start3A_36 = tpu.memref_slice %arg7[%add3A, %dma_start3A_35] : memref<32x16xf32, #tpu.memory_space<hbm>> -> memref<1x16xf32, #tpu.memory_space<hbm>>
      %dma_start3A_37 = tpu.memref_squeeze %dma_start3A_36 : memref<1x16xf32, #tpu.memory_space<hbm>> -> memref<16xf32, #tpu.memory_space<hbm>>
      tpu.enqueue_dma source(%arg15 : memref<16xf32, #tpu.memory_space<vmem>>) target(%dma_start3A_37 : memref<16xf32, #tpu.memory_space<hbm>>) target_semaphore(%run_scoped3A : memref<!tpu.dma_semaphore, #tpu.memory_space<semaphore_mem>>)
      %dma_wait3A = arith.constant 0 : i32
      %dma_wait3A_38 = tpu.memref_slice %arg7[%add3A, %dma_wait3A] : memref<32x16xf32, #tpu.memory_space<hbm>> -> memref<1x16xf32, #tpu.memory_space<hbm>>
      %dma_wait3A_39 = tpu.memref_squeeze %dma_wait3A_38 : memref<1x16xf32, #tpu.memory_space<hbm>> -> memref<16xf32, #tpu.memory_space<hbm>>
      %dma_wait3A_40 = arith.constant 0 : i32
      %dma_wait3A_41 = tpu.memref_slice %arg7[%add3A, %dma_wait3A_40] : memref<32x16xf32, #tpu.memory_space<hbm>> -> memref<1x16xf32, #tpu.memory_space<hbm>>
      %dma_wait3A_42 = tpu.memref_squeeze %dma_wait3A_41 : memref<1x16xf32, #tpu.memory_space<hbm>> -> memref<16xf32, #tpu.memory_space<hbm>>
      tpu.wait_dma2 semaphore(%run_scoped3A : memref<!tpu.dma_semaphore, #tpu.memory_space<semaphore_mem>>) src(%arg15 : memref<16xf32, #tpu.memory_space<vmem>>) dst(%dma_wait3A_42 : memref<16xf32, #tpu.memory_space<hbm>>)
      tpu.yield
    }) : () -> ()
    return
  }
}

#map = affine_map<(d0, d1) -> (0)>
#map1 = affine_map<(d0, d1) -> (0, 0)>
module attributes {stable_mosaic.version = 14 : i64} {
  func.func @_body(%arg0: i32, %arg1: i32, %arg2: memref<860000xi32, #tpu.memory_space<hbm>>, %arg3: memref<1008xf32, #tpu.memory_space<hbm>>, %arg4: memref<1008xf32, #tpu.memory_space<hbm>>, %arg5: memref<3024xf32, #tpu.memory_space<hbm>>, %arg6: memref<100000xf32, #tpu.memory_space<hbm>>, %arg7: memref<32x16xf32, #tpu.memory_space<hbm>>, %arg8: memref<100000xf32, #tpu.memory_space<vmem>>, %arg9: memref<1008xf32, #tpu.memory_space<vmem>>, %arg10: memref<4032xf32, #tpu.memory_space<vmem>>, %arg11: memref<1008xf32, #tpu.memory_space<vmem>>, %arg12: memref<3024xf32, #tpu.memory_space<vmem>>, %arg13: memref<4000xi32, #tpu.memory_space<vmem>>, %arg14: memref<4000xi32, #tpu.memory_space<vmem>>, %arg15: memref<16xf32, #tpu.memory_space<vmem>>, %arg16: memref<!tpu.dma_semaphore, #tpu.memory_space<semaphore_mem>>, %arg17: memref<!tpu.dma_semaphore, #tpu.memory_space<semaphore_mem>>) attributes {dimension_semantics = [#tpu.dimension_semantics<core_parallel>, #tpu.dimension_semantics<subcore_parallel>], iteration_bounds = array<i64: 2, 16>, scalar_prefetch = 0 : i64, scratch_operands = 10 : i64, tpu.core_type = #tpu.core_type<sc_vector_subcore>, window_params = [{transform_indices = #map}, {transform_indices = #map}, {transform_indices = #map}, {transform_indices = #map}, {transform_indices = #map}, {transform_indices = #map1}]} {
    %mul3A = arith.constant 2 : i32
    %mul3A_0 = arith.muli %arg1, %mul3A : i32
    %add3A = arith.addi %mul3A_0, %arg0 : i32
    "tpu.region"() ({
      %run_scoped3A = tpu.sem_alloc : memref<!tpu.dma_semaphore, #tpu.memory_space<semaphore_mem>>
      tpu.enqueue_dma source(%arg6 : memref<100000xf32, #tpu.memory_space<hbm>>) target(%arg8 : memref<100000xf32, #tpu.memory_space<vmem>>) target_semaphore(%run_scoped3A : memref<!tpu.dma_semaphore, #tpu.memory_space<semaphore_mem>>)
      tpu.wait_dma2 semaphore(%run_scoped3A : memref<!tpu.dma_semaphore, #tpu.memory_space<semaphore_mem>>) src(%arg6 : memref<100000xf32, #tpu.memory_space<hbm>>) dst(%arg8 : memref<100000xf32, #tpu.memory_space<vmem>>)
      tpu.yield
    }) : () -> ()
    "tpu.region"() ({
      %run_scoped3A = tpu.sem_alloc : memref<!tpu.dma_semaphore, #tpu.memory_space<semaphore_mem>>
      tpu.enqueue_dma source(%arg3 : memref<1008xf32, #tpu.memory_space<hbm>>) target(%arg9 : memref<1008xf32, #tpu.memory_space<vmem>>) target_semaphore(%run_scoped3A : memref<!tpu.dma_semaphore, #tpu.memory_space<semaphore_mem>>)
      tpu.wait_dma2 semaphore(%run_scoped3A : memref<!tpu.dma_semaphore, #tpu.memory_space<semaphore_mem>>) src(%arg3 : memref<1008xf32, #tpu.memory_space<hbm>>) dst(%arg9 : memref<1008xf32, #tpu.memory_space<vmem>>)
      tpu.yield
    }) : () -> ()
    "tpu.region"() ({
      %run_scoped3A = tpu.sem_alloc : memref<!tpu.dma_semaphore, #tpu.memory_space<semaphore_mem>>
      tpu.enqueue_dma source(%arg4 : memref<1008xf32, #tpu.memory_space<hbm>>) target(%arg11 : memref<1008xf32, #tpu.memory_space<vmem>>) target_semaphore(%run_scoped3A : memref<!tpu.dma_semaphore, #tpu.memory_space<semaphore_mem>>)
      tpu.wait_dma2 semaphore(%run_scoped3A : memref<!tpu.dma_semaphore, #tpu.memory_space<semaphore_mem>>) src(%arg4 : memref<1008xf32, #tpu.memory_space<hbm>>) dst(%arg11 : memref<1008xf32, #tpu.memory_space<vmem>>)
      tpu.yield
    }) : () -> ()
    "tpu.region"() ({
      %run_scoped3A = tpu.sem_alloc : memref<!tpu.dma_semaphore, #tpu.memory_space<semaphore_mem>>
      tpu.enqueue_dma source(%arg5 : memref<3024xf32, #tpu.memory_space<hbm>>) target(%arg12 : memref<3024xf32, #tpu.memory_space<vmem>>) target_semaphore(%run_scoped3A : memref<!tpu.dma_semaphore, #tpu.memory_space<semaphore_mem>>)
      tpu.wait_dma2 semaphore(%run_scoped3A : memref<!tpu.dma_semaphore, #tpu.memory_space<semaphore_mem>>) src(%arg5 : memref<3024xf32, #tpu.memory_space<hbm>>) dst(%arg12 : memref<3024xf32, #tpu.memory_space<vmem>>)
      tpu.yield
    }) : () -> ()
    %iota3A = tpu.iota {dimensions = array<i32: 0>} : vector<16xi32>
    %broadcast_in_dim3A = vector.broadcast %add3A : i32 to vector<16xi32>
    %eq3A = arith.constant 0 : i32
    %eq3A_1 = vector.broadcast %eq3A : i32 to vector<16xi32>
    %eq3A_2 = arith.cmpi eq, %broadcast_in_dim3A, %eq3A_1 : vector<16xi32>
    %broadcast_in_dim3A_3 = arith.constant 0.000000e+00 : f32
    %broadcast_in_dim3A_4 = vector.broadcast %broadcast_in_dim3A_3 : f32 to vector<16xf32>
    %scan3A = arith.constant 0 : i32
    %scan3A_5 = arith.constant 63 : i32
    %scan3A_6 = arith.addi %scan3A, %scan3A_5 : i32
    %scan3A_7 = arith.constant 1 : i32
    scf.for %scan3A_25 = %scan3A to %scan3A_6 step %scan3A_7  : i32 {
      %mul3A_26 = arith.constant 16 : i32
      %mul3A_27 = arith.muli %scan3A_25, %mul3A_26 : i32
      %add3A_28 = vector.broadcast %mul3A_27 : i32 to vector<16xi32>
      %add3A_29 = arith.addi %iota3A, %add3A_28 : vector<16xi32>
      %gather3A = tpu.vector_load_idx %arg9[%add3A_29] : memref<1008xf32, #tpu.memory_space<vmem>>[vector<16xi32>], vector<16xf32>,
      %max3A = arith.constant 0.000000e+00 : f32
      %max3A_30 = vector.broadcast %max3A : f32 to vector<16xf32>
      %max3A_31 = arith.maximumf %gather3A, %max3A_30 : vector<16xf32>
      %abs3A = math.absf %gather3A : vector<16xf32>
      %neg3A = arith.constant 0.000000e+00 : f32
      %neg3A_32 = vector.broadcast %neg3A : f32 to vector<16xf32>
      %neg3A_33 = arith.subf %neg3A_32, %abs3A : vector<16xf32>
      %exp3A = math.exp %neg3A_33 : vector<16xf32>
      %add3A_34 = arith.constant 1.000000e+00 : f32
      %add3A_35 = vector.broadcast %add3A_34 : f32 to vector<16xf32>
      %add3A_36 = arith.addf %add3A_35, %exp3A : vector<16xf32>
      %bitcast_convert_type3A = tpu.bitcast %add3A_36 : vector<16xf32> -> vector<16xi32>
      %shift_right_arithmetic3A = arith.constant 23 : i32
      %shift_right_arithmetic3A_37 = vector.broadcast %shift_right_arithmetic3A : i32 to vector<16xi32>
      %shift_right_arithmetic3A_38 = arith.shrsi %bitcast_convert_type3A, %shift_right_arithmetic3A_37 : vector<16xi32>
      %sub3A_39 = arith.constant 127 : i32
      %sub3A_40 = vector.broadcast %sub3A_39 : i32 to vector<16xi32>
      %sub3A_41 = arith.subi %shift_right_arithmetic3A_38, %sub3A_40 : vector<16xi32>
      %and3A = arith.constant 8388607 : i32
      %and3A_42 = vector.broadcast %and3A : i32 to vector<16xi32>
      %and3A_43 = arith.andi %bitcast_convert_type3A, %and3A_42 : vector<16xi32>
      %or3A = arith.constant 1065353216 : i32
      %or3A_44 = vector.broadcast %or3A : i32 to vector<16xi32>
      %or3A_45 = arith.ori %and3A_43, %or3A_44 : vector<16xi32>
      %bitcast_convert_type3A_46 = tpu.bitcast %or3A_45 : vector<16xi32> -> vector<16xf32>
      %sub3A_47 = arith.constant 1.000000e+00 : f32
      %sub3A_48 = vector.broadcast %sub3A_47 : f32 to vector<16xf32>
      %sub3A_49 = arith.subf %bitcast_convert_type3A_46, %sub3A_48 : vector<16xf32>
      %mul3A_50 = arith.constant 0.0415508077 : f32
      %mul3A_51 = vector.broadcast %mul3A_50 : f32 to vector<16xf32>
      %mul3A_52 = arith.mulf %mul3A_51, %sub3A_49 : vector<16xf32>
      %add3A_53 = arith.constant -0.157837749 : f32
      %add3A_54 = vector.broadcast %add3A_53 : f32 to vector<16xf32>
      %add3A_55 = arith.addf %mul3A_52, %add3A_54 : vector<16xf32>
      %mul3A_56 = arith.mulf %add3A_55, %sub3A_49 : vector<16xf32>
      %add3A_57 = arith.constant 0.306560695 : f32
      %add3A_58 = vector.broadcast %add3A_57 : f32 to vector<16xf32>
      %add3A_59 = arith.addf %mul3A_56, %add3A_58 : vector<16xf32>
      %mul3A_60 = arith.mulf %add3A_59, %sub3A_49 : vector<16xf32>
      %add3A_61 = arith.constant -0.497030735 : f32
      %add3A_62 = vector.broadcast %add3A_61 : f32 to vector<16xf32>
      %add3A_63 = arith.addf %mul3A_60, %add3A_62 : vector<16xf32>
      %mul3A_64 = arith.mulf %add3A_63, %sub3A_49 : vector<16xf32>
      %add3A_65 = arith.constant 0.999944984 : f32
      %add3A_66 = vector.broadcast %add3A_65 : f32 to vector<16xf32>
      %add3A_67 = arith.addf %mul3A_64, %add3A_66 : vector<16xf32>
      %mul3A_68 = arith.mulf %sub3A_49, %add3A_67 : vector<16xf32>
      %convert_element_type3A = arith.sitofp %sub3A_41 : vector<16xi32> to vector<16xf32>
      %mul3A_69 = arith.constant 0.693147182 : f32
      %mul3A_70 = vector.broadcast %mul3A_69 : f32 to vector<16xf32>
      %mul3A_71 = arith.mulf %convert_element_type3A, %mul3A_70 : vector<16xf32>
      %add3A_72 = arith.addf %mul3A_68, %mul3A_71 : vector<16xf32>
      %add3A_73 = arith.addf %max3A_31, %add3A_72 : vector<16xf32>
      tpu.vector_store_idx %arg9[%add3A_29], %add3A_73 : memref<1008xf32, #tpu.memory_space<vmem>>[vector<16xi32>], vector<16xf32>,
      %mul3A_74 = arith.constant 3 : i32
      %mul3A_75 = vector.broadcast %mul3A_74 : i32 to vector<16xi32>
      %mul3A_76 = arith.muli %add3A_29, %mul3A_75 : vector<16xi32>
      %mul3A_77 = arith.constant 4 : i32
      %mul3A_78 = vector.broadcast %mul3A_77 : i32 to vector<16xi32>
      %mul3A_79 = arith.muli %add3A_29, %mul3A_78 : vector<16xi32>
      %gather3A_80 = tpu.vector_load_idx %arg11[%add3A_29] : memref<1008xf32, #tpu.memory_space<vmem>>[vector<16xi32>], vector<16xf32>,
      %gather3A_81 = tpu.vector_load_idx %arg12[%mul3A_76] : memref<3024xf32, #tpu.memory_space<vmem>>[vector<16xi32>], vector<16xf32>,
      %add3A_82 = arith.constant 1 : i32
      %add3A_83 = vector.broadcast %add3A_82 : i32 to vector<16xi32>
      %add3A_84 = arith.addi %mul3A_76, %add3A_83 : vector<16xi32>
      %gather3A_85 = tpu.vector_load_idx %arg12[%add3A_84] : memref<3024xf32, #tpu.memory_space<vmem>>[vector<16xi32>], vector<16xf32>,
      %add3A_86 = arith.constant 2 : i32
      %add3A_87 = vector.broadcast %add3A_86 : i32 to vector<16xi32>
      %add3A_88 = arith.addi %mul3A_76, %add3A_87 : vector<16xi32>
      %gather3A_89 = tpu.vector_load_idx %arg12[%add3A_88] : memref<3024xf32, #tpu.memory_space<vmem>>[vector<16xi32>], vector<16xf32>,
      %max3A_90 = arith.constant 0.000000e+00 : f32
      %max3A_91 = vector.broadcast %max3A_90 : f32 to vector<16xf32>
      %max3A_92 = arith.maximumf %gather3A_81, %max3A_91 : vector<16xf32>
      %abs3A_93 = math.absf %gather3A_81 : vector<16xf32>
      %neg3A_94 = arith.constant 0.000000e+00 : f32
      %neg3A_95 = vector.broadcast %neg3A_94 : f32 to vector<16xf32>
      %neg3A_96 = arith.subf %neg3A_95, %abs3A_93 : vector<16xf32>
      %exp3A_97 = math.exp %neg3A_96 : vector<16xf32>
      %add3A_98 = arith.constant 1.000000e+00 : f32
      %add3A_99 = vector.broadcast %add3A_98 : f32 to vector<16xf32>
      %add3A_100 = arith.addf %add3A_99, %exp3A_97 : vector<16xf32>
      %bitcast_convert_type3A_101 = tpu.bitcast %add3A_100 : vector<16xf32> -> vector<16xi32>
      %shift_right_arithmetic3A_102 = arith.constant 23 : i32
      %shift_right_arithmetic3A_103 = vector.broadcast %shift_right_arithmetic3A_102 : i32 to vector<16xi32>
      %shift_right_arithmetic3A_104 = arith.shrsi %bitcast_convert_type3A_101, %shift_right_arithmetic3A_103 : vector<16xi32>
      %sub3A_105 = arith.constant 127 : i32
      %sub3A_106 = vector.broadcast %sub3A_105 : i32 to vector<16xi32>
      %sub3A_107 = arith.subi %shift_right_arithmetic3A_104, %sub3A_106 : vector<16xi32>
      %and3A_108 = arith.constant 8388607 : i32
      %and3A_109 = vector.broadcast %and3A_108 : i32 to vector<16xi32>
      %and3A_110 = arith.andi %bitcast_convert_type3A_101, %and3A_109 : vector<16xi32>
      %or3A_111 = arith.constant 1065353216 : i32
      %or3A_112 = vector.broadcast %or3A_111 : i32 to vector<16xi32>
      %or3A_113 = arith.ori %and3A_110, %or3A_112 : vector<16xi32>
      %bitcast_convert_type3A_114 = tpu.bitcast %or3A_113 : vector<16xi32> -> vector<16xf32>
      %sub3A_115 = arith.constant 1.000000e+00 : f32
      %sub3A_116 = vector.broadcast %sub3A_115 : f32 to vector<16xf32>
      %sub3A_117 = arith.subf %bitcast_convert_type3A_114, %sub3A_116 : vector<16xf32>
      %mul3A_118 = arith.constant 0.0415508077 : f32
      %mul3A_119 = vector.broadcast %mul3A_118 : f32 to vector<16xf32>
      %mul3A_120 = arith.mulf %mul3A_119, %sub3A_117 : vector<16xf32>
      %add3A_121 = arith.constant -0.157837749 : f32
      %add3A_122 = vector.broadcast %add3A_121 : f32 to vector<16xf32>
      %add3A_123 = arith.addf %mul3A_120, %add3A_122 : vector<16xf32>
      %mul3A_124 = arith.mulf %add3A_123, %sub3A_117 : vector<16xf32>
      %add3A_125 = arith.constant 0.306560695 : f32
      %add3A_126 = vector.broadcast %add3A_125 : f32 to vector<16xf32>
      %add3A_127 = arith.addf %mul3A_124, %add3A_126 : vector<16xf32>
      %mul3A_128 = arith.mulf %add3A_127, %sub3A_117 : vector<16xf32>
      %add3A_129 = arith.constant -0.497030735 : f32
      %add3A_130 = vector.broadcast %add3A_129 : f32 to vector<16xf32>
      %add3A_131 = arith.addf %mul3A_128, %add3A_130 : vector<16xf32>
      %mul3A_132 = arith.mulf %add3A_131, %sub3A_117 : vector<16xf32>
      %add3A_133 = arith.constant 0.999944984 : f32
      %add3A_134 = vector.broadcast %add3A_133 : f32 to vector<16xf32>
      %add3A_135 = arith.addf %mul3A_132, %add3A_134 : vector<16xf32>
      %mul3A_136 = arith.mulf %sub3A_117, %add3A_135 : vector<16xf32>
      %convert_element_type3A_137 = arith.sitofp %sub3A_107 : vector<16xi32> to vector<16xf32>
      %mul3A_138 = arith.constant 0.693147182 : f32
      %mul3A_139 = vector.broadcast %mul3A_138 : f32 to vector<16xf32>
      %mul3A_140 = arith.mulf %convert_element_type3A_137, %mul3A_139 : vector<16xf32>
      %add3A_141 = arith.addf %mul3A_136, %mul3A_140 : vector<16xf32>
      %add3A_142 = arith.addf %max3A_92, %add3A_141 : vector<16xf32>
      %add3A_143 = arith.addf %gather3A_80, %add3A_142 : vector<16xf32>
      %max3A_144 = arith.constant 0.000000e+00 : f32
      %max3A_145 = vector.broadcast %max3A_144 : f32 to vector<16xf32>
      %max3A_146 = arith.maximumf %gather3A_85, %max3A_145 : vector<16xf32>
      %abs3A_147 = math.absf %gather3A_85 : vector<16xf32>
      %neg3A_148 = arith.constant 0.000000e+00 : f32
      %neg3A_149 = vector.broadcast %neg3A_148 : f32 to vector<16xf32>
      %neg3A_150 = arith.subf %neg3A_149, %abs3A_147 : vector<16xf32>
      %exp3A_151 = math.exp %neg3A_150 : vector<16xf32>
      %add3A_152 = arith.constant 1.000000e+00 : f32
      %add3A_153 = vector.broadcast %add3A_152 : f32 to vector<16xf32>
      %add3A_154 = arith.addf %add3A_153, %exp3A_151 : vector<16xf32>
      %bitcast_convert_type3A_155 = tpu.bitcast %add3A_154 : vector<16xf32> -> vector<16xi32>
      %shift_right_arithmetic3A_156 = arith.constant 23 : i32
      %shift_right_arithmetic3A_157 = vector.broadcast %shift_right_arithmetic3A_156 : i32 to vector<16xi32>
      %shift_right_arithmetic3A_158 = arith.shrsi %bitcast_convert_type3A_155, %shift_right_arithmetic3A_157 : vector<16xi32>
      %sub3A_159 = arith.constant 127 : i32
      %sub3A_160 = vector.broadcast %sub3A_159 : i32 to vector<16xi32>
      %sub3A_161 = arith.subi %shift_right_arithmetic3A_158, %sub3A_160 : vector<16xi32>
      %and3A_162 = arith.constant 8388607 : i32
      %and3A_163 = vector.broadcast %and3A_162 : i32 to vector<16xi32>
      %and3A_164 = arith.andi %bitcast_convert_type3A_155, %and3A_163 : vector<16xi32>
      %or3A_165 = arith.constant 1065353216 : i32
      %or3A_166 = vector.broadcast %or3A_165 : i32 to vector<16xi32>
      %or3A_167 = arith.ori %and3A_164, %or3A_166 : vector<16xi32>
      %bitcast_convert_type3A_168 = tpu.bitcast %or3A_167 : vector<16xi32> -> vector<16xf32>
      %sub3A_169 = arith.constant 1.000000e+00 : f32
      %sub3A_170 = vector.broadcast %sub3A_169 : f32 to vector<16xf32>
      %sub3A_171 = arith.subf %bitcast_convert_type3A_168, %sub3A_170 : vector<16xf32>
      %mul3A_172 = arith.constant 0.0415508077 : f32
      %mul3A_173 = vector.broadcast %mul3A_172 : f32 to vector<16xf32>
      %mul3A_174 = arith.mulf %mul3A_173, %sub3A_171 : vector<16xf32>
      %add3A_175 = arith.constant -0.157837749 : f32
      %add3A_176 = vector.broadcast %add3A_175 : f32 to vector<16xf32>
      %add3A_177 = arith.addf %mul3A_174, %add3A_176 : vector<16xf32>
      %mul3A_178 = arith.mulf %add3A_177, %sub3A_171 : vector<16xf32>
      %add3A_179 = arith.constant 0.306560695 : f32
      %add3A_180 = vector.broadcast %add3A_179 : f32 to vector<16xf32>
      %add3A_181 = arith.addf %mul3A_178, %add3A_180 : vector<16xf32>
      %mul3A_182 = arith.mulf %add3A_181, %sub3A_171 : vector<16xf32>
      %add3A_183 = arith.constant -0.497030735 : f32
      %add3A_184 = vector.broadcast %add3A_183 : f32 to vector<16xf32>
      %add3A_185 = arith.addf %mul3A_182, %add3A_184 : vector<16xf32>
      %mul3A_186 = arith.mulf %add3A_185, %sub3A_171 : vector<16xf32>
      %add3A_187 = arith.constant 0.999944984 : f32
      %add3A_188 = vector.broadcast %add3A_187 : f32 to vector<16xf32>
      %add3A_189 = arith.addf %mul3A_186, %add3A_188 : vector<16xf32>
      %mul3A_190 = arith.mulf %sub3A_171, %add3A_189 : vector<16xf32>
      %convert_element_type3A_191 = arith.sitofp %sub3A_161 : vector<16xi32> to vector<16xf32>
      %mul3A_192 = arith.constant 0.693147182 : f32
      %mul3A_193 = vector.broadcast %mul3A_192 : f32 to vector<16xf32>
      %mul3A_194 = arith.mulf %convert_element_type3A_191, %mul3A_193 : vector<16xf32>
      %add3A_195 = arith.addf %mul3A_190, %mul3A_194 : vector<16xf32>
      %add3A_196 = arith.addf %max3A_146, %add3A_195 : vector<16xf32>
      %add3A_197 = arith.addf %add3A_143, %add3A_196 : vector<16xf32>
      %max3A_198 = arith.constant 0.000000e+00 : f32
      %max3A_199 = vector.broadcast %max3A_198 : f32 to vector<16xf32>
      %max3A_200 = arith.maximumf %gather3A_89, %max3A_199 : vector<16xf32>
      %abs3A_201 = math.absf %gather3A_89 : vector<16xf32>
      %neg3A_202 = arith.constant 0.000000e+00 : f32
      %neg3A_203 = vector.broadcast %neg3A_202 : f32 to vector<16xf32>
      %neg3A_204 = arith.subf %neg3A_203, %abs3A_201 : vector<16xf32>
      %exp3A_205 = math.exp %neg3A_204 : vector<16xf32>
      %add3A_206 = arith.constant 1.000000e+00 : f32
      %add3A_207 = vector.broadcast %add3A_206 : f32 to vector<16xf32>
      %add3A_208 = arith.addf %add3A_207, %exp3A_205 : vector<16xf32>
      %bitcast_convert_type3A_209 = tpu.bitcast %add3A_208 : vector<16xf32> -> vector<16xi32>
      %shift_right_arithmetic3A_210 = arith.constant 23 : i32
      %shift_right_arithmetic3A_211 = vector.broadcast %shift_right_arithmetic3A_210 : i32 to vector<16xi32>
      %shift_right_arithmetic3A_212 = arith.shrsi %bitcast_convert_type3A_209, %shift_right_arithmetic3A_211 : vector<16xi32>
      %sub3A_213 = arith.constant 127 : i32
      %sub3A_214 = vector.broadcast %sub3A_213 : i32 to vector<16xi32>
      %sub3A_215 = arith.subi %shift_right_arithmetic3A_212, %sub3A_214 : vector<16xi32>
      %and3A_216 = arith.constant 8388607 : i32
      %and3A_217 = vector.broadcast %and3A_216 : i32 to vector<16xi32>
      %and3A_218 = arith.andi %bitcast_convert_type3A_209, %and3A_217 : vector<16xi32>
      %or3A_219 = arith.constant 1065353216 : i32
      %or3A_220 = vector.broadcast %or3A_219 : i32 to vector<16xi32>
      %or3A_221 = arith.ori %and3A_218, %or3A_220 : vector<16xi32>
      %bitcast_convert_type3A_222 = tpu.bitcast %or3A_221 : vector<16xi32> -> vector<16xf32>
      %sub3A_223 = arith.constant 1.000000e+00 : f32
      %sub3A_224 = vector.broadcast %sub3A_223 : f32 to vector<16xf32>
      %sub3A_225 = arith.subf %bitcast_convert_type3A_222, %sub3A_224 : vector<16xf32>
      %mul3A_226 = arith.constant 0.0415508077 : f32
      %mul3A_227 = vector.broadcast %mul3A_226 : f32 to vector<16xf32>
      %mul3A_228 = arith.mulf %mul3A_227, %sub3A_225 : vector<16xf32>
      %add3A_229 = arith.constant -0.157837749 : f32
      %add3A_230 = vector.broadcast %add3A_229 : f32 to vector<16xf32>
      %add3A_231 = arith.addf %mul3A_228, %add3A_230 : vector<16xf32>
      %mul3A_232 = arith.mulf %add3A_231, %sub3A_225 : vector<16xf32>
      %add3A_233 = arith.constant 0.306560695 : f32
      %add3A_234 = vector.broadcast %add3A_233 : f32 to vector<16xf32>
      %add3A_235 = arith.addf %mul3A_232, %add3A_234 : vector<16xf32>
      %mul3A_236 = arith.mulf %add3A_235, %sub3A_225 : vector<16xf32>
      %add3A_237 = arith.constant -0.497030735 : f32
      %add3A_238 = vector.broadcast %add3A_237 : f32 to vector<16xf32>
      %add3A_239 = arith.addf %mul3A_236, %add3A_238 : vector<16xf32>
      %mul3A_240 = arith.mulf %add3A_239, %sub3A_225 : vector<16xf32>
      %add3A_241 = arith.constant 0.999944984 : f32
      %add3A_242 = vector.broadcast %add3A_241 : f32 to vector<16xf32>
      %add3A_243 = arith.addf %mul3A_240, %add3A_242 : vector<16xf32>
      %mul3A_244 = arith.mulf %sub3A_225, %add3A_243 : vector<16xf32>
      %convert_element_type3A_245 = arith.sitofp %sub3A_215 : vector<16xi32> to vector<16xf32>
      %mul3A_246 = arith.constant 0.693147182 : f32
      %mul3A_247 = vector.broadcast %mul3A_246 : f32 to vector<16xf32>
      %mul3A_248 = arith.mulf %convert_element_type3A_245, %mul3A_247 : vector<16xf32>
      %add3A_249 = arith.addf %mul3A_244, %mul3A_248 : vector<16xf32>
      %add3A_250 = arith.addf %max3A_200, %add3A_249 : vector<16xf32>
      %add3A_251 = arith.addf %add3A_197, %add3A_250 : vector<16xf32>
      tpu.vector_store_idx %arg10[%mul3A_79], %gather3A_80 : memref<4032xf32, #tpu.memory_space<vmem>>[vector<16xi32>], vector<16xf32>,
      %add3A_252 = arith.constant 1 : i32
      %add3A_253 = vector.broadcast %add3A_252 : i32 to vector<16xi32>
      %add3A_254 = arith.addi %mul3A_79, %add3A_253 : vector<16xi32>
      tpu.vector_store_idx %arg10[%add3A_254], %add3A_143 : memref<4032xf32, #tpu.memory_space<vmem>>[vector<16xi32>], vector<16xf32>,
      %add3A_255 = arith.constant 2 : i32
      %add3A_256 = vector.broadcast %add3A_255 : i32 to vector<16xi32>
      %add3A_257 = arith.addi %mul3A_79, %add3A_256 : vector<16xi32>
      tpu.vector_store_idx %arg10[%add3A_257], %add3A_197 : memref<4032xf32, #tpu.memory_space<vmem>>[vector<16xi32>], vector<16xf32>,
      %add3A_258 = arith.constant 3 : i32
      %add3A_259 = vector.broadcast %add3A_258 : i32 to vector<16xi32>
      %add3A_260 = arith.addi %mul3A_79, %add3A_259 : vector<16xi32>
      tpu.vector_store_idx %arg10[%add3A_260], %add3A_251 : memref<4032xf32, #tpu.memory_space<vmem>>[vector<16xi32>], vector<16xf32>,
    }
    %scan3A_8 = arith.constant 63 : i32
    %min3A = arith.constant 214 : i32
    %min3A_9 = arith.minsi %add3A, %min3A : i32
    %mul3A_10 = arith.constant 4000 : i32
    %mul3A_11 = arith.muli %min3A_9, %mul3A_10 : i32
    %dma_start3A = tpu.memref_slice %arg2[%mul3A_11] : memref<860000xi32, #tpu.memory_space<hbm>> -> memref<4000xi32, #tpu.memory_space<hbm>>
    %dma_start3A_12 = tpu.memref_slice %arg2[%mul3A_11] : memref<860000xi32, #tpu.memory_space<hbm>> -> memref<4000xi32, #tpu.memory_space<hbm>>
    tpu.enqueue_dma source(%dma_start3A_12 : memref<4000xi32, #tpu.memory_space<hbm>>) target(%arg13 : memref<4000xi32, #tpu.memory_space<vmem>>) target_semaphore(%arg16 : memref<!tpu.dma_semaphore, #tpu.memory_space<semaphore_mem>>)
    %broadcast_in_dim3A_13 = arith.constant 0.000000e+00 : f32
    %broadcast_in_dim3A_14 = vector.broadcast %broadcast_in_dim3A_13 : f32 to vector<16xf32>
    %scan3A_15 = arith.constant 0 : i32
    %scan3A_16 = arith.constant 4 : i32
    %scan3A_17 = arith.addi %scan3A_15, %scan3A_16 : i32
    %scan3A_18 = arith.constant 1 : i32
    %scan3A_19 = scf.for %scan3A_25 = %scan3A_15 to %scan3A_17 step %scan3A_18 iter_args(%scan3A_26 = %broadcast_in_dim3A_14) -> (vector<16xf32>)  : i32 {
      %mul3A_27 = arith.constant 2 : i32
      %mul3A_28 = arith.muli %scan3A_25, %mul3A_27 : i32
      %mul3A_29 = arith.constant 32 : i32
      %mul3A_30 = arith.muli %mul3A_28, %mul3A_29 : i32
      %add3A_31 = arith.addi %add3A, %mul3A_30 : i32
      %add3A_32 = arith.constant 32 : i32
      %add3A_33 = arith.addi %add3A_31, %add3A_32 : i32
      %min3A_34 = arith.constant 214 : i32
      %min3A_35 = arith.minsi %add3A_33, %min3A_34 : i32
      %mul3A_36 = arith.constant 4000 : i32
      %mul3A_37 = arith.muli %min3A_35, %mul3A_36 : i32
      %dma_start3A_38 = tpu.memref_slice %arg2[%mul3A_37] : memref<860000xi32, #tpu.memory_space<hbm>> -> memref<4000xi32, #tpu.memory_space<hbm>>
      %dma_start3A_39 = tpu.memref_slice %arg2[%mul3A_37] : memref<860000xi32, #tpu.memory_space<hbm>> -> memref<4000xi32, #tpu.memory_space<hbm>>
      tpu.enqueue_dma source(%dma_start3A_39 : memref<4000xi32, #tpu.memory_space<hbm>>) target(%arg14 : memref<4000xi32, #tpu.memory_space<vmem>>) target_semaphore(%arg17 : memref<!tpu.dma_semaphore, #tpu.memory_space<semaphore_mem>>)
      %dma_wait3A = arith.constant 0 : i32
      %dma_wait3A_40 = tpu.memref_slice %arg2[%dma_wait3A] : memref<860000xi32, #tpu.memory_space<hbm>> -> memref<4000xi32, #tpu.memory_space<hbm>>
      %dma_wait3A_41 = arith.constant 0 : i32
      %dma_wait3A_42 = tpu.memref_slice %arg2[%dma_wait3A_41] : memref<860000xi32, #tpu.memory_space<hbm>> -> memref<4000xi32, #tpu.memory_space<hbm>>
      tpu.wait_dma2 semaphore(%arg16 : memref<!tpu.dma_semaphore, #tpu.memory_space<semaphore_mem>>) src(%dma_wait3A_42 : memref<4000xi32, #tpu.memory_space<hbm>>) dst(%arg13 : memref<4000xi32, #tpu.memory_space<vmem>>)
      %broadcast_in_dim3A_43 = vector.broadcast %add3A_31 : i32 to vector<16xi32>
      %lt3A = arith.constant 215 : i32
      %lt3A_44 = vector.broadcast %lt3A : i32 to vector<16xi32>
      %lt3A_45 = arith.cmpi slt, %broadcast_in_dim3A_43, %lt3A_44 : vector<16xi32>
      %broadcast_in_dim3A_46 = arith.constant 1.000000e+00 : f32
      %broadcast_in_dim3A_47 = vector.broadcast %broadcast_in_dim3A_46 : f32 to vector<16xf32>
      %broadcast_in_dim3A_48 = arith.constant 0 : i32
      %broadcast_in_dim3A_49 = vector.broadcast %broadcast_in_dim3A_48 : i32 to vector<16xi32>
      %scan3A_50 = arith.constant 0 : i32
      %scan3A_51 = arith.constant 250 : i32
      %scan3A_52 = arith.addi %scan3A_50, %scan3A_51 : i32
      %scan3A_53 = arith.constant 1 : i32
      %scan3A_54:2 = scf.for %scan3A_181 = %scan3A_50 to %scan3A_52 step %scan3A_53 iter_args(%scan3A_182 = %broadcast_in_dim3A_47, %scan3A_183 = %broadcast_in_dim3A_49) -> (vector<16xf32>, vector<16xi32>)  : i32 {
        %mul3A_184 = arith.constant 16 : i32
        %mul3A_185 = arith.muli %scan3A_181, %mul3A_184 : i32
        %add3A_186 = vector.broadcast %mul3A_185 : i32 to vector<16xi32>
        %add3A_187 = arith.addi %iota3A, %add3A_186 : vector<16xi32>
        %gather3A = tpu.vector_load_idx %arg13[%add3A_187] : memref<4000xi32, #tpu.memory_space<vmem>>[vector<16xi32>], vector<16xi32>,
        %and3A_188 = arith.constant 1023 : i32
        %and3A_189 = vector.broadcast %and3A_188 : i32 to vector<16xi32>
        %and3A_190 = arith.andi %gather3A, %and3A_189 : vector<16xi32>
        %shift_right_arithmetic3A_191 = arith.constant 10 : i32
        %shift_right_arithmetic3A_192 = vector.broadcast %shift_right_arithmetic3A_191 : i32 to vector<16xi32>
        %shift_right_arithmetic3A_193 = arith.shrsi %gather3A, %shift_right_arithmetic3A_192 : vector<16xi32>
        %and3A_194 = arith.constant 7 : i32
        %and3A_195 = vector.broadcast %and3A_194 : i32 to vector<16xi32>
        %and3A_196 = arith.andi %shift_right_arithmetic3A_193, %and3A_195 : vector<16xi32>
        %shift_right_arithmetic3A_197 = arith.constant 13 : i32
        %shift_right_arithmetic3A_198 = vector.broadcast %shift_right_arithmetic3A_197 : i32 to vector<16xi32>
        %shift_right_arithmetic3A_199 = arith.shrsi %gather3A, %shift_right_arithmetic3A_198 : vector<16xi32>
        %gather3A_200 = tpu.vector_load_idx %arg8[%shift_right_arithmetic3A_199] : memref<100000xf32, #tpu.memory_space<vmem>>[vector<16xi32>], vector<16xf32>,
        %gather3A_201 = tpu.vector_load_idx %arg9[%and3A_190] : memref<1008xf32, #tpu.memory_space<vmem>>[vector<16xi32>], vector<16xf32>,
        %mul3A_202 = arith.constant 4 : i32
        %mul3A_203 = vector.broadcast %mul3A_202 : i32 to vector<16xi32>
        %mul3A_204 = arith.muli %and3A_190, %mul3A_203 : vector<16xi32>
        %sub3A_205 = arith.constant 1 : i32
        %sub3A_206 = vector.broadcast %sub3A_205 : i32 to vector<16xi32>
        %sub3A_207 = arith.subi %and3A_196, %sub3A_206 : vector<16xi32>
        %max3A = arith.constant 0 : i32
        %max3A_208 = vector.broadcast %max3A : i32 to vector<16xi32>
        %max3A_209 = arith.maxsi %sub3A_207, %max3A_208 : vector<16xi32>
        %add3A_210 = arith.addi %mul3A_204, %max3A_209 : vector<16xi32>
        %gather3A_211 = tpu.vector_load_idx %arg10[%add3A_210] : memref<4032xf32, #tpu.memory_space<vmem>>[vector<16xi32>], vector<16xf32>,
        %min3A_212 = arith.constant 3 : i32
        %min3A_213 = vector.broadcast %min3A_212 : i32 to vector<16xi32>
        %min3A_214 = arith.minsi %and3A_196, %min3A_213 : vector<16xi32>
        %add3A_215 = arith.addi %mul3A_204, %min3A_214 : vector<16xi32>
        %gather3A_216 = tpu.vector_load_idx %arg10[%add3A_215] : memref<4032xf32, #tpu.memory_space<vmem>>[vector<16xi32>], vector<16xf32>,
        %sub3A_217 = arith.subf %gather3A_211, %gather3A_200 : vector<16xf32>
        %mul3A_218 = arith.mulf %gather3A_201, %sub3A_217 : vector<16xf32>
        %exp3A = math.exp %mul3A_218 : vector<16xf32>
        %add3A_219 = arith.constant 1.000000e+00 : f32
        %add3A_220 = vector.broadcast %add3A_219 : f32 to vector<16xf32>
        %add3A_221 = arith.addf %add3A_220, %exp3A : vector<16xf32>
        %div3A = arith.constant 1.000000e+00 : f32
        %div3A_222 = vector.broadcast %div3A : f32 to vector<16xf32>
        %div3A_223 = arith.divf %div3A_222, %add3A_221 : vector<16xf32>
        %sub3A_224 = arith.subf %gather3A_216, %gather3A_200 : vector<16xf32>
        %mul3A_225 = arith.mulf %gather3A_201, %sub3A_224 : vector<16xf32>
        %exp3A_226 = math.exp %mul3A_225 : vector<16xf32>
        %add3A_227 = arith.constant 1.000000e+00 : f32
        %add3A_228 = vector.broadcast %add3A_227 : f32 to vector<16xf32>
        %add3A_229 = arith.addf %add3A_228, %exp3A_226 : vector<16xf32>
        %div3A_230 = arith.constant 1.000000e+00 : f32
        %div3A_231 = vector.broadcast %div3A_230 : f32 to vector<16xf32>
        %div3A_232 = arith.divf %div3A_231, %add3A_229 : vector<16xf32>
        %eq3A_233 = arith.constant 0 : i32
        %eq3A_234 = vector.broadcast %eq3A_233 : i32 to vector<16xi32>
        %eq3A_235 = arith.cmpi eq, %and3A_196, %eq3A_234 : vector<16xi32>
        %jit3A_236 = arith.constant 1.000000e+00 : f32
        %broadcast_in_dim3A_237 = vector.broadcast %jit3A_236 : f32 to vector<16xf32>
        %select_n3A_238 = arith.select %eq3A_235, %broadcast_in_dim3A_237, %div3A_223 : vector<16xi1>, vector<16xf32>
        %eq3A_239 = arith.constant 4 : i32
        %eq3A_240 = vector.broadcast %eq3A_239 : i32 to vector<16xi32>
        %eq3A_241 = arith.cmpi eq, %and3A_196, %eq3A_240 : vector<16xi32>
        %jit3A_242 = arith.constant 0.000000e+00 : f32
        %broadcast_in_dim3A_243 = vector.broadcast %jit3A_242 : f32 to vector<16xf32>
        %select_n3A_244 = arith.select %eq3A_241, %broadcast_in_dim3A_243, %div3A_232 : vector<16xi1>, vector<16xf32>
        %sub3A_245 = arith.subf %select_n3A_238, %select_n3A_244 : vector<16xf32>
        %max3A_246 = arith.constant 9.99999996E-13 : f32
        %max3A_247 = vector.broadcast %max3A_246 : f32 to vector<16xf32>
        %max3A_248 = arith.maximumf %sub3A_245, %max3A_247 : vector<16xf32>
        %mul3A_249 = arith.mulf %scan3A_182, %max3A_248 : vector<16xf32>
        %bitcast_convert_type3A_250 = tpu.bitcast %mul3A_249 : vector<16xf32> -> vector<16xi32>
        %shift_right_arithmetic3A_251 = arith.constant 23 : i32
        %shift_right_arithmetic3A_252 = vector.broadcast %shift_right_arithmetic3A_251 : i32 to vector<16xi32>
        %shift_right_arithmetic3A_253 = arith.shrsi %bitcast_convert_type3A_250, %shift_right_arithmetic3A_252 : vector<16xi32>
        %add3A_254 = arith.addi %scan3A_183, %shift_right_arithmetic3A_253 : vector<16xi32>
        %and3A_255 = arith.constant 8388607 : i32
        %and3A_256 = vector.broadcast %and3A_255 : i32 to vector<16xi32>
        %and3A_257 = arith.andi %bitcast_convert_type3A_250, %and3A_256 : vector<16xi32>
        %or3A_258 = arith.constant 1065353216 : i32
        %or3A_259 = vector.broadcast %or3A_258 : i32 to vector<16xi32>
        %or3A_260 = arith.ori %and3A_257, %or3A_259 : vector<16xi32>
        %bitcast_convert_type3A_261 = tpu.bitcast %or3A_260 : vector<16xi32> -> vector<16xf32>
        scf.yield %bitcast_convert_type3A_261, %add3A_254 : vector<16xf32>, vector<16xi32>
      }
      %scan3A_55 = arith.constant 250 : i32
      %bitcast_convert_type3A = tpu.bitcast %scan3A_54#0 : vector<16xf32> -> vector<16xi32>
      %shift_right_arithmetic3A = arith.constant 23 : i32
      %shift_right_arithmetic3A_56 = vector.broadcast %shift_right_arithmetic3A : i32 to vector<16xi32>
      %shift_right_arithmetic3A_57 = arith.shrsi %bitcast_convert_type3A, %shift_right_arithmetic3A_56 : vector<16xi32>
      %sub3A_58 = arith.constant 127 : i32
      %sub3A_59 = vector.broadcast %sub3A_58 : i32 to vector<16xi32>
      %sub3A_60 = arith.subi %shift_right_arithmetic3A_57, %sub3A_59 : vector<16xi32>
      %and3A = arith.constant 8388607 : i32
      %and3A_61 = vector.broadcast %and3A : i32 to vector<16xi32>
      %and3A_62 = arith.andi %bitcast_convert_type3A, %and3A_61 : vector<16xi32>
      %or3A = arith.constant 1065353216 : i32
      %or3A_63 = vector.broadcast %or3A : i32 to vector<16xi32>
      %or3A_64 = arith.ori %and3A_62, %or3A_63 : vector<16xi32>
      %bitcast_convert_type3A_65 = tpu.bitcast %or3A_64 : vector<16xi32> -> vector<16xf32>
      %sub3A_66 = arith.constant 1.000000e+00 : f32
      %sub3A_67 = vector.broadcast %sub3A_66 : f32 to vector<16xf32>
      %sub3A_68 = arith.subf %bitcast_convert_type3A_65, %sub3A_67 : vector<16xf32>
      %mul3A_69 = arith.constant 0.0415508077 : f32
      %mul3A_70 = vector.broadcast %mul3A_69 : f32 to vector<16xf32>
      %mul3A_71 = arith.mulf %mul3A_70, %sub3A_68 : vector<16xf32>
      %add3A_72 = arith.constant -0.157837749 : f32
      %add3A_73 = vector.broadcast %add3A_72 : f32 to vector<16xf32>
      %add3A_74 = arith.addf %mul3A_71, %add3A_73 : vector<16xf32>
      %mul3A_75 = arith.mulf %add3A_74, %sub3A_68 : vector<16xf32>
      %add3A_76 = arith.constant 0.306560695 : f32
      %add3A_77 = vector.broadcast %add3A_76 : f32 to vector<16xf32>
      %add3A_78 = arith.addf %mul3A_75, %add3A_77 : vector<16xf32>
      %mul3A_79 = arith.mulf %add3A_78, %sub3A_68 : vector<16xf32>
      %add3A_80 = arith.constant -0.497030735 : f32
      %add3A_81 = vector.broadcast %add3A_80 : f32 to vector<16xf32>
      %add3A_82 = arith.addf %mul3A_79, %add3A_81 : vector<16xf32>
      %mul3A_83 = arith.mulf %add3A_82, %sub3A_68 : vector<16xf32>
      %add3A_84 = arith.constant 0.999944984 : f32
      %add3A_85 = vector.broadcast %add3A_84 : f32 to vector<16xf32>
      %add3A_86 = arith.addf %mul3A_83, %add3A_85 : vector<16xf32>
      %mul3A_87 = arith.mulf %sub3A_68, %add3A_86 : vector<16xf32>
      %convert_element_type3A = arith.sitofp %sub3A_60 : vector<16xi32> to vector<16xf32>
      %mul3A_88 = arith.constant 0.693147182 : f32
      %mul3A_89 = vector.broadcast %mul3A_88 : f32 to vector<16xf32>
      %mul3A_90 = arith.mulf %convert_element_type3A, %mul3A_89 : vector<16xf32>
      %add3A_91 = arith.addf %mul3A_87, %mul3A_90 : vector<16xf32>
      %sub3A_92 = arith.constant 31750 : i32
      %sub3A_93 = vector.broadcast %sub3A_92 : i32 to vector<16xi32>
      %sub3A_94 = arith.subi %scan3A_54#1, %sub3A_93 : vector<16xi32>
      %convert_element_type3A_95 = arith.sitofp %sub3A_94 : vector<16xi32> to vector<16xf32>
      %mul3A_96 = arith.constant 0.693147182 : f32
      %mul3A_97 = vector.broadcast %mul3A_96 : f32 to vector<16xf32>
      %mul3A_98 = arith.mulf %convert_element_type3A_95, %mul3A_97 : vector<16xf32>
      %add3A_99 = arith.addf %add3A_91, %mul3A_98 : vector<16xf32>
      %jit3A = arith.constant 0.000000e+00 : f32
      %broadcast_in_dim3A_100 = vector.broadcast %jit3A : f32 to vector<16xf32>
      %select_n3A = arith.select %lt3A_45, %add3A_99, %broadcast_in_dim3A_100 : vector<16xi1>, vector<16xf32>
      %add3A_101 = arith.addf %scan3A_26, %select_n3A : vector<16xf32>
      %add3A_102 = arith.constant 2 : i32
      %add3A_103 = arith.addi %mul3A_28, %add3A_102 : i32
      %lt3A_104 = arith.constant 8 : i32
      %lt3A_105 = arith.cmpi slt, %add3A_103, %lt3A_104 : i32
      %convert_element_type3A_106 = arith.extui %lt3A_105 : i1 to i32
      %cond3A = arith.constant 0 : i32
      %cond3A_107 = arith.cmpi ne, %convert_element_type3A_106, %cond3A : i32
      scf.if %cond3A_107 {
        %add3A_181 = arith.constant 64 : i32
        %add3A_182 = arith.addi %add3A_31, %add3A_181 : i32
        %min3A_183 = arith.constant 214 : i32
        %min3A_184 = arith.minsi %add3A_182, %min3A_183 : i32
        %mul3A_185 = arith.constant 4000 : i32
        %mul3A_186 = arith.muli %min3A_184, %mul3A_185 : i32
        %dma_start3A_187 = tpu.memref_slice %arg2[%mul3A_186] : memref<860000xi32, #tpu.memory_space<hbm>> -> memref<4000xi32, #tpu.memory_space<hbm>>
        %dma_start3A_188 = tpu.memref_slice %arg2[%mul3A_186] : memref<860000xi32, #tpu.memory_space<hbm>> -> memref<4000xi32, #tpu.memory_space<hbm>>
        tpu.enqueue_dma source(%dma_start3A_188 : memref<4000xi32, #tpu.memory_space<hbm>>) target(%arg13 : memref<4000xi32, #tpu.memory_space<vmem>>) target_semaphore(%arg16 : memref<!tpu.dma_semaphore, #tpu.memory_space<semaphore_mem>>)
      } else {
      }
      %dma_wait3A_108 = arith.constant 0 : i32
      %dma_wait3A_109 = tpu.memref_slice %arg2[%dma_wait3A_108] : memref<860000xi32, #tpu.memory_space<hbm>> -> memref<4000xi32, #tpu.memory_space<hbm>>
      %dma_wait3A_110 = arith.constant 0 : i32
      %dma_wait3A_111 = tpu.memref_slice %arg2[%dma_wait3A_110] : memref<860000xi32, #tpu.memory_space<hbm>> -> memref<4000xi32, #tpu.memory_space<hbm>>
      tpu.wait_dma2 semaphore(%arg17 : memref<!tpu.dma_semaphore, #tpu.memory_space<semaphore_mem>>) src(%dma_wait3A_111 : memref<4000xi32, #tpu.memory_space<hbm>>) dst(%arg14 : memref<4000xi32, #tpu.memory_space<vmem>>)
      %add3A_112 = arith.constant 32 : i32
      %add3A_113 = arith.addi %add3A_31, %add3A_112 : i32
      %broadcast_in_dim3A_114 = vector.broadcast %add3A_113 : i32 to vector<16xi32>
      %lt3A_115 = arith.constant 215 : i32
      %lt3A_116 = vector.broadcast %lt3A_115 : i32 to vector<16xi32>
      %lt3A_117 = arith.cmpi slt, %broadcast_in_dim3A_114, %lt3A_116 : vector<16xi32>
      %broadcast_in_dim3A_118 = arith.constant 1.000000e+00 : f32
      %broadcast_in_dim3A_119 = vector.broadcast %broadcast_in_dim3A_118 : f32 to vector<16xf32>
      %broadcast_in_dim3A_120 = arith.constant 0 : i32
      %broadcast_in_dim3A_121 = vector.broadcast %broadcast_in_dim3A_120 : i32 to vector<16xi32>
      %scan3A_122 = arith.constant 0 : i32
      %scan3A_123 = arith.constant 250 : i32
      %scan3A_124 = arith.addi %scan3A_122, %scan3A_123 : i32
      %scan3A_125 = arith.constant 1 : i32
      %scan3A_126:2 = scf.for %scan3A_181 = %scan3A_122 to %scan3A_124 step %scan3A_125 iter_args(%scan3A_182 = %broadcast_in_dim3A_119, %scan3A_183 = %broadcast_in_dim3A_121) -> (vector<16xf32>, vector<16xi32>)  : i32 {
        %mul3A_184 = arith.constant 16 : i32
        %mul3A_185 = arith.muli %scan3A_181, %mul3A_184 : i32
        %add3A_186 = vector.broadcast %mul3A_185 : i32 to vector<16xi32>
        %add3A_187 = arith.addi %iota3A, %add3A_186 : vector<16xi32>
        %gather3A = tpu.vector_load_idx %arg14[%add3A_187] : memref<4000xi32, #tpu.memory_space<vmem>>[vector<16xi32>], vector<16xi32>,
        %and3A_188 = arith.constant 1023 : i32
        %and3A_189 = vector.broadcast %and3A_188 : i32 to vector<16xi32>
        %and3A_190 = arith.andi %gather3A, %and3A_189 : vector<16xi32>
        %shift_right_arithmetic3A_191 = arith.constant 10 : i32
        %shift_right_arithmetic3A_192 = vector.broadcast %shift_right_arithmetic3A_191 : i32 to vector<16xi32>
        %shift_right_arithmetic3A_193 = arith.shrsi %gather3A, %shift_right_arithmetic3A_192 : vector<16xi32>
        %and3A_194 = arith.constant 7 : i32
        %and3A_195 = vector.broadcast %and3A_194 : i32 to vector<16xi32>
        %and3A_196 = arith.andi %shift_right_arithmetic3A_193, %and3A_195 : vector<16xi32>
        %shift_right_arithmetic3A_197 = arith.constant 13 : i32
        %shift_right_arithmetic3A_198 = vector.broadcast %shift_right_arithmetic3A_197 : i32 to vector<16xi32>
        %shift_right_arithmetic3A_199 = arith.shrsi %gather3A, %shift_right_arithmetic3A_198 : vector<16xi32>
        %gather3A_200 = tpu.vector_load_idx %arg8[%shift_right_arithmetic3A_199] : memref<100000xf32, #tpu.memory_space<vmem>>[vector<16xi32>], vector<16xf32>,
        %gather3A_201 = tpu.vector_load_idx %arg9[%and3A_190] : memref<1008xf32, #tpu.memory_space<vmem>>[vector<16xi32>], vector<16xf32>,
        %mul3A_202 = arith.constant 4 : i32
        %mul3A_203 = vector.broadcast %mul3A_202 : i32 to vector<16xi32>
        %mul3A_204 = arith.muli %and3A_190, %mul3A_203 : vector<16xi32>
        %sub3A_205 = arith.constant 1 : i32
        %sub3A_206 = vector.broadcast %sub3A_205 : i32 to vector<16xi32>
        %sub3A_207 = arith.subi %and3A_196, %sub3A_206 : vector<16xi32>
        %max3A = arith.constant 0 : i32
        %max3A_208 = vector.broadcast %max3A : i32 to vector<16xi32>
        %max3A_209 = arith.maxsi %sub3A_207, %max3A_208 : vector<16xi32>
        %add3A_210 = arith.addi %mul3A_204, %max3A_209 : vector<16xi32>
        %gather3A_211 = tpu.vector_load_idx %arg10[%add3A_210] : memref<4032xf32, #tpu.memory_space<vmem>>[vector<16xi32>], vector<16xf32>,
        %min3A_212 = arith.constant 3 : i32
        %min3A_213 = vector.broadcast %min3A_212 : i32 to vector<16xi32>
        %min3A_214 = arith.minsi %and3A_196, %min3A_213 : vector<16xi32>
        %add3A_215 = arith.addi %mul3A_204, %min3A_214 : vector<16xi32>
        %gather3A_216 = tpu.vector_load_idx %arg10[%add3A_215] : memref<4032xf32, #tpu.memory_space<vmem>>[vector<16xi32>], vector<16xf32>,
        %sub3A_217 = arith.subf %gather3A_211, %gather3A_200 : vector<16xf32>
        %mul3A_218 = arith.mulf %gather3A_201, %sub3A_217 : vector<16xf32>
        %exp3A = math.exp %mul3A_218 : vector<16xf32>
        %add3A_219 = arith.constant 1.000000e+00 : f32
        %add3A_220 = vector.broadcast %add3A_219 : f32 to vector<16xf32>
        %add3A_221 = arith.addf %add3A_220, %exp3A : vector<16xf32>
        %div3A = arith.constant 1.000000e+00 : f32
        %div3A_222 = vector.broadcast %div3A : f32 to vector<16xf32>
        %div3A_223 = arith.divf %div3A_222, %add3A_221 : vector<16xf32>
        %sub3A_224 = arith.subf %gather3A_216, %gather3A_200 : vector<16xf32>
        %mul3A_225 = arith.mulf %gather3A_201, %sub3A_224 : vector<16xf32>
        %exp3A_226 = math.exp %mul3A_225 : vector<16xf32>
        %add3A_227 = arith.constant 1.000000e+00 : f32
        %add3A_228 = vector.broadcast %add3A_227 : f32 to vector<16xf32>
        %add3A_229 = arith.addf %add3A_228, %exp3A_226 : vector<16xf32>
        %div3A_230 = arith.constant 1.000000e+00 : f32
        %div3A_231 = vector.broadcast %div3A_230 : f32 to vector<16xf32>
        %div3A_232 = arith.divf %div3A_231, %add3A_229 : vector<16xf32>
        %eq3A_233 = arith.constant 0 : i32
        %eq3A_234 = vector.broadcast %eq3A_233 : i32 to vector<16xi32>
        %eq3A_235 = arith.cmpi eq, %and3A_196, %eq3A_234 : vector<16xi32>
        %jit3A_236 = arith.constant 1.000000e+00 : f32
        %broadcast_in_dim3A_237 = vector.broadcast %jit3A_236 : f32 to vector<16xf32>
        %select_n3A_238 = arith.select %eq3A_235, %broadcast_in_dim3A_237, %div3A_223 : vector<16xi1>, vector<16xf32>
        %eq3A_239 = arith.constant 4 : i32
        %eq3A_240 = vector.broadcast %eq3A_239 : i32 to vector<16xi32>
        %eq3A_241 = arith.cmpi eq, %and3A_196, %eq3A_240 : vector<16xi32>
        %jit3A_242 = arith.constant 0.000000e+00 : f32
        %broadcast_in_dim3A_243 = vector.broadcast %jit3A_242 : f32 to vector<16xf32>
        %select_n3A_244 = arith.select %eq3A_241, %broadcast_in_dim3A_243, %div3A_232 : vector<16xi1>, vector<16xf32>
        %sub3A_245 = arith.subf %select_n3A_238, %select_n3A_244 : vector<16xf32>
        %max3A_246 = arith.constant 9.99999996E-13 : f32
        %max3A_247 = vector.broadcast %max3A_246 : f32 to vector<16xf32>
        %max3A_248 = arith.maximumf %sub3A_245, %max3A_247 : vector<16xf32>
        %mul3A_249 = arith.mulf %scan3A_182, %max3A_248 : vector<16xf32>
        %bitcast_convert_type3A_250 = tpu.bitcast %mul3A_249 : vector<16xf32> -> vector<16xi32>
        %shift_right_arithmetic3A_251 = arith.constant 23 : i32
        %shift_right_arithmetic3A_252 = vector.broadcast %shift_right_arithmetic3A_251 : i32 to vector<16xi32>
        %shift_right_arithmetic3A_253 = arith.shrsi %bitcast_convert_type3A_250, %shift_right_arithmetic3A_252 : vector<16xi32>
        %add3A_254 = arith.addi %scan3A_183, %shift_right_arithmetic3A_253 : vector<16xi32>
        %and3A_255 = arith.constant 8388607 : i32
        %and3A_256 = vector.broadcast %and3A_255 : i32 to vector<16xi32>
        %and3A_257 = arith.andi %bitcast_convert_type3A_250, %and3A_256 : vector<16xi32>
        %or3A_258 = arith.constant 1065353216 : i32
        %or3A_259 = vector.broadcast %or3A_258 : i32 to vector<16xi32>
        %or3A_260 = arith.ori %and3A_257, %or3A_259 : vector<16xi32>
        %bitcast_convert_type3A_261 = tpu.bitcast %or3A_260 : vector<16xi32> -> vector<16xf32>
        scf.yield %bitcast_convert_type3A_261, %add3A_254 : vector<16xf32>, vector<16xi32>
      }
      %scan3A_127 = arith.constant 250 : i32
      %bitcast_convert_type3A_128 = tpu.bitcast %scan3A_126#0 : vector<16xf32> -> vector<16xi32>
      %shift_right_arithmetic3A_129 = arith.constant 23 : i32
      %shift_right_arithmetic3A_130 = vector.broadcast %shift_right_arithmetic3A_129 : i32 to vector<16xi32>
      %shift_right_arithmetic3A_131 = arith.shrsi %bitcast_convert_type3A_128, %shift_right_arithmetic3A_130 : vector<16xi32>
      %sub3A_132 = arith.constant 127 : i32
      %sub3A_133 = vector.broadcast %sub3A_132 : i32 to vector<16xi32>
      %sub3A_134 = arith.subi %shift_right_arithmetic3A_131, %sub3A_133 : vector<16xi32>
      %and3A_135 = arith.constant 8388607 : i32
      %and3A_136 = vector.broadcast %and3A_135 : i32 to vector<16xi32>
      %and3A_137 = arith.andi %bitcast_convert_type3A_128, %and3A_136 : vector<16xi32>
      %or3A_138 = arith.constant 1065353216 : i32
      %or3A_139 = vector.broadcast %or3A_138 : i32 to vector<16xi32>
      %or3A_140 = arith.ori %and3A_137, %or3A_139 : vector<16xi32>
      %bitcast_convert_type3A_141 = tpu.bitcast %or3A_140 : vector<16xi32> -> vector<16xf32>
      %sub3A_142 = arith.constant 1.000000e+00 : f32
      %sub3A_143 = vector.broadcast %sub3A_142 : f32 to vector<16xf32>
      %sub3A_144 = arith.subf %bitcast_convert_type3A_141, %sub3A_143 : vector<16xf32>
      %mul3A_145 = arith.constant 0.0415508077 : f32
      %mul3A_146 = vector.broadcast %mul3A_145 : f32 to vector<16xf32>
      %mul3A_147 = arith.mulf %mul3A_146, %sub3A_144 : vector<16xf32>
      %add3A_148 = arith.constant -0.157837749 : f32
      %add3A_149 = vector.broadcast %add3A_148 : f32 to vector<16xf32>
      %add3A_150 = arith.addf %mul3A_147, %add3A_149 : vector<16xf32>
      %mul3A_151 = arith.mulf %add3A_150, %sub3A_144 : vector<16xf32>
      %add3A_152 = arith.constant 0.306560695 : f32
      %add3A_153 = vector.broadcast %add3A_152 : f32 to vector<16xf32>
      %add3A_154 = arith.addf %mul3A_151, %add3A_153 : vector<16xf32>
      %mul3A_155 = arith.mulf %add3A_154, %sub3A_144 : vector<16xf32>
      %add3A_156 = arith.constant -0.497030735 : f32
      %add3A_157 = vector.broadcast %add3A_156 : f32 to vector<16xf32>
      %add3A_158 = arith.addf %mul3A_155, %add3A_157 : vector<16xf32>
      %mul3A_159 = arith.mulf %add3A_158, %sub3A_144 : vector<16xf32>
      %add3A_160 = arith.constant 0.999944984 : f32
      %add3A_161 = vector.broadcast %add3A_160 : f32 to vector<16xf32>
      %add3A_162 = arith.addf %mul3A_159, %add3A_161 : vector<16xf32>
      %mul3A_163 = arith.mulf %sub3A_144, %add3A_162 : vector<16xf32>
      %convert_element_type3A_164 = arith.sitofp %sub3A_134 : vector<16xi32> to vector<16xf32>
      %mul3A_165 = arith.constant 0.693147182 : f32
      %mul3A_166 = vector.broadcast %mul3A_165 : f32 to vector<16xf32>
      %mul3A_167 = arith.mulf %convert_element_type3A_164, %mul3A_166 : vector<16xf32>
      %add3A_168 = arith.addf %mul3A_163, %mul3A_167 : vector<16xf32>
      %sub3A_169 = arith.constant 31750 : i32
      %sub3A_170 = vector.broadcast %sub3A_169 : i32 to vector<16xi32>
      %sub3A_171 = arith.subi %scan3A_126#1, %sub3A_170 : vector<16xi32>
      %convert_element_type3A_172 = arith.sitofp %sub3A_171 : vector<16xi32> to vector<16xf32>
      %mul3A_173 = arith.constant 0.693147182 : f32
      %mul3A_174 = vector.broadcast %mul3A_173 : f32 to vector<16xf32>
      %mul3A_175 = arith.mulf %convert_element_type3A_172, %mul3A_174 : vector<16xf32>
      %add3A_176 = arith.addf %add3A_168, %mul3A_175 : vector<16xf32>
      %jit3A_177 = arith.constant 0.000000e+00 : f32
      %broadcast_in_dim3A_178 = vector.broadcast %jit3A_177 : f32 to vector<16xf32>
      %select_n3A_179 = arith.select %lt3A_117, %add3A_176, %broadcast_in_dim3A_178 : vector<16xi1>, vector<16xf32>
      %add3A_180 = arith.addf %add3A_101, %select_n3A_179 : vector<16xf32>
      scf.yield %add3A_180 : vector<16xf32>
    }
    %scan3A_20 = arith.constant 4 : i32
    %mul3A_21 = arith.constant 5.000000e-01 : f32
    %mul3A_22 = vector.broadcast %mul3A_21 : f32 to vector<16xf32>
    %mul3A_23 = arith.mulf %mul3A_22, %broadcast_in_dim3A_4 : vector<16xf32>
    %sub3A = arith.subf %scan3A_19, %mul3A_23 : vector<16xf32>
    %swap3A = arith.constant 0 : index
    %swap3A_24 = tpu.vector_load %arg15[%swap3A] {strides = array<i32>} : memref<16xf32, #tpu.memory_space<vmem>>, vector<16xf32>,
    tpu.vector_store %arg15[%swap3A], %sub3A {strides = array<i32>} : memref<16xf32, #tpu.memory_space<vmem>>, vector<16xf32>,
    "tpu.region"() ({
      %run_scoped3A = tpu.sem_alloc : memref<!tpu.dma_semaphore, #tpu.memory_space<semaphore_mem>>
      %dma_start3A_25 = arith.constant 0 : i32
      %dma_start3A_26 = tpu.memref_slice %arg7[%add3A, %dma_start3A_25] : memref<32x16xf32, #tpu.memory_space<hbm>> -> memref<1x16xf32, #tpu.memory_space<hbm>>
      %dma_start3A_27 = tpu.memref_squeeze %dma_start3A_26 : memref<1x16xf32, #tpu.memory_space<hbm>> -> memref<16xf32, #tpu.memory_space<hbm>>
      %dma_start3A_28 = arith.constant 0 : i32
      %dma_start3A_29 = tpu.memref_slice %arg7[%add3A, %dma_start3A_28] : memref<32x16xf32, #tpu.memory_space<hbm>> -> memref<1x16xf32, #tpu.memory_space<hbm>>
      %dma_start3A_30 = tpu.memref_squeeze %dma_start3A_29 : memref<1x16xf32, #tpu.memory_space<hbm>> -> memref<16xf32, #tpu.memory_space<hbm>>
      tpu.enqueue_dma source(%arg15 : memref<16xf32, #tpu.memory_space<vmem>>) target(%dma_start3A_30 : memref<16xf32, #tpu.memory_space<hbm>>) target_semaphore(%run_scoped3A : memref<!tpu.dma_semaphore, #tpu.memory_space<semaphore_mem>>)
      %dma_wait3A = arith.constant 0 : i32
      %dma_wait3A_31 = tpu.memref_slice %arg7[%add3A, %dma_wait3A] : memref<32x16xf32, #tpu.memory_space<hbm>> -> memref<1x16xf32, #tpu.memory_space<hbm>>
      %dma_wait3A_32 = tpu.memref_squeeze %dma_wait3A_31 : memref<1x16xf32, #tpu.memory_space<hbm>> -> memref<16xf32, #tpu.memory_space<hbm>>
      %dma_wait3A_33 = arith.constant 0 : i32
      %dma_wait3A_34 = tpu.memref_slice %arg7[%add3A, %dma_wait3A_33] : memref<32x16xf32, #tpu.memory_space<hbm>> -> memref<1x16xf32, #tpu.memory_space<hbm>>
      %dma_wait3A_35 = tpu.memref_squeeze %dma_wait3A_34 : memref<1x16xf32, #tpu.memory_space<hbm>> -> memref<16xf32, #tpu.memory_space<hbm>>
      tpu.wait_dma2 semaphore(%run_scoped3A : memref<!tpu.dma_semaphore, #tpu.memory_space<semaphore_mem>>) src(%arg15 : memref<16xf32, #tpu.memory_space<vmem>>) dst(%dma_wait3A_35 : memref<16xf32, #tpu.memory_space<hbm>>)
      tpu.yield
    }) : () -> ()
    return
  }
}

</mosaic_0001>

<sc_bundles>
// kernel: kernel.4.cloned.1.call-start
scs
__scs_entry_jumppad:
0x0: {  	(pc) =	sbr.rel $0x88, $3  }
0x1: {  	(tag) =	ssettag $0x0;
	lr =	simm.s32 $0x1  }
0x2: {  	[smem:$0x3F9C] =	sst lr;
	_ =	strace $0xD0000000  }
0x3: {  	_ = 	snop  }
0x4: {  	_ = 	snop  }
0x5: {  	_ = 	snop  }
0x6: {  	_ = 	snop  }
0x7: {  	_ = 	snop  }
__scs_overlays_trampoline_lowered:
0x8: {  	[smem:$0x3FAB] =	sst s0  }
0x9: {  	[smem:$0x3FAC] =	sst s1  }
0xa: {  	[smem:$0x3FAD] =	sst s2  }
0xb: {  	[smem:$0x3FAE] =	sst s3  }
0xc: {  	[smem:$0x3FAF] =	sst s4  }
0xd: {  	[smem:$0x3FB0] =	sst s5  }
0xe: {  	[smem:$0x3FB1] =	sst s6  }
0xf: {  	[smem:$0x3FB2] =	sst s7  }
0x10: {  	[smem:$0x3FB3] =	sst s8  }
0x11: {  	[smem:$0x3FB4] =	sst s9;
	s0 =	simm.s32 @!p0 $0x0  }
0x12: {  	s1 =	sld [smem:$0x3F9A];
	s0 =	simm.s32 @p0 $0x1  }
0x13: {  	[smem:$0x3FB5] =	sst s0;
	s0 =	simm.s32 @!p1 $0x0  }
0x14: {  	s2 =	sld [smem:$0x3F99];
	s0 =	simm.s32 @p1 $0x1  }
0x15: {  	[smem:$0x3FB6] =	sst s0;
	s0 =	simm.s32 @!p2 $0x0  }
0x16: {  	s3 =	sld [smem:$0x3FDB];
	s0 =	simm.s32 @p2 $0x1  }
0x17: {  	s4 =	simm.s32 $0x1BF5;
	[smem:$0x3FB8] =	sst s0  }
0x18: {  	s0 =	sld [smem:$0x3F9B];
	_ =	swait.ge [sflag:s4], $0x0  }
0x19: {  	s7 =	sld [smem:$0x3F9C]  }
0x1a: {  	s8 =	sadd.s32 $0xFFFFE003, lr  }
0x1b: {  	s9 =	sadd.s32 $0xFFFFFEF7, lr;
	s5 =	simm.s32 $0xFFFFFFFF;
	p2 =	slt.u32 s8, $0xFFFFF086  }
0x1c: {  	p1 =	slt.u32 s9, $0xF7A;
	s5 =	simm.s32 @!p2 $0x0  }
0x1d: {  	s5 =	simm.s32 @p1 $0x1;
	p0 =	seq.s32 s7, s2  }
0x1e: {  	s7 =	smul.u32 @!p0 $0xF7A, s2;
	p2 =	seq.s32 @!p0 s5, $0x0  }
0x1f: {  	s9 =	smul.u32 $0xF7A, s1;
	s8 =	simm.s32 @!p0 $0x1BF5;
	p2 =	por !p2, p0  }
0x20: {  	[sflag:s8] =	ssyncset.s32 @!p0 $0xFFFFF086;
	s6 =	sadd.s32 @!p0 s3, s7;
	s7 =	simm.s32 @!p0 $0x108  }
0x21: {  	s3 =	sadd.s32 s3, s9;
	s6 =	sadd.s32 @!p0 $0x88, s6;
	s7 =	simm.s32 @p2 $0x1082  }
0x22: {  	[simem:s7], [sflag:s8] =	dma.local @!p0 [hbm:s6], $0xF7A  }
0x23: {  	s9 =	sor.u32 $0xD0000000, s2;
	s6 =	simm.s32 $0x108;
	_ =	swait.ge @!p0 [sflag:s8], $0x0  }
0x24: {  	s3 =	sadd.s32 $0x88, s3;
	s6 =	simm.s32 @!p1 $0x1082;
	[sflag:s4] =	ssyncset.s32 $0xFFFFF086  }
0x25: {  	[simem:s6], [sflag:s4] =	dma.local [hbm:s3], $0xF7A  }
0x26: {  	[smem:$0x3F9C] =	sst s1;
	(tag) =	ssettag s2;
	_ =	strace s9  }
0x27: {  	s1 =	sld [smem:$0x3FAC]  }
0x28: {  	s2 =	sld [smem:$0x3FAD]  }
0x29: {  	s4 =	sld [smem:$0x3FAF]  }
0x2a: {  	p0 =	seq.s32 s5, $0x0;
	s5 =	sld [smem:$0x3FB0]  }
0x2b: {  	s6 =	sld [smem:$0x3FB1]  }
0x2c: {  	s7 =	sld [smem:$0x3FB2]  }
0x2d: {  	s3 =	simm.s32 $0x108;
	s8 =	sld [smem:$0x3FB3]  }
0x2e: {  	s3 =	simm.s32 @!p0 $0x1082;
	s9 =	sld [smem:$0x3FB4]  }
0x2f: {  	lr =	sadd.s32 s0, s3;
	s0 =	sld [smem:$0x3FAB]  }
0x30: {  	s3 =	sld [smem:$0x3FAE]  }
0x31: {  	[smem:$0x3FB7] =	sst s10  }
0x32: {  	s10 =	sld [smem:$0x3FB5];
	_ =	sdelay $0x3  }
0x33: {  	p0 =	seq.s32 s10, $0x1;
	s10 =	sld [smem:$0x3FB7];
	_ =	sdelay $0x3  }
0x34: {  	[smem:$0x3FB7] =	sst s10  }
0x35: {  	s10 =	sld [smem:$0x3FB6];
	_ =	sdelay $0x3  }
0x36: {  	p1 =	seq.s32 s10, $0x1;
	s10 =	sld [smem:$0x3FB7];
	_ =	sdelay $0x3  }
0x37: {  	[smem:$0x3FB7] =	sst s10  }
0x38: {  	s10 =	sld [smem:$0x3FB8]  }
0x39: {  	_ = 	snop;
	(pc) =	sbr.ind lr, $3  }
0x3a: {  	_ = 	snop  }
0x3b: {  	_ = 	snop  }
0x3c: {  	p2 =	seq.s32 s10, $0x1;
	s10 =	sld [smem:$0x3FB7]  }
0x3d: {  	_ =	shalt  }
0x3e: {  	_ =	shalt  }
0x3f: {  	_ =	shalt  }
0x40: {  	_ =	shalt  }
0x41: {  	_ =	shalt  }
0x42: {  	_ =	shalt  }
0x43: {  	_ =	shalt  }
0x44: {  	_ =	shalt  }
0x45: {  	_ =	shalt  }
0x46: {  	_ =	shalt  }
0x47: {  	_ =	shalt  }
0x48: {  	_ =	shalt  }
0x49: {  	_ =	shalt  }
0x4a: {  	_ =	shalt  }
0x4b: {  	_ =	shalt  }
0x4c: {  	_ =	shalt  }
0x4d: {  	_ =	shalt  }
0x4e: {  	_ =	shalt  }
0x4f: {  	_ =	shalt  }
0x50: {  	_ =	shalt  }
0x51: {  	_ =	shalt  }
0x52: {  	_ =	shalt  }
0x53: {  	_ =	shalt  }
0x54: {  	_ =	shalt  }
0x55: {  	_ =	shalt  }
0x56: {  	_ =	shalt  }
0x57: {  	_ =	shalt  }
0x58: {  	_ =	shalt  }
0x59: {  	_ =	shalt  }
0x5a: {  	_ =	shalt  }
0x5b: {  	_ =	shalt  }
0x5c: {  	_ =	shalt  }
0x5d: {  	_ =	shalt  }
0x5e: {  	_ =	shalt  }
0x5f: {  	_ =	shalt  }
0x60: {  	_ =	shalt  }
0x61: {  	_ =	shalt  }
0x62: {  	_ =	shalt  }
0x63: {  	_ =	shalt  }
0x64: {  	_ =	shalt  }
0x65: {  	_ =	shalt  }
0x66: {  	_ =	shalt  }
0x67: {  	_ =	shalt  }
0x68: {  	_ =	shalt  }
0x69: {  	_ =	shalt  }
0x6a: {  	_ =	shalt  }
0x6b: {  	_ =	shalt  }
0x6c: {  	_ =	shalt  }
0x6d: {  	_ =	shalt  }
0x6e: {  	_ =	shalt  }
0x6f: {  	_ =	shalt  }
0x70: {  	_ =	shalt  }
0x71: {  	_ =	shalt  }
0x72: {  	_ =	shalt  }
0x73: {  	_ =	shalt  }
0x74: {  	_ =	shalt  }
0x75: {  	_ =	shalt  }
0x76: {  	_ =	shalt  }
0x77: {  	_ =	shalt  }
0x78: {  	_ =	shalt  }
0x79: {  	_ =	shalt  }
0x7a: {  	_ =	shalt  }
0x7b: {  	_ =	shalt  }
0x7c: {  	_ =	shalt  }
0x7d: {  	_ =	shalt  }
0x7e: {  	_ =	shalt  }
0x7f: {  	_ =	shalt  }
0x80: {  	_ =	shalt  }
0x81: {  	_ =	shalt  }
0x82: {  	_ =	shalt  }
0x83: {  	_ =	shalt  }
0x84: {  	_ =	shalt  }
0x85: {  	_ =	shalt  }
0x86: {  	_ =	shalt  }
0x87: {  	_ =	shalt  }
.Lfunc_end0:
.L_simem_size_0:
called_computation_lowered:
.L_overlay_start_0:
0x88: {  	s2 =	sld [smem:$0x3FD9]  }
0x89: {  	s3 =	sld [smem:$0x3FFE];
	_ =	sdelay $0x1  }
0x8a: {  	s1 =	srdreg.scid  }
0x8b: {  	s0 =	sand.u32 $0x1, s1  }
0x8c: {  	s17 =	sshll.u32 s0, $0xA;
	s2 =	sadd.s32 s3, s2  }
0x8d: {  	s2 =	sadd.s32 s2, s17  }
0x8e: {  	[smem:$0x3FC3] =	sst s2  }
0x8f: {  	_ = 	snop  }
0x90: {  	s2 =	sld [smem:$0x3FC5];
	(tm) =	ssettm $0x1  }
0x91: {  	s18 =	sld [smem:$0x3FFB];
	_ =	sdelay $0x3  }
0x92: {  	_ =	strace s18  }
0x93: {  	s3 =	sld [smem:$0x3FFC];
	_ =	sdelay $0x3  }
0x94: {  	_ =	strace s3  }
0x95: {  	s3 =	sld [smem:$0x3FFD];
	_ =	sdelay $0x3  }
0x96: {  	_ =	strace s3  }
0x97: {  	_ =	strace $0x8FFFFFFF  }
0x98: {  	s19 =	sld [smem:$0x3FDB];
	_ =	sdelay $0x1  }
0x99: {  	s4 =	simm.s32 $_scs_section_size  }
0x9a: {  	s5 =	simm.s32 $_size__tile_overlayer_lowered;
	s6 =	simm.s32 $_tile_overlayer_lowered  }
0x9b: {  	s22 =	simm.s32 $0x1BFF;
	s21 =	sshll.u32 s6, $0x1;
	s3 =	sadd.s32 s4, s19  }
0x9c: {  	s7 =	simm.s32 $0x0;
	s20 =	sshll.u32 s5, $0x1;
	s5 =	sadd.s32 s21, s3  }
0x9d: {  	[timem:s7], [sflag:s22] =	dma.local [hbm:s5], s20  }
0x9e: {  	_ =	swait.ge [sflag:s22], s20  }
0x9f: {  	s4 =	ssub.s32 $0x0, s20;
	[sflag:s22] =	ssyncset.done $0x0  }
0xa0: {  	[sflag:s22] =	ssyncadd.s32 s4;
	_ =	sdelay $0x1  }
0xa1: {  	s23 =	simm.s32 $0x1B8B  }
0xa2: {  	_ =	swait.ge [sflag:s23], $0x1  }
0xa3: {  	[sflag:s23] =	ssyncset.done $0x0  }
0xa4: {  	s25 =	simm.s32 $0x1B8E;
	s24 =	sld [smem:$0x3FFE];
	[sflag:s23] =	ssyncadd.s32 $0xFFFFFFFF  }
0xa5: {  	s26 =	simm.s32 $execute0_lowered;
	[smem:$0x3FD2] =	sst s25  }
0xa6: {  	s5 =	sshll.u32 s26, $0x1;
	_ =	strace $0x80000046;
	[dreg:$0x1] =	wrdreg $0xFFFFFFFF  }
0xa7: {  	s28 =	simm.s32 $_size_execute0_lowered;
	s3 =	sadd.s32 s3, s5;
	[dreg:$0x0] =	wrdreg $0x0  }
0xa8: {  	s5 =	sshll.u32 s28, $0x1;
	[dreg:$0x2] =	wrdreg s3  }
0xa9: {  	[dreg:$0x3] =	wrdreg s5  }
0xaa: {  	[dreg:$0x4] =	wrdreg $0xC0  }
0xab: {  	_ =	task [dreg:s7], $0x5FFFF  }
0xac: {  	[dreg:$0x1] =	wrdreg $0xFFFFFFFF  }
0xad: {  	[dreg:$0x0] =	wrdreg $0x60  }
0xae: {  	[dreg:$0x2] =	wrdreg s24  }
0xaf: {  	[dreg:$0x3] =	wrdreg s2  }
0xb0: {  	[dreg:$0x4] =	wrdreg $0x9  }
0xb1: {  	_ =	task.clear_ibuf [dreg:s7], $0x5FFFF;
	_ =	strace $0x90000046  }
0xb2: {  	s29 =	simm.s32 $0x9;
	_ =	strace $0x80000048  }
0xb3: {  	_ =	swait.ge [sflag:s29], $0x1  }
0xb4: {  	[sflag:s29] =	ssyncadd.s32 $0xFFFFFFFF  }
0xb5: {  	_ =	strace $0x90000048  }
0xb6: {  	_ =	sfence  }
0xb7: {  	s30 =	sld [smem:$0x0];
	_ =	sdelay $0x2  }
0xb8: {  	s31 =	sshll.u32 s1, $0xD;
	s1 =	sshrl.u32 s1, $0x2  }
0xb9: {  	s3 =	sand.u32 $0x4000, s31;
	s1 =	sadd.s32 s1, s30  }
0xba: {  	s0 =	sor.u32 s3, s0;
	s1 =	sshll.u32 s1, $0x11  }
0xbb: {  	s0 =	sor.u32 s1, s0  }
0xbc: {  	s0 =	sadd.s32 $0x8F2B, s0  }
0xbd: {  	[sflag:s0] =	ssyncadd.remote.s32 $0x1  }
0xbe: {  	_ =	sfence.sel $0xFFFF  }
0xbf: {  	[dreg:$0x0] =	wrdreg $0xFFFFFFFF;
	(pc) =	sbr.abs _section_cstart, $3  }
0xc0: {  	[dreg:$0x1] =	wrdreg $0xFFFFFFFF  }
0xc1: {  	_ =	task.clear_ibuf [dreg:s7], $0x2FFFF;
	_ =	strace $0x9FFFFFFF  }
0xc2: {  	(tm) =	ssettm $0x7FFFFFFF  }
0xc3: {  	_ =	shalt  }
tec
execute0_lowered:
.L_overlay_start_1:
0x0: {  	(tag) =	ssettag $0x1  }
0x1: {  	s1 =	rddreg [dreg:$0x0]  }
0x2: {  	s2 =	rddreg [dreg:$0x1]  }
0x3: {  	s0 =	rddreg [dreg:$0x2];
	s4 =	simm.s32 $0x0;
	s6 =	srdreg.scid  }
0x4: {  	s3 =	stileid.u32;
	s14 =	simm.s32 $0x186A0;
	s15 =	simm.s32 $0x19A50  }
0x5: {  	s16 =	simm.s32 $0x19E40;
	s17 =	simm.s32 $0x18A90;
	s18 =	simm.s32 $0x1AA10  }
0x6: {  	s19 =	simm.s32 $0x1B9B0;
	s20 =	simm.s32 $0x1;
	s21 =	simm.s32 $0x2  }
0x7: {  	s22 =	simm.s32 $0x1C950;
	s23 =	simm.s32 $0x0;
	[smem:$0x7FF] =	sst s4  }
0x8: {  	s5 =	sadd.s32 $0x600, s1;
	s12 =	sand.u32 $0x1, s6;
	s7 =	sshll.u32 s3, $0x1  }
0x9: {  	s6 =	sadd.s32 $0x200, s1;
	s8 =	sadd.s32 $0x400, s1;
	s31 =	sshll.u32 s3, $0x5  }
0xa: {  	_ =	strace $0x80000047;
	s7 =	sor.u32 s12, s7;
	s9 =	ssub.s32 $0x2, s12  }
0xb: {  	s12 =	sshll.u32 s12, $0x4;
	s10 =	sshll.u32 s7, $0x1;
	s13 =	smul.u32 $0x1F4, s7  }
0xc: {  	s11 =	sshrl.u32 s9, $0x1;
	p0 =	seq.s32 s7, $0x0;
	s12 =	sor.u32 s12, s31  }
0xd: {  	vm0 =	vmxor vm0, vm0;
	v0 =	vlaneseq.u32;
	s10 =	sadd.s32 s10, s1;
	s11 =	ssub.s32 s9, s11;
	s9 =	sadd.s32 s5, s13  }
0xe: {  	v2 =	vimm.s32 $0x1;
	v1 =	vor.u32 $0xFFFFFFF8, v0;
	vm0 =	vmneg @p0 vm0;
	s10 =	sadd.s32 $0x23400, s10;
	s11 =	smax.u32 s11, $0x1;
	s13 =	simm.s32 $0x3  }
.LBB2_1:
0xf: {  	[tilespmem:s4], [sflag:$0x3] =	stream.linear.gather [hbm4b:s2+s4], $0x186A0, $0x38;
	[tilespmem:$0x1C960] =	vst v63  }
0x10: {  	_ =	swait.ge [sflag:s13], $0x186A0  }
0x11: {  	[sflag:s13] =	ssyncset.done $0x0  }
0x12: {  	[sflag:s13] =	ssyncadd.s32 $0xFFFE7960  }
0x13: {  	[tilespmem:s14], [sflag:$0x3] =	stream.linear.gather [hbm4b:s6+s4], $0x3F0, $0x38;
	[tilespmem:$0x1C960] =	vst v63  }
0x14: {  	_ =	swait.ge [sflag:s13], $0x3F0  }
0x15: {  	[sflag:s13] =	ssyncset.done $0x0  }
0x16: {  	[sflag:s13] =	ssyncadd.s32 $0xFFFFFC10  }
0x17: {  	[tilespmem:s15], [sflag:$0x3] =	stream.linear.gather [hbm4b:s8+s4], $0x3F0, $0x38;
	[tilespmem:$0x1C960] =	vst v63  }
0x18: {  	_ =	swait.ge [sflag:s13], $0x3F0  }
0x19: {  	v3 =	vor.u32 s4, v0;
	[sflag:s13] =	ssyncset.done $0x0  }
0x1a: {  	v4 =	vand.u32 v1, v3;
	[sflag:s13] =	ssyncadd.s32 $0xFFFFFC10  }
0x1b: {  	[tilespmem:s16], [sflag:$0x3] =	stream.linear.gather [hbm4b:s1+s4], $0xBD0, $0x38;
	[tilespmem:$0x1C960] =	vst v63  }
0x1c: {  	_ =	swait.ge [sflag:s13], $0xBD0  }
0x1d: {  	[sflag:s13] =	ssyncset.done $0x0  }
0x1e: {  	[sflag:s13] =	ssyncadd.s32 $0xFFFFF430  }
0x1f: {  	v5 =	vld.idx.msk [tilespmem:v4+s14+$0x0], $0xffff;
	_ =	sdelay $0x4  }
0x20: {  	v6 =	vand.u32 $0x7FFFFFFF, v5  }
0x21: {  	v6 =	vsub.f32 $0.0e+00, v6;
	_ =	sdelay $0x1  }
0x22: {  	v6 =	vmul.f32 $1.442695020e+00, v6;
	_ =	sdelay $0x1  }
0x23: {  	(erf) = vpow2.f32 v6;
	_ =	sdelay $0x8  }
0x24: {  	v6 =	vpop (erf)  }
0x25: {  	v6 =	vadd.f32 $1.000000000e+00, v6;
	_ =	sdelay $0x1  }
0x26: {  	v7 =	vand.u32 $0x7FFFFF, v6  }
0x27: {  	v7 =	vor.u32 $0x3F800000, v7  }
0x28: {  	v7 =	vadd.f32 $-1.000000000e+00, v7;
	_ =	sdelay $0x1  }
0x29: {  	v8 =	vmul.f32 $4.155080770e-02, v7;
	_ =	sdelay $0x1  }
0x2a: {  	v8 =	vadd.f32 $-1.578377490e-01, v8;
	_ =	sdelay $0x1  }
0x2b: {  	v8 =	vmul.f32 v8, v7;
	_ =	sdelay $0x1  }
0x2c: {  	v8 =	vadd.f32 $3.065606950e-01, v8;
	_ =	sdelay $0x1  }
0x2d: {  	v8 =	vmul.f32 v8, v7;
	_ =	sdelay $0x1  }
0x2e: {  	v8 =	vadd.f32 $-4.970307350e-01, v8;
	_ =	sdelay $0x1  }
0x2f: {  	v6 =	vshra.s32 v6, $0x17;
	v8 =	vmul.f32 v8, v7  }
0x30: {  	v6 =	vadd.s32 $0xFFFFFF81, v6  }
0x31: {  	v6 =	vcvt.s32.f32 v6;
	v8 =	vadd.f32 $9.999449840e-01, v8;
	_ =	sdelay $0x1  }
0x32: {  	v6 =	vmul.f32 $6.931471820e-01, v6;
	v7 =	vmul.f32 v8, v7  }
0x33: {  	v8 =	vmul.u32 $0x3, v3  }
0x34: {  	v6 =	vadd.f32 v7, v6  }
0x35: {  	v5 =	vmax.f32 v5, $0.0e+00  }
0x36: {  	v7 =	vadd.s32 $0x1, v8;
	v5 =	vadd.f32 v6, v5  }
0x37: {  	v6 =	vadd.s32 $0x2, v8  }
0x38: {  	[tilespmem:v4+s14+$0x0] =	vst.idx.msk $0xffff, v5  }
0x39: {  	v8 =	vld.idx.msk [tilespmem:v8+s16+$0x0], $0xffff;
	_ =	sdelay $0x1  }
0x3a: {  	v7 =	vld.idx.msk [tilespmem:v7+s16+$0x0], $0xffff  }
0x3b: {  	v6 =	vld.idx.msk [tilespmem:v6+s16+$0x0], $0xffff;
	_ =	sdelay $0x1  }
0x3c: {  	v9 =	vand.u32 $0x7FFFFFFF, v8  }
0x3d: {  	v9 =	vsub.f32 $0.0e+00, v9  }
0x3e: {  	v10 =	vand.u32 $0x7FFFFFFF, v7  }
0x3f: {  	v10 =	vsub.f32 $0.0e+00, v10;
	v11 =	vand.u32 $0x7FFFFFFF, v6;
	v9 =	vmul.f32 $1.442695020e+00, v9  }
0x40: {  	v11 =	vsub.f32 $0.0e+00, v11  }
0x41: {  	v10 =	vmul.f32 $1.442695020e+00, v10;
	(erf) = vpow2.f32 v9  }
0x42: {  	v50 =	vmul.f32 $1.442695020e+00, v11  }
0x43: {  	(erf) = vpow2.f32 v10  }
0x44: {  	(erf) = vpow2.f32 v50;
	_ =	sdelay $0x5  }
0x45: {  	v51 =	vpop (erf)  }
0x46: {  	v9 =	vadd.f32 $1.000000000e+00, v51  }
0x47: {  	v10 =	vpop (erf)  }
0x48: {  	v10 =	vadd.f32 $1.000000000e+00, v10;
	v12 =	vpop (erf);
	v52 =	vand.u32 $0x7FFFFF, v9  }
0x49: {  	v12 =	vadd.f32 $1.000000000e+00, v12;
	v11 =	vor.u32 $0x3F800000, v52  }
0x4a: {  	v13 =	vand.u32 $0x7FFFFF, v10;
	v11 =	vadd.f32 $-1.000000000e+00, v11  }
0x4b: {  	v13 =	vor.u32 $0x3F800000, v13;
	v14 =	vand.u32 $0x7FFFFF, v12  }
0x4c: {  	v13 =	vadd.f32 $-1.000000000e+00, v13;
	v14 =	vor.u32 $0x3F800000, v14;
	v15 =	vmul.f32 $4.155080770e-02, v11  }
0x4d: {  	v14 =	vadd.f32 $-1.000000000e+00, v14  }
0x4e: {  	v16 =	vmul.f32 $4.155080770e-02, v13;
	v15 =	vadd.f32 $-1.578377490e-01, v15  }
0x4f: {  	v17 =	vmul.f32 $4.155080770e-02, v14  }
0x50: {  	v16 =	vadd.f32 $-1.578377490e-01, v16;
	v15 =	vmul.f32 v15, v11  }
0x51: {  	v17 =	vadd.f32 $-1.578377490e-01, v17  }
0x52: {  	v16 =	vmul.f32 v16, v13;
	v15 =	vadd.f32 $3.065606950e-01, v15  }
0x53: {  	v17 =	vmul.f32 v17, v14  }
0x54: {  	v53 =	vshll.u32 v3, $0x2;
	v16 =	vadd.f32 $3.065606950e-01, v16;
	v15 =	vmul.f32 v15, v11  }
0x55: {  	v56 =	vor.u32 $0x3, v53;
	v17 =	vadd.f32 $3.065606950e-01, v17  }
0x56: {  	v9 =	vshra.s32 v9, $0x17;
	v16 =	vmul.f32 v16, v13;
	v15 =	vadd.f32 $-4.970307350e-01, v15  }
0x57: {  	v59 =	vor.u32 $0x1, v53;
	v9 =	vadd.s32 $0xFFFFFF81, v9;
	v17 =	vmul.f32 v17, v14  }
0x58: {  	v10 =	vshra.s32 v10, $0x17;
	v16 =	vadd.f32 $-4.970307350e-01, v16;
	v15 =	vmul.f32 v15, v11  }
0x59: {  	v9 =	vcvt.s32.f32 v9;
	v10 =	vadd.s32 $0xFFFFFF81, v10;
	v17 =	vadd.f32 $-4.970307350e-01, v17  }
0x5a: {  	v12 =	vshra.s32 v12, $0x17;
	v16 =	vmul.f32 v16, v13;
	v15 =	vadd.f32 $9.999449840e-01, v15  }
0x5b: {  	v10 =	vcvt.s32.f32 v10;
	v12 =	vadd.s32 $0xFFFFFF81, v12;
	v17 =	vmul.f32 v17, v14  }
0x5c: {  	v18 =	vld.idx.msk [tilespmem:v4+s15+$0x0], $0xffff;
	v9 =	vmul.f32 $6.931471820e-01, v9;
	v16 =	vadd.f32 $9.999449840e-01, v16;
	v11 =	vmul.f32 v15, v11  }
0x5d: {  	v61 =	vor.u32 $0x2, v53;
	v55 =	vcvt.s32.f32 v12;
	v54 =	vadd.f32 $9.999449840e-01, v17  }
0x5e: {  	v10 =	vmul.f32 $6.931471820e-01, v10;
	v4 =	vmul.f32 v16, v13;
	v9 =	vadd.f32 v11, v9  }
0x5f: {  	v8 =	vmax.f32 v8, $0.0e+00;
	v58 =	vmul.f32 $6.931471820e-01, v55;
	v57 =	vmul.f32 v54, v14  }
0x60: {  	v5 =	vmul.f32 v5, v5;
	v4 =	vadd.f32 v4, v10;
	v8 =	vadd.f32 v9, v8  }
0x61: {  	v7 =	vmax.f32 v7, $0.0e+00;
	v60 =	vmul.f32 v18, v18;
	v9 =	vadd.f32 v57, v58  }
0x62: {  	s24 =	simm.s32 $0x10;
	v6 =	vmax.f32 v6, $0.0e+00;
	v7 =	vadd.f32 v4, v7;
	v8 =	vadd.f32 v8, v18  }
0x63: {  	[tilespmem:v53+s17+$0x0] =	vst.idx.msk $0xffff, v18;
	v10 =	vadd.f32 v5, v60;
	v4 =	vor.u32 s24, v0;
	v6 =	vadd.f32 v9, v6  }
0x64: {  	v5 =	vand.u32 v1, v4;
	v7 =	vadd.f32 v7, v8;
	v62 =	vmul.f32 v8, v8  }
0x65: {  	[tilespmem:v59+s17+$0x0] =	vst.idx.msk $0xffff, v8  }
0x66: {  	v6 =	vadd.f32 v6, v7;
	v9 =	vadd.f32 v62, v10;
	v63 =	vmul.f32 v7, v7  }
0x67: {  	vm1 =	vlt.u32 v3, $0x3E8;
	[tilespmem:v61+s17+$0x0] =	vst.idx.msk $0xffff, v7  }
0x68: {  	vm1 =	vmand vm0, vm1;
	v8 =	vmul.f32 v6, v6;
	v9 =	vadd.f32 v63, v9;
	[tilespmem:v56+s17+$0x0] =	vst.idx.msk $0xffff, v6  }
0x69: {  	vm1 =	vmmov vm1;
	vm2 =	vlt.u32 v4, $0x3E8;
	v7 =	vld.idx.msk [tilespmem:v5+s14+$0x0], $0xffff  }
0x6a: {  	v3 =	vimm.f32 $0.0e+00;
	s24 =	simm.s32 $0x20;
	vm2 =	vmand vm0, vm2;
	v6 =	vadd.f32 v8, v9  }
.LBB2_2:
0x6b: {  	p0 =	sne.s32 s24, $0x3E0;
	s25 =	smov.u32 s24;
	s24 =	sadd.s32 $0x10, s24  }
0x6c: {  	v6 =	vnsel vm1, $0x0, v6;
	vm1 =	vmmov vm2  }
0x6d: {  	v3 =	vadd.f32 v6, v3  }
0x6e: {  	v6 =	vand.u32 $0x7FFFFFFF, v7  }
0x6f: {  	v6 =	vsub.f32 $0.0e+00, v6;
	_ =	sdelay $0x1  }
0x70: {  	v6 =	vmul.f32 $1.442695020e+00, v6;
	_ =	sdelay $0x1  }
0x71: {  	(erf) = vpow2.f32 v6;
	_ =	sdelay $0x8  }
0x72: {  	v6 =	vpop (erf)  }
0x73: {  	v6 =	vadd.f32 $1.000000000e+00, v6;
	_ =	sdelay $0x1  }
0x74: {  	v8 =	vshra.s32 v6, $0x17;
	v6 =	vand.u32 $0x7FFFFF, v6  }
0x75: {  	v8 =	vadd.s32 $0xFFFFFF81, v8;
	v6 =	vor.u32 $0x3F800000, v6  }
0x76: {  	v6 =	vadd.f32 $-1.000000000e+00, v6;
	v8 =	vcvt.s32.f32 v8;
	_ =	sdelay $0x1  }
0x77: {  	v9 =	vmul.f32 $4.155080770e-02, v6;
	_ =	sdelay $0x1  }
0x78: {  	v9 =	vadd.f32 $-1.578377490e-01, v9;
	_ =	sdelay $0x1  }
0x79: {  	v9 =	vmul.f32 v9, v6;
	_ =	sdelay $0x1  }
0x7a: {  	v9 =	vadd.f32 $3.065606950e-01, v9;
	_ =	sdelay $0x1  }
0x7b: {  	v9 =	vmul.f32 v9, v6;
	_ =	sdelay $0x1  }
0x7c: {  	v9 =	vadd.f32 $-4.970307350e-01, v9;
	_ =	sdelay $0x1  }
0x7d: {  	v9 =	vmul.f32 v9, v6;
	_ =	sdelay $0x1  }
0x7e: {  	v9 =	vadd.f32 $9.999449840e-01, v9;
	_ =	sdelay $0x1  }
0x7f: {  	v8 =	vmul.f32 $6.931471820e-01, v8;
	v6 =	vmul.f32 v9, v6  }
0x80: {  	v9 =	vmul.u32 $0x3, v4  }
0x81: {  	v6 =	vadd.f32 v6, v8  }
0x82: {  	v7 =	vmax.f32 v7, $0.0e+00;
	v8 =	vadd.s32 $0x1, v9  }
0x83: {  	v6 =	vadd.f32 v6, v7  }
0x84: {  	v7 =	vadd.s32 $0x2, v9  }
0x85: {  	[tilespmem:v5+s14+$0x0] =	vst.idx.msk $0xffff, v6  }
0x86: {  	v9 =	vld.idx.msk [tilespmem:v9+s16+$0x0], $0xffff  }
0x87: {  	v8 =	vld.idx.msk [tilespmem:v8+s16+$0x0], $0xffff;
	_ =	sdelay $0x1  }
0x88: {  	v7 =	vld.idx.msk [tilespmem:v7+s16+$0x0], $0xffff;
	_ =	sdelay $0x2  }
0x89: {  	v10 =	vand.u32 $0x7FFFFFFF, v9  }
0x8a: {  	v10 =	vsub.f32 $0.0e+00, v10;
	v11 =	vand.u32 $0x7FFFFFFF, v8  }
0x8b: {  	v11 =	vsub.f32 $0.0e+00, v11  }
0x8c: {  	v10 =	vmul.f32 $1.442695020e+00, v10;
	v12 =	vand.u32 $0x7FFFFFFF, v7  }
0x8d: {  	v11 =	vmul.f32 $1.442695020e+00, v11;
	v12 =	vsub.f32 $0.0e+00, v12  }
0x8e: {  	(erf) = vpow2.f32 v10  }
0x8f: {  	v10 =	vmul.f32 $1.442695020e+00, v12;
	(erf) = vpow2.f32 v11;
	_ =	sdelay $0x1  }
0x90: {  	(erf) = vpow2.f32 v10;
	_ =	sdelay $0x5  }
0x91: {  	v10 =	vpop (erf)  }
0x92: {  	v10 =	vadd.f32 $1.000000000e+00, v10;
	v11 =	vpop (erf)  }
0x93: {  	v11 =	vadd.f32 $1.000000000e+00, v11  }
0x94: {  	v12 =	vshra.s32 v10, $0x17;
	v10 =	vand.u32 $0x7FFFFF, v10;
	v13 =	vpop (erf)  }
0x95: {  	v10 =	vor.u32 $0x3F800000, v10;
	v14 =	vand.u32 $0x7FFFFF, v11;
	v13 =	vadd.f32 $1.000000000e+00, v13  }
0x96: {  	v12 =	vadd.s32 $0xFFFFFF81, v12;
	v10 =	vadd.f32 $-1.000000000e+00, v10;
	v14 =	vor.u32 $0x3F800000, v14  }
0x97: {  	v12 =	vcvt.s32.f32 v12;
	v14 =	vadd.f32 $-1.000000000e+00, v14;
	v15 =	vand.u32 $0x7FFFFF, v13  }
0x98: {  	v11 =	vshra.s32 v11, $0x17;
	v16 =	vmul.f32 $4.155080770e-02, v10;
	v15 =	vor.u32 $0x3F800000, v15  }
0x99: {  	v11 =	vadd.s32 $0xFFFFFF81, v11;
	v17 =	vmul.f32 $4.155080770e-02, v14;
	v15 =	vadd.f32 $-1.000000000e+00, v15  }
0x9a: {  	v11 =	vcvt.s32.f32 v11;
	v13 =	vshra.s32 v13, $0x17;
	v16 =	vadd.f32 $-1.578377490e-01, v16  }
0x9b: {  	v13 =	vadd.s32 $0xFFFFFF81, v13;
	v17 =	vadd.f32 $-1.578377490e-01, v17;
	v18 =	vmul.f32 $4.155080770e-02, v15  }
0x9c: {  	v13 =	vcvt.s32.f32 v13;
	v16 =	vmul.f32 v16, v10  }
0x9d: {  	v17 =	vmul.f32 v17, v14;
	v18 =	vadd.f32 $-1.578377490e-01, v18  }
0x9e: {  	v16 =	vadd.f32 $3.065606950e-01, v16  }
0x9f: {  	v17 =	vadd.f32 $3.065606950e-01, v17;
	v18 =	vmul.f32 v18, v15  }
0xa0: {  	v16 =	vmul.f32 v16, v10  }
0xa1: {  	v17 =	vmul.f32 v17, v14;
	v18 =	vadd.f32 $3.065606950e-01, v18  }
0xa2: {  	v16 =	vadd.f32 $-4.970307350e-01, v16  }
0xa3: {  	v17 =	vadd.f32 $-4.970307350e-01, v17;
	v18 =	vmul.f32 v18, v15  }
0xa4: {  	v16 =	vmul.f32 v16, v10  }
0xa5: {  	v17 =	vmul.f32 v17, v14;
	v18 =	vadd.f32 $-4.970307350e-01, v18  }
0xa6: {  	v16 =	vadd.f32 $9.999449840e-01, v16  }
0xa7: {  	v17 =	vadd.f32 $9.999449840e-01, v17;
	v18 =	vmul.f32 v18, v15  }
0xa8: {  	v19 =	vshll.u32 v4, $0x2;
	v20 =	vld.idx.msk [tilespmem:v5+s15+$0x0], $0xffff;
	v4 =	vmul.f32 v16, v10;
	v5 =	vmul.f32 $6.931471820e-01, v12  }
0xa9: {  	v11 =	vmul.f32 $6.931471820e-01, v11;
	v10 =	vmul.f32 v17, v14;
	v12 =	vadd.f32 $9.999449840e-01, v18  }
0xaa: {  	v9 =	vmax.f32 v9, $0.0e+00;
	v14 =	vor.u32 $0x3, v19;
	v4 =	vadd.f32 v4, v5  }
0xab: {  	v5 =	vadd.f32 v10, v11;
	v10 =	vmul.f32 v12, v15;
	v11 =	vmul.f32 $6.931471820e-01, v13  }
0xac: {  	v9 =	vadd.f32 v4, v9;
	v4 =	vmax.f32 v8, $0.0e+00;
	v8 =	vor.u32 $0x1, v19  }
0xad: {  	v7 =	vmax.f32 v7, $0.0e+00;
	v13 =	vor.u32 $0x2, v19;
	v12 =	vadd.f32 v5, v4  }
0xae: {  	v4 =	vor.u32 s25, v0;
	v10 =	vadd.f32 v10, v11;
	v9 =	vadd.f32 v9, v20;
	[tilespmem:v19+s17+$0x0] =	vst.idx.msk $0xffff, v20  }
0xaf: {  	v6 =	vmul.f32 v6, v6;
	v11 =	vmul.f32 v20, v20;
	v5 =	vand.u32 v1, v4  }
0xb0: {  	v7 =	vadd.f32 v10, v7;
	v12 =	vadd.f32 v12, v9;
	v10 =	vmul.f32 v9, v9  }
0xb1: {  	vm2 =	vlt.u32 v4, $0x3E8;
	v6 =	vadd.f32 v6, v11;
	[tilespmem:v8+s17+$0x0] =	vst.idx.msk $0xffff, v9  }
0xb2: {  	vm2 =	vmand vm0, vm2;
	v7 =	vadd.f32 v7, v12;
	[tilespmem:v13+s17+$0x0] =	vst.idx.msk $0xffff, v12  }
.Ltmp0:
0xb3: {  	v6 =	vadd.f32 v10, v6;
	v8 =	vmul.f32 v12, v12;
	(pc) =	sbr.rel @p0 .LBB2_2-.Ltmp0, $3  }
0xb4: {  	[tilespmem:v14+s17+$0x0] =	vst.idx.msk $0xffff, v7;
	v9 =	vmul.f32 v7, v7  }
0xb5: {  	v6 =	vadd.f32 v8, v6;
	v7 =	vld.idx.msk [tilespmem:v5+s14+$0x0], $0xffff;
	_ =	sdelay $0x1  }
0xb6: {  	v6 =	vadd.f32 v9, v6  }
0xb7: {  	_ =	sdelay $0x1  }
0xb8: {  	v8 =	vand.u32 $0x7FFFFFFF, v7  }
0xb9: {  	v8 =	vsub.f32 $0.0e+00, v8;
	_ =	sdelay $0x1  }
0xba: {  	v8 =	vmul.f32 $1.442695020e+00, v8;
	_ =	sdelay $0x1  }
0xbb: {  	(erf) = vpow2.f32 v8;
	_ =	sdelay $0x8  }
0xbc: {  	v8 =	vpop (erf)  }
0xbd: {  	v8 =	vadd.f32 $1.000000000e+00, v8;
	_ =	sdelay $0x1  }
0xbe: {  	v9 =	vand.u32 $0x7FFFFF, v8  }
0xbf: {  	v9 =	vor.u32 $0x3F800000, v9  }
0xc0: {  	v9 =	vadd.f32 $-1.000000000e+00, v9;
	_ =	sdelay $0x1  }
0xc1: {  	v10 =	vmul.f32 $4.155080770e-02, v9;
	_ =	sdelay $0x1  }
0xc2: {  	v10 =	vadd.f32 $-1.578377490e-01, v10;
	_ =	sdelay $0x1  }
0xc3: {  	v10 =	vmul.f32 v10, v9;
	_ =	sdelay $0x1  }
0xc4: {  	v10 =	vadd.f32 $3.065606950e-01, v10;
	_ =	sdelay $0x1  }
0xc5: {  	v10 =	vmul.f32 v10, v9;
	_ =	sdelay $0x1  }
0xc6: {  	v10 =	vadd.f32 $-4.970307350e-01, v10;
	_ =	sdelay $0x1  }
0xc7: {  	v8 =	vshra.s32 v8, $0x17;
	v10 =	vmul.f32 v10, v9  }
0xc8: {  	v8 =	vadd.s32 $0xFFFFFF81, v8  }
0xc9: {  	v8 =	vcvt.s32.f32 v8;
	v10 =	vadd.f32 $9.999449840e-01, v10;
	_ =	sdelay $0x1  }
0xca: {  	v8 =	vmul.f32 $6.931471820e-01, v8;
	v9 =	vmul.f32 v10, v9  }
0xcb: {  	v43 =	vmul.u32 $0x3, v4  }
0xcc: {  	v8 =	vadd.f32 v9, v8  }
0xcd: {  	v7 =	vmax.f32 v7, $0.0e+00;
	v44 =	vadd.s32 $0x1, v43  }
0xce: {  	v7 =	vadd.f32 v8, v7;
	_ =	sdelay $0x1  }
0xcf: {  	v10 =	vadd.s32 $0x2, v43;
	[tilespmem:v5+s14+$0x0] =	vst.idx.msk $0xffff, v7  }
0xd0: {  	v45 =	vld.idx.msk [tilespmem:v43+s16+$0x0], $0xffff  }
0xd1: {  	v8 =	vld.idx.msk [tilespmem:v44+s16+$0x0], $0xffff;
	_ =	sdelay $0x2  }
0xd2: {  	v10 =	vld.idx.msk [tilespmem:v10+s16+$0x0], $0xffff  }
0xd3: {  	v11 =	vand.u32 $0x7FFFFFFF, v45  }
0xd4: {  	v12 =	vand.u32 $0x7FFFFFFF, v8;
	v11 =	vsub.f32 $0.0e+00, v11  }
0xd5: {  	v12 =	vsub.f32 $0.0e+00, v12  }
0xd6: {  	v11 =	vmul.f32 $1.442695020e+00, v11  }
0xd7: {  	v47 =	vand.u32 $0x7FFFFFFF, v10;
	v46 =	vmul.f32 $1.442695020e+00, v12  }
0xd8: {  	v12 =	vsub.f32 $0.0e+00, v47;
	(erf) = vpow2.f32 v11  }
0xd9: {  	(erf) = vpow2.f32 v46  }
0xda: {  	v48 =	vmul.f32 $1.442695020e+00, v12;
	_ =	sdelay $0x1  }
0xdb: {  	(erf) = vpow2.f32 v48;
	_ =	sdelay $0x4  }
0xdc: {  	v49 =	vpop (erf)  }
0xdd: {  	v11 =	vadd.f32 $1.000000000e+00, v49;
	v50 =	vpop (erf)  }
0xde: {  	v12 =	vadd.f32 $1.000000000e+00, v50  }
0xdf: {  	v13 =	vand.u32 $0x7FFFFF, v11  }
0xe0: {  	v15 =	vpop (erf);
	v13 =	vor.u32 $0x3F800000, v13;
	v14 =	vand.u32 $0x7FFFFF, v12  }
0xe1: {  	v15 =	vadd.f32 $1.000000000e+00, v15;
	v13 =	vadd.f32 $-1.000000000e+00, v13;
	v14 =	vor.u32 $0x3F800000, v14  }
0xe2: {  	v14 =	vadd.f32 $-1.000000000e+00, v14  }
0xe3: {  	v17 =	vand.u32 $0x7FFFFF, v15;
	v16 =	vmul.f32 $4.155080770e-02, v13  }
0xe4: {  	v17 =	vor.u32 $0x3F800000, v17;
	v18 =	vmul.f32 $4.155080770e-02, v14  }
0xe5: {  	v17 =	vadd.f32 $-1.000000000e+00, v17;
	v16 =	vadd.f32 $-1.578377490e-01, v16  }
0xe6: {  	v18 =	vadd.f32 $-1.578377490e-01, v18  }
0xe7: {  	v19 =	vmul.f32 $4.155080770e-02, v17;
	v16 =	vmul.f32 v16, v13  }
0xe8: {  	v18 =	vmul.f32 v18, v14  }
0xe9: {  	v19 =	vadd.f32 $-1.578377490e-01, v19;
	v16 =	vadd.f32 $3.065606950e-01, v16  }
0xea: {  	v18 =	vadd.f32 $3.065606950e-01, v18  }
0xeb: {  	v19 =	vmul.f32 v19, v17;
	v16 =	vmul.f32 v16, v13  }
0xec: {  	v18 =	vmul.f32 v18, v14  }
0xed: {  	v19 =	vadd.f32 $3.065606950e-01, v19;
	v16 =	vadd.f32 $-4.970307350e-01, v16  }
0xee: {  	v11 =	vshra.s32 v11, $0x17;
	v18 =	vadd.f32 $-4.970307350e-01, v18  }
0xef: {  	v11 =	vadd.s32 $0xFFFFFF81, v11;
	v19 =	vmul.f32 v19, v17;
	v16 =	vmul.f32 v16, v13  }
0xf0: {  	v12 =	vshra.s32 v12, $0x17;
	v11 =	vcvt.s32.f32 v11;
	v18 =	vmul.f32 v18, v14  }
0xf1: {  	v12 =	vadd.s32 $0xFFFFFF81, v12;
	v51 =	vadd.f32 $-4.970307350e-01, v19;
	v16 =	vadd.f32 $9.999449840e-01, v16  }
0xf2: {  	v12 =	vcvt.s32.f32 v12;
	v11 =	vmul.f32 $6.931471820e-01, v11;
	v18 =	vadd.f32 $9.999449840e-01, v18  }
0xf3: {  	v5 =	vld.idx.msk [tilespmem:v5+s15+$0x0], $0xffff;
	v15 =	vshra.s32 v15, $0x17;
	v13 =	vmul.f32 v16, v13;
	v16 =	vmul.f32 v51, v17  }
0xf4: {  	v15 =	vadd.s32 $0xFFFFFF81, v15;
	v12 =	vmul.f32 $6.931471820e-01, v12;
	v14 =	vmul.f32 v18, v14  }
0xf5: {  	v52 =	vcvt.s32.f32 v15;
	v11 =	vadd.f32 v13, v11;
	v53 =	vadd.f32 $9.999449840e-01, v16  }
0xf6: {  	v9 =	vmax.f32 v45, $0.0e+00;
	v8 =	vmax.f32 v8, $0.0e+00;
	v12 =	vadd.f32 v14, v12  }
0xf7: {  	v13 =	vmul.f32 $6.931471820e-01, v52;
	v9 =	vadd.f32 v11, v9;
	v54 =	vmul.f32 v53, v17  }
0xf8: {  	v7 =	vmul.f32 v7, v7;
	v55 =	vmul.f32 v5, v5;
	v8 =	vadd.f32 v12, v8  }
0xf9: {  	v9 =	vadd.f32 v9, v5;
	v11 =	vadd.f32 v54, v13  }
0xfa: {  	v10 =	vmax.f32 v10, $0.0e+00;
	v7 =	vadd.f32 v7, v55  }
0xfb: {  	v8 =	vadd.f32 v8, v9;
	v10 =	vadd.f32 v11, v10;
	v56 =	vmul.f32 v9, v9  }
0xfc: {  	v4 =	vshll.u32 v4, $0x2  }
0xfd: {  	v10 =	vadd.f32 v10, v8;
	v7 =	vadd.f32 v56, v7;
	v57 =	vmul.f32 v8, v8  }
0xfe: {  	s24 =	sadd.s32 $0x0, s12;
	v58 =	vor.u32 $0x1, v4;
	v59 =	vor.u32 $0x2, v4  }
0xff: {  	v61 =	vmov s24;
	v60 =	vmul.f32 v10, v10;
	v7 =	vadd.f32 v57, v7  }
0x100: {  	v62 =	vor.u32 $0x3, v4;
	v63 =	vor.u32 s24, v0;
	vm3 =	vlt.u32 v61, $0x186A0  }
0x101: {  	v6 =	vnsel vm1, $0x0, v6;
	v11 =	vnsel vm3, $0x0, v63;
	v7 =	vadd.f32 v60, v7  }
0x102: {  	vm1 =	vmmov vm2;
	v3 =	vadd.f32 v6, v3;
	[tilespmem:v4+s17+$0x0] =	vst.idx.msk $0xffff, v5  }
0x103: {  	s31 =	sadd.s32 $0x200, s12;
	[tilespmem:v58+s17+$0x0] =	vst.idx.msk $0xffff, v9;
	v4 =	vnsel vm1, $0x0, v7  }
0x104: {  	[tilespmem:v59+s17+$0x0] =	vst.idx.msk $0xffff, v8;
	v3 =	vadd.f32 v4, v3;
	v4 =	vmov s31  }
0x105: {  	v5 =	vor.u32 s31, v0;
	[tilespmem:v62+s17+$0x0] =	vst.idx.msk $0xffff, v10;
	vm1 =	vmmov vm3;
	vm3 =	vlt.u32 v4, $0x186A0  }
0x106: {  	v4 =	vld.idx.msk [tilespmem:v11+s4+$0x0], $0xffff;
	v5 =	vnsel vm3, $0x0, v5;
	_ =	sdelay $0x1  }
0x107: {  	s24 =	simm.s32 $0x400;
	vm2 =	vmmov vm1;
	vm1 =	vmmov vm3  }
.LBB2_4:
0x108: {  	s25 =	sadd.s32 s24, s12;
	p0 =	sne.s32 s24, $0x18600;
	s24 =	sadd.s32 $0x200, s24  }
.Ltmp1:
0x109: {  	v6 =	vmov s25;
	(pc) =	sbr.rel @p0 .LBB2_4-.Ltmp1, $4  }
0x10a: {  	v7 =	vor.u32 s25, v0;
	vm3 =	vlt.u32 v6, $0x186A0;
	v6 =	vmul.f32 v4, v4;
	v4 =	vld.idx.msk [tilespmem:v5+s4+$0x0], $0xffff  }
0x10b: {  	v5 =	vnsel vm3, $0x0, v7  }
0x10c: {  	v6 =	vnsel vm2, $0x0, v6;
	vm2 =	vmmov vm1;
	vm1 =	vmmov vm3  }
0x10d: {  	v3 =	vadd.f32 v6, v3  }
0x10e: {  	_ =	sdelay $0x3  }
0x10f: {  	v5 =	vld.idx.msk [tilespmem:v5+s4+$0x0], $0xffff;
	_ =	sdelay $0x2  }
0x110: {  	v4 =	vmul.f32 v4, v4;
	_ =	sdelay $0x1  }
0x111: {  	v4 =	vnsel vm2, $0x0, v4;
	v5 =	vmul.f32 v5, v5  }
0x112: {  	vm1 =	vmmov vm1;
	v3 =	vadd.f32 v4, v3  }
0x113: {  	s24 =	simm.s32 $0x0;
	s25 =	simm.s32 $0x0;
	v4 =	vnsel vm1, $0x0, v5  }
0x114: {  	[tilespmem:s18], [sflag:$0x1] =	stream.linear.gather [hbm4b:s9+s24], $0xFA0, $0x38;
	v3 =	vadd.f32 v4, v3;
	v4 =	vimm.f32 $0.0e+00;
	[tilespmem:$0x1C960] =	vst v63  }
.LBB2_6:
0x115: {  	s26 =	sshll.u32 s25, $0x6  }
0x116: {  	s28 =	sor.u32 s7, s26  }
0x117: {  	s26 =	sor.u32 $0x20, s28  }
0x118: {  	s29 =	smin.u32 s26, $0x11C  }
0x119: {  	s29 =	smul.u32 $0x1F4, s29;
	_ =	sdelay $0x1  }
0x11a: {  	v5 =	vor.u32 s24, v0;
	s29 =	sadd.s32 s5, s29  }
0x11b: {  	[tilespmem:s19], [sflag:$0x2] =	stream.linear.gather [hbm4b:s29+s24], $0xFA0, $0x38;
	[tilespmem:$0x1C960] =	vst v63  }
0x11c: {  	_ =	swait.ge [sflag:s20], $0xFA0  }
0x11d: {  	[sflag:s20] =	ssyncset.done $0x0  }
0x11e: {  	[sflag:s20] =	ssyncadd.s32 $0xFFFFF060  }
0x11f: {  	v5 =	vld.idx.msk [tilespmem:v5+s18+$0x0], $0xffff;
	_ =	sdelay $0x3  }
0x120: {  	s29 =	simm.s32 $0x10  }
0x121: {  	v6 =	vor.u32 s29, v0;
	v7 =	vshrl.u32 v5, $0xA  }
0x122: {  	v8 =	vshra.s32 v5, $0xD;
	v9 =	vand.u32 $0x7, v7;
	v7 =	vshll.u32 v5, $0x2  }
0x123: {  	v7 =	vand.u32 $0xFFC, v7;
	v10 =	vmin.u32 v9, $0x3;
	v11 =	vmax.u32 v9, $0x1  }
0x124: {  	v11 =	vsub.s32 v11, v2;
	v10 =	vor.u32 v7, v10  }
0x125: {  	v7 =	vadd.s32 v7, v11  }
0x126: {  	v5 =	vand.u32 $0x3FF, v5;
	v11 =	vld.idx.msk [tilespmem:v6+s18+$0x0], $0xffff;
	_ =	sdelay $0x1  }
0x127: {  	v8 =	vld.idx.msk [tilespmem:v8+s4+$0x0], $0xffff  }
0x128: {  	v10 =	vld.idx.msk [tilespmem:v10+s17+$0x0], $0xffff  }
0x129: {  	s29 =	simm.s32 $0x20;
	v7 =	vld.idx.msk [tilespmem:v7+s17+$0x0], $0xffff  }
0x12a: {  	v12 =	vor.u32 s29, v0;
	v5 =	vld.idx.msk [tilespmem:v5+s14+$0x0], $0xffff;
	v6 =	vshrl.u32 v11, $0xA  }
0x12b: {  	v13 =	vshra.s32 v11, $0xD;
	v14 =	vshll.u32 v11, $0x2;
	v6 =	vand.u32 $0x7, v6  }
0x12c: {  	v14 =	vand.u32 $0xFFC, v14;
	v15 =	vmin.u32 v6, $0x3;
	v16 =	vmax.u32 v6, $0x1  }
0x12d: {  	v16 =	vsub.s32 v16, v2;
	v15 =	vor.u32 v14, v15;
	v10 =	vsub.f32 v10, v8  }
0x12e: {  	v7 =	vsub.f32 v7, v8;
	v8 =	vadd.s32 v14, v16  }
0x12f: {  	v11 =	vand.u32 $0x3FF, v11;
	v10 =	vmul.f32 v10, v5  }
0x130: {  	v12 =	vld.idx.msk [tilespmem:v12+s18+$0x0], $0xffff;
	v5 =	vmul.f32 v7, v5  }
0x131: {  	v7 =	vmul.f32 $1.442695020e+00, v10;
	v10 =	vld.idx.msk [tilespmem:v13+s4+$0x0], $0xffff  }
0x132: {  	v13 =	vld.idx.msk [tilespmem:v15+s17+$0x0], $0xffff;
	v5 =	vmul.f32 $1.442695020e+00, v5  }
0x133: {  	(erf) = vpow2.f32 v7;
	v8 =	vld.idx.msk [tilespmem:v8+s17+$0x0], $0xffff  }
0x134: {  	(erf) = vpow2.f32 v5;
	v5 =	vld.idx.msk [tilespmem:v11+s14+$0x0], $0xffff  }
0x135: {  	v14 =	vshll.u32 v12, $0x2;
	v7 =	vshrl.u32 v12, $0xA  }
0x136: {  	v14 =	vand.u32 $0xFFC, v14;
	v7 =	vand.u32 $0x7, v7  }
0x137: {  	s29 =	simm.s32 $0x30;
	v15 =	vshra.s32 v12, $0xD;
	v16 =	vmin.u32 v7, $0x3;
	v13 =	vsub.f32 v13, v10  }
0x138: {  	v11 =	vor.u32 s29, v0;
	v16 =	vor.u32 v14, v16  }
0x139: {  	v17 =	vmax.u32 v7, $0x1;
	v8 =	vsub.f32 v8, v10;
	v13 =	vmul.f32 v13, v5  }
0x13a: {  	v12 =	vand.u32 $0x3FF, v12;
	v17 =	vsub.s32 v17, v2  }
0x13b: {  	v10 =	vadd.s32 v14, v17;
	v5 =	vmul.f32 v8, v5  }
0x13c: {  	v14 =	vld.idx.msk [tilespmem:v15+s4+$0x0], $0xffff;
	v8 =	vmul.f32 $1.442695020e+00, v13  }
0x13d: {  	v16 =	vld.idx.msk [tilespmem:v16+s17+$0x0], $0xffff;
	v5 =	vmul.f32 $1.442695020e+00, v5;
	v13 =	vpop (erf)  }
0x13e: {  	v11 =	vld.idx.msk [tilespmem:v11+s18+$0x0], $0xffff;
	(erf) = vpow2.f32 v8;
	v15 =	vpop (erf)  }
0x13f: {  	s29 =	simm.s32 $0x40;
	v8 =	vadd.f32 $1.000000000e+00, v13;
	(erf) = vpow2.f32 v5;
	v5 =	vadd.f32 $1.000000000e+00, v15;
	v15 =	vld.idx.msk [tilespmem:v12+s14+$0x0], $0xffff  }
0x140: {  	v10 =	vld.idx.msk [tilespmem:v10+s17+$0x0], $0xffff;
	v13 =	vor.u32 s29, v0  }
0x141: {  	(erf) = vrcp.f32 v8  }
0x142: {  	v16 =	vsub.f32 v16, v14;
	(erf) = vrcp.f32 v5  }
0x143: {  	v17 =	vshra.s32 v11, $0xD;
	v12 =	vshll.u32 v11, $0x2;
	v5 =	vshrl.u32 v11, $0xA  }
0x144: {  	v8 =	vand.u32 $0x7, v5;
	v5 =	vand.u32 $0xFFC, v12;
	v16 =	vmul.f32 v16, v15  }
0x145: {  	v10 =	vsub.f32 v10, v14;
	v18 =	vmin.u32 v8, $0x3;
	v12 =	vld.idx.msk [tilespmem:v13+s18+$0x0], $0xffff;
	v13 =	vmax.u32 v8, $0x1  }
0x146: {  	v13 =	vsub.s32 v13, v2;
	v14 =	vor.u32 v5, v18;
	v16 =	vmul.f32 $1.442695020e+00, v16  }
0x147: {  	v10 =	vmul.f32 v10, v15;
	v13 =	vadd.s32 v5, v13  }
0x148: {  	vm1 =	veq.s32 v9, $0x0;
	s29 =	simm.s32 $0x50;
	v15 =	vand.u32 $0x3FF, v11;
	v19 =	vpop (erf)  }
0x149: {  	vm2 =	veq.s32 v9, $0x4;
	v21 =	vor.u32 s29, v0;
	v10 =	vmul.f32 $1.442695020e+00, v10;
	v20 =	vpop (erf)  }
0x14a: {  	v22 =	vld.idx.msk [tilespmem:v17+s4+$0x0], $0xffff;
	v18 =	vimm.f32 $1.000000000e+00;
	v5 =	vimm.s32 $0x0;
	(erf) = vpow2.f32 v16;
	v16 =	vpop (erf)  }
0x14b: {  	v17 =	vadd.f32 $1.000000000e+00, v20;
	v14 =	vld.idx.msk [tilespmem:v14+s17+$0x0], $0xffff;
	(erf) = vpow2.f32 v10;
	v10 =	vadd.f32 $1.000000000e+00, v19;
	v9 =	vpop (erf)  }
0x14c: {  	v19 =	vshrl.u32 v12, $0xA;
	v13 =	vld.idx.msk [tilespmem:v13+s17+$0x0], $0xffff;
	v16 =	vsel vm2, $0x0, v16;
	v9 =	vsel vm1, $0x3F800000, v9  }
0x14d: {  	v15 =	vld.idx.msk [tilespmem:v15+s14+$0x0], $0xffff;
	(erf) = vrcp.f32 v10;
	v10 =	vand.u32 $0x7, v19;
	v9 =	vsub.f32 v9, v16  }
0x14e: {  	v11 =	vshra.s32 v12, $0xD;
	(erf) = vrcp.f32 v17;
	v17 =	vmin.u32 v10, $0x3  }
0x14f: {  	v19 =	vmax.u32 v10, $0x1;
	v16 =	vshll.u32 v12, $0x2;
	v9 =	vmax.f32 v9, $9.999999960e-13  }
0x150: {  	v16 =	vand.u32 $0xFFC, v16;
	v14 =	vsub.f32 v14, v22;
	v9 =	vmul.f32 v9, v18  }
0x151: {  	v17 =	vor.u32 v16, v17;
	v18 =	vsub.s32 v19, v2;
	v19 =	vsub.f32 v13, v22;
	v13 =	vld.idx.msk [tilespmem:v21+s18+$0x0], $0xffff  }
0x152: {  	s29 =	simm.s32 $0x60;
	v16 =	vadd.s32 v16, v18;
	v18 =	vmul.f32 v14, v15;
	v14 =	vand.u32 $0x7FFFFF, v9  }
.LBB2_7:
0x153: {  	p0 =	sne.s32 s29, $0xF90;
	v12 =	vand.u32 $0x3FF, v12;
	v15 =	vmul.f32 v19, v15;
	v19 =	vpop (erf);
	v14 =	vor.u32 $0x3F800000, v14  }
0x154: {  	v9 =	vshra.s32 v9, $0x17;
	v18 =	vmul.f32 $1.442695020e+00, v18;
	v20 =	vpop (erf)  }
0x155: {  	v21 =	vor.u32 s29, v0;
	v5 =	vadd.s32 v5, v9;
	v22 =	vld.idx.msk [tilespmem:v11+s4+$0x0], $0xffff;
	v15 =	vmul.f32 $1.442695020e+00, v15  }
0x156: {  	vm1 =	veq.s32 v6, $0x0;
	v11 =	vshra.s32 v13, $0xD;
	v9 =	vld.idx.msk [tilespmem:v17+s17+$0x0], $0xffff;
	(erf) = vpow2.f32 v18;
	v17 =	vpop (erf)  }
0x157: {  	vm2 =	veq.s32 v6, $0x4;
	v18 =	vadd.f32 $1.000000000e+00, v19;
	v16 =	vld.idx.msk [tilespmem:v16+s17+$0x0], $0xffff;
	(erf) = vpow2.f32 v15;
	v6 =	vpop (erf)  }
0x158: {  	v19 =	vadd.f32 $1.000000000e+00, v20;
	v17 =	vsel vm2, $0x0, v17;
	v15 =	vld.idx.msk [tilespmem:v12+s14+$0x0], $0xffff;
	v23 =	vsel vm1, $0x3F800000, v6;
	v6 =	vmovc v7;
	v7 =	vmovc v8  }
0x159: {  	v20 =	vshrl.u32 v13, $0xA;
	v8 =	vmovc v10;
	v12 =	vmovc v13;
	(erf) = vrcp.f32 v18;
	v17 =	vsub.f32 v23, v17  }
.Ltmp2:
0x15a: {  	v10 =	vand.u32 $0x7, v20;
	v13 =	vshll.u32 v12, $0x2;
	(erf) = vrcp.f32 v19;
	(pc) =	sbr.rel @p0 .LBB2_7-.Ltmp2, $4  }
0x15b: {  	v18 =	vand.u32 $0xFFC, v13;
	v19 =	vmin.u32 v10, $0x3;
	v17 =	vmax.f32 v17, $9.999999960e-13  }
0x15c: {  	v20 =	vmax.u32 v10, $0x1;
	v13 =	vld.idx.msk [tilespmem:v21+s18+$0x0], $0xffff;
	v21 =	vsub.f32 v9, v22;
	v9 =	vmul.f32 v17, v14  }
0x15d: {  	v14 =	vsub.s32 v20, v2;
	v17 =	vor.u32 v18, v19;
	v19 =	vsub.f32 v16, v22  }
0x15e: {  	s29 =	sadd.s32 $0x10, s29;
	v16 =	vadd.s32 v18, v14;
	v18 =	vmul.f32 v21, v15;
	v14 =	vand.u32 $0x7FFFFF, v9  }
0x15f: {  	_ =	sdelay $0x1  }
0x160: {  	v12 =	vand.u32 $0x3FF, v12;
	v15 =	vmul.f32 v19, v15;
	v19 =	vshrl.u32 v13, $0xA  }
0x161: {  	v20 =	vshra.s32 v13, $0xD;
	v21 =	vshll.u32 v13, $0x2;
	v19 =	vand.u32 $0x7, v19  }
0x162: {  	v11 =	vld.idx.msk [tilespmem:v11+s4+$0x0], $0xffff;
	v21 =	vand.u32 $0xFFC, v21;
	v22 =	vmin.u32 v19, $0x3;
	v23 =	vmax.u32 v19, $0x1  }
0x163: {  	v17 =	vld.idx.msk [tilespmem:v17+s17+$0x0], $0xffff;
	v18 =	vmul.f32 $1.442695020e+00, v18;
	v23 =	vsub.s32 v23, v2;
	v22 =	vor.u32 v21, v22  }
0x164: {  	v16 =	vld.idx.msk [tilespmem:v16+s17+$0x0], $0xffff;
	v21 =	vadd.s32 v21, v23  }
0x165: {  	v15 =	vmul.f32 $1.442695020e+00, v15;
	(erf) = vpow2.f32 v18;
	v12 =	vld.idx.msk [tilespmem:v12+s14+$0x0], $0xffff  }
0x166: {  	v13 =	vand.u32 $0x3FF, v13  }
0x167: {  	(erf) = vpow2.f32 v15;
	v15 =	vld.idx.msk [tilespmem:v20+s4+$0x0], $0xffff  }
0x168: {  	v17 =	vsub.f32 v17, v11;
	v20 =	vpop (erf);
	v18 =	vld.idx.msk [tilespmem:v22+s17+$0x0], $0xffff  }
0x169: {  	v11 =	vsub.f32 v16, v11;
	v20 =	vadd.f32 $1.000000000e+00, v20;
	v16 =	vld.idx.msk [tilespmem:v21+s17+$0x0], $0xffff  }
0x16a: {  	v59 =	vpop (erf);
	v17 =	vmul.f32 v17, v12  }
0x16b: {  	v13 =	vld.idx.msk [tilespmem:v13+s14+$0x0], $0xffff;
	v11 =	vmul.f32 v11, v12;
	v21 =	vadd.f32 $1.000000000e+00, v59  }
0x16c: {  	v12 =	vpop (erf);
	(erf) = vrcp.f32 v20;
	v17 =	vmul.f32 $1.442695020e+00, v17  }
0x16d: {  	v20 =	vpop (erf);
	v11 =	vmul.f32 $1.442695020e+00, v11;
	(erf) = vrcp.f32 v21  }
0x16e: {  	v60 =	vpop (erf);
	(erf) = vpow2.f32 v17;
	v18 =	vsub.f32 v18, v15;
	v15 =	vsub.f32 v16, v15  }
0x16f: {  	(erf) = vpow2.f32 v11;
	v11 =	vadd.f32 $1.000000000e+00, v60  }
0x170: {  	v16 =	vpop (erf);
	v17 =	vmul.f32 v18, v13;
	v13 =	vmul.f32 v15, v13  }
0x171: {  	v16 =	vadd.f32 $1.000000000e+00, v16;
	(erf) = vrcp.f32 v11  }
0x172: {  	v11 =	vmul.f32 $1.442695020e+00, v17;
	v13 =	vmul.f32 $1.442695020e+00, v13  }
0x173: {  	vm2 =	veq.s32 v6, $0x4;
	(erf) = vrcp.f32 v16  }
0x174: {  	vm1 =	veq.s32 v6, $0x0;
	v12 =	vsel vm2, $0x0, v12;
	(erf) = vpow2.f32 v11  }
0x175: {  	v6 =	vpop (erf);
	v11 =	vsel vm1, $0x3F800000, v20;
	(erf) = vpow2.f32 v13  }
0x176: {  	v11 =	vsub.f32 v11, v12;
	v13 =	vpop (erf)  }
0x177: {  	v14 =	vor.u32 $0x3F800000, v14;
	v12 =	vpop (erf)  }
0x178: {  	vm2 =	veq.s32 v7, $0x4;
	v11 =	vmax.f32 v11, $9.999999960e-13;
	v15 =	vpop (erf);
	v12 =	vadd.f32 $1.000000000e+00, v12  }
0x179: {  	vm1 =	veq.s32 v7, $0x0;
	v11 =	vmul.f32 v11, v14;
	v14 =	vadd.f32 $1.000000000e+00, v15  }
0x17a: {  	v6 =	vsel vm2, $0x0, v6;
	(erf) = vrcp.f32 v12;
	v12 =	vsel vm1, $0x3F800000, v13  }
0x17b: {  	v7 =	vpop (erf);
	(erf) = vrcp.f32 v14;
	v6 =	vsub.f32 v12, v6  }
0x17c: {  	v13 =	vpop (erf);
	v14 =	vand.u32 $0x7FFFFF, v11  }
0x17d: {  	v14 =	vor.u32 $0x3F800000, v14;
	v12 =	vpop (erf);
	v6 =	vmax.f32 v6, $9.999999960e-13  }
0x17e: {  	vm2 =	veq.s32 v8, $0x4;
	v15 =	vpop (erf);
	v12 =	vadd.f32 $1.000000000e+00, v12;
	v6 =	vmul.f32 v6, v14  }
0x17f: {  	vm1 =	veq.s32 v8, $0x0;
	v7 =	vsel vm2, $0x0, v7;
	v15 =	vadd.f32 $1.000000000e+00, v15  }
0x180: {  	v8 =	vsel vm1, $0x3F800000, v13;
	(erf) = vrcp.f32 v12;
	v12 =	vand.u32 $0x7FFFFF, v6  }
0x181: {  	v7 =	vsub.f32 v8, v7;
	(erf) = vrcp.f32 v15;
	_ =	sdelay $0x1  }
0x182: {  	p0 =	seq.s32 s25, $0x4;
	v7 =	vmax.f32 v7, $9.999999960e-13;
	v8 =	vor.u32 $0x3F800000, v12;
	v12 =	vpop (erf)  }
0x183: {  	s29 =	smin.u32 @!p0 s28, $0xDC;
	vm2 =	veq.s32 v10, $0x4;
	vm1 =	veq.s32 v10, $0x0;
	v7 =	vmul.f32 v7, v8;
	v10 =	vpop (erf)  }
0x184: {  	s29 =	smul.u32 @!p0 $0xFA0, s29;
	v8 =	vsel vm1, $0x3F800000, v10;
	v10 =	vsel vm2, $0x0, v12  }
0x185: {  	v8 =	vsub.f32 v8, v10;
	v10 =	vand.u32 $0x7FFFFF, v7  }
0x186: {  	s29 =	sshrl.u32 @!p0 s29, $0x3;
	v10 =	vor.u32 $0x3F800000, v10  }
0x187: {  	s30 =	simm.s32 $0x0;
	s29 =	sadd.s32 @!p0 s5, s29  }
0x188: {  	s31 =	simm.s32 @!p0 $0x0;
	s29 =	sadd.s32 @!p0 $0x7D00, s29;
	v13 =	vor.u32 s30, v0;
	s30 =	simm.s32 @!p0 $0x1AA10;
	v8 =	vmax.f32 v8, $9.999999960e-13;
	v12 =	vpop (erf)  }
0x189: {  	[tilespmem:s30], [sflag:$0x1] =	stream.linear.gather @!p0 [hbm4b:s29+s31], $0xFA0, $0x38;
	vm1 =	veq.s32 v19, $0x0;
	vm2 =	veq.s32 v19, $0x4;
	v8 =	vmul.f32 v8, v10;
	v10 =	vpop (erf);
	[tilespmem:$0x1C960] =	vst v63  }
0x18a: {  	v12 =	vsel vm2, $0x0, v12;
	v10 =	vsel vm1, $0x3F800000, v10;
	_ =	swait.ge [sflag:s21], $0xFA0  }
0x18b: {  	v10 =	vsub.f32 v10, v12;
	[sflag:s21] =	ssyncset.done $0x0  }
0x18c: {  	v12 =	vand.u32 $0x7FFFFF, v8;
	[sflag:s21] =	ssyncadd.s32 $0xFFFFF060  }
0x18d: {  	v12 =	vor.u32 $0x3F800000, v12;
	v10 =	vmax.f32 v10, $9.999999960e-13;
	v13 =	vld.idx.msk [tilespmem:v13+s19+$0x0], $0xffff  }
0x18e: {  	v12 =	vmul.f32 v10, v12;
	_ =	sdelay $0x1  }
0x18f: {  	s30 =	simm.s32 $0x10;
	v10 =	vand.u32 $0x7FFFFF, v12  }
0x190: {  	v16 =	vor.u32 s30, v0;
	v10 =	vor.u32 $0x3F800000, v10  }
0x191: {  	v14 =	vadd.f32 $-1.000000000e+00, v10;
	v10 =	vshrl.u32 v13, $0xA;
	v18 =	vshll.u32 v13, $0x2  }
0x192: {  	v17 =	vshra.s32 v13, $0xD;
	v10 =	vand.u32 $0x7, v10;
	v18 =	vand.u32 $0xFFC, v18  }
0x193: {  	v15 =	vmul.f32 $4.155080770e-02, v14;
	v19 =	vmin.u32 v10, $0x3;
	v20 =	vmax.u32 v10, $0x1  }
0x194: {  	v20 =	vsub.s32 v20, v2;
	v19 =	vor.u32 v18, v19  }
0x195: {  	v16 =	vld.idx.msk [tilespmem:v16+s19+$0x0], $0xffff;
	v15 =	vadd.f32 $-1.578377490e-01, v15;
	v18 =	vadd.s32 v18, v20;
	_ =	sdelay $0x1  }
0x196: {  	v9 =	vshra.s32 v9, $0x17;
	v13 =	vand.u32 $0x3FF, v13;
	v15 =	vmul.f32 v15, v14  }
0x197: {  	v5 =	vadd.s32 v5, v9;
	v9 =	vshra.s32 v11, $0x17;
	v17 =	vld.idx.msk [tilespmem:v17+s4+$0x0], $0xffff  }
0x198: {  	v5 =	vadd.s32 v5, v9;
	v6 =	vshra.s32 v6, $0x17;
	v11 =	vadd.f32 $3.065606950e-01, v15;
	v15 =	vld.idx.msk [tilespmem:v19+s17+$0x0], $0xffff  }
0x199: {  	v6 =	vadd.s32 v5, v6;
	v5 =	vshrl.u32 v16, $0xA;
	v9 =	vld.idx.msk [tilespmem:v18+s17+$0x0], $0xffff  }
0x19a: {  	v5 =	vand.u32 $0x7, v5  }
0x19b: {  	s31 =	simm.s32 $0x20;
	v61 =	vmin.u32 v5, $0x3;
	v13 =	vld.idx.msk [tilespmem:v13+s14+$0x0], $0xffff;
	v19 =	vshll.u32 v16, $0x2  }
0x19c: {  	v62 =	vmax.u32 v5, $0x1;
	v18 =	vor.u32 s31, v0;
	v19 =	vand.u32 $0xFFC, v19  }
0x19d: {  	v20 =	vshra.s32 v16, $0xD;
	v11 =	vmul.f32 v11, v14;
	v21 =	vor.u32 v19, v61  }
0x19e: {  	v15 =	vsub.f32 v15, v17;
	v9 =	vsub.f32 v9, v17;
	v17 =	vsub.s32 v62, v2  }
0x19f: {  	v7 =	vshra.s32 v7, $0x17;
	v11 =	vadd.f32 $-4.970307350e-01, v11;
	v17 =	vadd.s32 v19, v17  }
0x1a0: {  	v6 =	vadd.s32 v6, v7;
	v7 =	vmul.f32 v15, v13;
	v15 =	vand.u32 $0x3FF, v16  }
0x1a1: {  	v8 =	vshra.s32 v8, $0x17;
	v11 =	vmul.f32 v11, v14;
	v16 =	vld.idx.msk [tilespmem:v18+s19+$0x0], $0xffff;
	v9 =	vmul.f32 v9, v13  }
0x1a2: {  	v6 =	vadd.s32 v6, v8;
	v8 =	vld.idx.msk [tilespmem:v20+s4+$0x0], $0xffff;
	v7 =	vmul.f32 $1.442695020e+00, v7  }
0x1a3: {  	v12 =	vshra.s32 v12, $0x17;
	v11 =	vadd.f32 $9.999449840e-01, v11;
	v13 =	vld.idx.msk [tilespmem:v21+s17+$0x0], $0xffff;
	v9 =	vmul.f32 $1.442695020e+00, v9  }
0x1a4: {  	v6 =	vadd.s32 v6, v12;
	(erf) = vpow2.f32 v7;
	v12 =	vld.idx.msk [tilespmem:v17+s17+$0x0], $0xffff  }
0x1a5: {  	s30 =	simm.s32 $0x30;
	v6 =	vadd.s32 $0xFFFF83FA, v6;
	v11 =	vmul.f32 v11, v14;
	(erf) = vpow2.f32 v9;
	v9 =	vld.idx.msk [tilespmem:v15+s14+$0x0], $0xffff  }
0x1a6: {  	v14 =	vor.u32 s30, v0;
	v7 =	vshrl.u32 v16, $0xA;
	v15 =	vshll.u32 v16, $0x2  }
0x1a7: {  	v17 =	vshra.s32 v16, $0xD;
	v7 =	vand.u32 $0x7, v7;
	v15 =	vand.u32 $0xFFC, v15  }
0x1a8: {  	v13 =	vsub.f32 v13, v8;
	v18 =	vmin.u32 v7, $0x3;
	v19 =	vmax.u32 v7, $0x1  }
0x1a9: {  	v19 =	vsub.s32 v19, v2;
	v18 =	vor.u32 v15, v18;
	v8 =	vsub.f32 v12, v8  }
0x1aa: {  	v6 =	vcvt.s32.f32 v6;
	v12 =	vadd.s32 v15, v19;
	v13 =	vmul.f32 v13, v9  }
0x1ab: {  	v15 =	vand.u32 $0x3FF, v16;
	v8 =	vmul.f32 v8, v9;
	v9 =	vadd.f32 $0.0e+00, v11  }
0x1ac: {  	v16 =	vld.idx.msk [tilespmem:v17+s4+$0x0], $0xffff  }
0x1ad: {  	v6 =	vmul.f32 $6.931471820e-01, v6;
	v11 =	vld.idx.msk [tilespmem:v14+s19+$0x0], $0xffff;
	v13 =	vmul.f32 $1.442695020e+00, v13  }
0x1ae: {  	v14 =	vpop (erf);
	v17 =	vld.idx.msk [tilespmem:v18+s17+$0x0], $0xffff;
	v8 =	vmul.f32 $1.442695020e+00, v8  }
0x1af: {  	v6 =	vadd.f32 v9, v6;
	(erf) = vpow2.f32 v13;
	v9 =	vpop (erf)  }
0x1b0: {  	s31 =	simm.s32 $0x40;
	v13 =	vadd.f32 $1.000000000e+00, v14;
	(erf) = vpow2.f32 v8;
	v8 =	vadd.f32 $1.000000000e+00, v9;
	v9 =	vld.idx.msk [tilespmem:v15+s14+$0x0], $0xffff  }
0x1b1: {  	v14 =	vor.u32 s31, v0;
	v18 =	vld.idx.msk [tilespmem:v12+s17+$0x0], $0xffff  }
0x1b2: {  	(erf) = vrcp.f32 v13  }
0x1b3: {  	v17 =	vsub.f32 v17, v16;
	(erf) = vrcp.f32 v8  }
0x1b4: {  	v13 =	vshra.s32 v11, $0xD;
	v12 =	vshll.u32 v11, $0x2;
	v8 =	vshrl.u32 v11, $0xA  }
0x1b5: {  	v15 =	vand.u32 $0xFFC, v12;
	v8 =	vand.u32 $0x7, v8;
	v17 =	vmul.f32 v17, v9  }
0x1b6: {  	v12 =	vld.idx.msk [tilespmem:v14+s19+$0x0], $0xffff;
	v16 =	vsub.f32 v18, v16;
	v19 =	vmin.u32 v8, $0x3;
	v14 =	vmax.u32 v8, $0x1  }
0x1b7: {  	p6 =	slt.s32 s28, $0x11D;
	s28 =	simm.s32 $0x50;
	v14 =	vsub.s32 v14, v2;
	v18 =	vor.u32 v15, v19;
	v17 =	vmul.f32 $1.442695020e+00, v17  }
0x1b8: {  	v63 =	vor.u32 s28, v0;
	v9 =	vmul.f32 v16, v9;
	v14 =	vadd.s32 v15, v14  }
0x1b9: {  	vm1 =	veq.s32 v10, $0x0;
	v6 =	vpsel !p6, $0x0, v6;
	v15 =	vand.u32 $0x3FF, v11;
	v19 =	vpop (erf)  }
0x1ba: {  	vm2 =	veq.s32 v10, $0x4;
	v4 =	vadd.f32 v6, v4;
	v9 =	vmul.f32 $1.442695020e+00, v9;
	v20 =	vpop (erf)  }
0x1bb: {  	v6 =	vimm.s32 $0x0;
	v16 =	vimm.f32 $1.000000000e+00;
	v13 =	vld.idx.msk [tilespmem:v13+s4+$0x0], $0xffff;
	(erf) = vpow2.f32 v17;
	v17 =	vpop (erf)  }
0x1bc: {  	v18 =	vld.idx.msk [tilespmem:v18+s17+$0x0], $0xffff;
	(erf) = vpow2.f32 v9;
	v9 =	vadd.f32 $1.000000000e+00, v19;
	v19 =	vadd.f32 $1.000000000e+00, v20;
	v10 =	vpop (erf)  }
0x1bd: {  	v20 =	vshrl.u32 v12, $0xA;
	v14 =	vld.idx.msk [tilespmem:v14+s17+$0x0], $0xffff;
	v17 =	vsel vm2, $0x0, v17;
	v10 =	vsel vm1, $0x3F800000, v10  }
0x1be: {  	v15 =	vld.idx.msk [tilespmem:v15+s14+$0x0], $0xffff;
	(erf) = vrcp.f32 v9;
	v9 =	vand.u32 $0x7, v20;
	v10 =	vsub.f32 v10, v17  }
0x1bf: {  	v11 =	vshra.s32 v12, $0xD;
	(erf) = vrcp.f32 v19;
	v19 =	vmin.u32 v9, $0x3  }
0x1c0: {  	v20 =	vmax.u32 v9, $0x1;
	v17 =	vshll.u32 v12, $0x2;
	v10 =	vmax.f32 v10, $9.999999960e-13  }
0x1c1: {  	v17 =	vand.u32 $0xFFC, v17;
	v18 =	vsub.f32 v18, v13;
	v10 =	vmul.f32 v10, v16  }
0x1c2: {  	v20 =	vsub.s32 v20, v2;
	v16 =	vor.u32 v17, v19;
	v19 =	vsub.f32 v14, v13;
	v13 =	vld.idx.msk [tilespmem:v63+s19+$0x0], $0xffff  }
0x1c3: {  	s28 =	simm.s32 $0x60;
	v17 =	vadd.s32 v17, v20;
	v18 =	vmul.f32 v18, v15;
	v14 =	vand.u32 $0x7FFFFF, v10  }
.LBB2_9:
0x1c4: {  	p0 =	sne.s32 s28, $0xF90;
	v12 =	vand.u32 $0x3FF, v12;
	v15 =	vmul.f32 v19, v15;
	v19 =	vpop (erf);
	v14 =	vor.u32 $0x3F800000, v14  }
0x1c5: {  	v10 =	vshra.s32 v10, $0x17;
	v18 =	vmul.f32 $1.442695020e+00, v18;
	v20 =	vpop (erf)  }
0x1c6: {  	v21 =	vor.u32 s28, v0;
	v6 =	vadd.s32 v6, v10;
	v22 =	vld.idx.msk [tilespmem:v11+s4+$0x0], $0xffff;
	v15 =	vmul.f32 $1.442695020e+00, v15  }
0x1c7: {  	vm1 =	veq.s32 v5, $0x0;
	v11 =	vshra.s32 v13, $0xD;
	v10 =	vld.idx.msk [tilespmem:v16+s17+$0x0], $0xffff;
	(erf) = vpow2.f32 v18;
	v16 =	vpop (erf)  }
0x1c8: {  	vm2 =	veq.s32 v5, $0x4;
	v18 =	vadd.f32 $1.000000000e+00, v19;
	v17 =	vld.idx.msk [tilespmem:v17+s17+$0x0], $0xffff;
	(erf) = vpow2.f32 v15;
	v5 =	vpop (erf)  }
0x1c9: {  	v19 =	vadd.f32 $1.000000000e+00, v20;
	v16 =	vsel vm2, $0x0, v16;
	v15 =	vld.idx.msk [tilespmem:v12+s14+$0x0], $0xffff;
	v23 =	vsel vm1, $0x3F800000, v5;
	v5 =	vmovc v7;
	v7 =	vmovc v8  }
0x1ca: {  	v20 =	vshrl.u32 v13, $0xA;
	v8 =	vmovc v9;
	v12 =	vmovc v13;
	(erf) = vrcp.f32 v18;
	v16 =	vsub.f32 v23, v16  }
.Ltmp3:
0x1cb: {  	v9 =	vand.u32 $0x7, v20;
	v13 =	vshll.u32 v12, $0x2;
	(erf) = vrcp.f32 v19;
	(pc) =	sbr.rel @p0 .LBB2_9-.Ltmp3, $4  }
0x1cc: {  	v18 =	vand.u32 $0xFFC, v13;
	v19 =	vmin.u32 v9, $0x3;
	v16 =	vmax.f32 v16, $9.999999960e-13  }
0x1cd: {  	v20 =	vmax.u32 v9, $0x1;
	v13 =	vld.idx.msk [tilespmem:v21+s19+$0x0], $0xffff;
	v21 =	vsub.f32 v10, v22;
	v10 =	vmul.f32 v16, v14  }
0x1ce: {  	v14 =	vsub.s32 v20, v2;
	v16 =	vor.u32 v18, v19;
	v19 =	vsub.f32 v17, v22  }
0x1cf: {  	s28 =	sadd.s32 $0x10, s28;
	v17 =	vadd.s32 v18, v14;
	v18 =	vmul.f32 v21, v15;
	v14 =	vand.u32 $0x7FFFFF, v10  }
0x1d0: {  	_ =	sdelay $0x1  }
0x1d1: {  	v12 =	vand.u32 $0x3FF, v12;
	v15 =	vmul.f32 v19, v15;
	v29 =	vshrl.u32 v13, $0xA  }
0x1d2: {  	v20 =	vshra.s32 v13, $0xD;
	v21 =	vshll.u32 v13, $0x2;
	v19 =	vand.u32 $0x7, v29  }
0x1d3: {  	v21 =	vand.u32 $0xFFC, v21;
	v22 =	vmin.u32 v19, $0x3;
	v23 =	vmax.u32 v19, $0x1  }
0x1d4: {  	v11 =	vld.idx.msk [tilespmem:v11+s4+$0x0], $0xffff;
	v18 =	vmul.f32 $1.442695020e+00, v18;
	v23 =	vsub.s32 v23, v2;
	v22 =	vor.u32 v21, v22  }
0x1d5: {  	v16 =	vld.idx.msk [tilespmem:v16+s17+$0x0], $0xffff;
	v15 =	vmul.f32 $1.442695020e+00, v15;
	v21 =	vadd.s32 v21, v23  }
0x1d6: {  	v17 =	vld.idx.msk [tilespmem:v17+s17+$0x0], $0xffff;
	v30 =	vand.u32 $0x3FF, v13;
	(erf) = vpow2.f32 v18  }
0x1d7: {  	(erf) = vpow2.f32 v15;
	v12 =	vld.idx.msk [tilespmem:v12+s14+$0x0], $0xffff  }
0x1d8: {  	v31 =	vld.idx.msk [tilespmem:v20+s4+$0x0], $0xffff  }
0x1d9: {  	v32 =	vld.idx.msk [tilespmem:v22+s17+$0x0], $0xffff  }
0x1da: {  	v16 =	vsub.f32 v16, v11;
	v33 =	vld.idx.msk [tilespmem:v21+s17+$0x0], $0xffff  }
0x1db: {  	v34 =	vpop (erf);
	v11 =	vsub.f32 v17, v11;
	v13 =	vld.idx.msk [tilespmem:v30+s14+$0x0], $0xffff  }
0x1dc: {  	v35 =	vpop (erf);
	v16 =	vmul.f32 v16, v12;
	v21 =	vadd.f32 $1.000000000e+00, v34  }
0x1dd: {  	v36 =	vpop (erf);
	v17 =	vadd.f32 $1.000000000e+00, v35;
	v11 =	vmul.f32 v11, v12  }
0x1de: {  	v37 =	vpop (erf);
	v16 =	vmul.f32 $1.442695020e+00, v16;
	(erf) = vrcp.f32 v21;
	v18 =	vsub.f32 v32, v31  }
0x1df: {  	v38 =	vpop (erf);
	v11 =	vmul.f32 $1.442695020e+00, v11;
	(erf) = vrcp.f32 v17;
	v15 =	vsub.f32 v33, v31  }
0x1e0: {  	v39 =	vpop (erf);
	v17 =	vadd.f32 $1.000000000e+00, v38;
	(erf) = vpow2.f32 v16;
	v18 =	vmul.f32 v18, v13  }
0x1e1: {  	v40 =	vadd.f32 $1.000000000e+00, v39;
	(erf) = vpow2.f32 v11;
	v13 =	vmul.f32 v15, v13  }
0x1e2: {  	(erf) = vrcp.f32 v17;
	v41 =	vmul.f32 $1.442695020e+00, v18  }
0x1e3: {  	(erf) = vrcp.f32 v40;
	v42 =	vmul.f32 $1.442695020e+00, v13  }
0x1e4: {  	(erf) = vpow2.f32 v41  }
0x1e5: {  	(erf) = vpow2.f32 v42;
	_ =	sdelay $0x1  }
0x1e6: {  	vm1 =	veq.s32 v5, $0x0;
	vm2 =	veq.s32 v5, $0x4;
	v5 =	vpop (erf)  }
0x1e7: {  	v44 =	vpop (erf)  }
0x1e8: {  	v43 =	vsel vm1, $0x3F800000, v37;
	v12 =	vsel vm2, $0x0, v36;
	v45 =	vpop (erf)  }
0x1e9: {  	v11 =	vsub.f32 v43, v12;
	v46 =	vpop (erf);
	v12 =	vadd.f32 $1.000000000e+00, v45  }
0x1ea: {  	v14 =	vor.u32 $0x3F800000, v14;
	vm1 =	veq.s32 v7, $0x0;
	v47 =	vpop (erf);
	v15 =	vadd.f32 $1.000000000e+00, v46  }
0x1eb: {  	vm2 =	veq.s32 v7, $0x4;
	v11 =	vmax.f32 v11, $9.999999960e-13;
	v7 =	vpop (erf);
	(erf) = vrcp.f32 v12  }
0x1ec: {  	v11 =	vmul.f32 v11, v14;
	(erf) = vrcp.f32 v15;
	v49 =	vpop (erf)  }
0x1ed: {  	v5 =	vsel vm2, $0x0, v5;
	v48 =	vsel vm1, $0x3F800000, v44;
	v50 =	vpop (erf);
	v13 =	vadd.f32 $1.000000000e+00, v49  }
0x1ee: {  	v51 =	vand.u32 $0x7FFFFF, v11;
	v5 =	vsub.f32 v48, v5;
	v12 =	vadd.f32 $1.000000000e+00, v50  }
0x1ef: {  	vm2 =	veq.s32 v8, $0x4;
	vm1 =	veq.s32 v8, $0x0;
	(erf) = vrcp.f32 v13  }
0x1f0: {  	v5 =	vmax.f32 v5, $9.999999960e-13;
	v15 =	vor.u32 $0x3F800000, v51;
	(erf) = vrcp.f32 v12  }
0x1f1: {  	v8 =	vsel vm2, $0x0, v47;
	v7 =	vsel vm1, $0x3F800000, v7;
	v5 =	vmul.f32 v5, v15  }
0x1f2: {  	v7 =	vsub.f32 v7, v8  }
0x1f3: {  	v52 =	vand.u32 $0x7FFFFF, v5  }
0x1f4: {  	v7 =	vmax.f32 v7, $9.999999960e-13;
	v8 =	vor.u32 $0x3F800000, v52;
	v53 =	vpop (erf)  }
0x1f5: {  	vm2 =	veq.s32 v9, $0x4;
	vm1 =	veq.s32 v9, $0x0;
	v7 =	vmul.f32 v7, v8;
	v54 =	vpop (erf)  }
0x1f6: {  	v9 =	vsel vm2, $0x0, v53;
	v8 =	vsel vm1, $0x3F800000, v54  }
0x1f7: {  	v55 =	vand.u32 $0x7FFFFF, v7;
	v8 =	vsub.f32 v8, v9  }
0x1f8: {  	v56 =	vor.u32 $0x3F800000, v55;
	v57 =	vpop (erf)  }
0x1f9: {  	vm2 =	veq.s32 v19, $0x4;
	vm1 =	veq.s32 v19, $0x0;
	v8 =	vmax.f32 v8, $9.999999960e-13;
	v58 =	vpop (erf)  }
0x1fa: {  	v8 =	vmul.f32 v8, v56;
	v12 =	vsel vm2, $0x0, v57;
	v59 =	vsel vm1, $0x3F800000, v58  }
0x1fb: {  	v9 =	vsub.f32 v59, v12  }
0x1fc: {  	v60 =	vand.u32 $0x7FFFFF, v8  }
0x1fd: {  	v12 =	vor.u32 $0x3F800000, v60;
	v9 =	vmax.f32 v9, $9.999999960e-13  }
0x1fe: {  	v9 =	vmul.f32 v9, v12;
	_ =	sdelay $0x1  }
0x1ff: {  	v12 =	vand.u32 $0x7FFFFF, v9  }
0x200: {  	v12 =	vor.u32 $0x3F800000, v12  }
0x201: {  	v12 =	vadd.f32 $-1.000000000e+00, v12;
	_ =	sdelay $0x1  }
0x202: {  	v61 =	vmul.f32 $4.155080770e-02, v12;
	_ =	sdelay $0x1  }
0x203: {  	v13 =	vadd.f32 $-1.578377490e-01, v61;
	_ =	sdelay $0x1  }
0x204: {  	v13 =	vmul.f32 v13, v12;
	_ =	sdelay $0x1  }
0x205: {  	v13 =	vadd.f32 $3.065606950e-01, v13;
	_ =	sdelay $0x1  }
0x206: {  	v10 =	vshra.s32 v10, $0x17;
	v13 =	vmul.f32 v13, v12  }
0x207: {  	v6 =	vadd.s32 v6, v10;
	v62 =	vshra.s32 v11, $0x17  }
0x208: {  	v6 =	vadd.s32 v6, v62;
	v5 =	vshra.s32 v5, $0x17;
	v63 =	vadd.f32 $-4.970307350e-01, v13  }
0x209: {  	v5 =	vadd.s32 v6, v5;
	v6 =	vshra.s32 v7, $0x17  }
0x20a: {  	v5 =	vadd.s32 v5, v6;
	v6 =	vshra.s32 v8, $0x17;
	v7 =	vmul.f32 v63, v12  }
0x20b: {  	v5 =	vadd.s32 v5, v6;
	v6 =	vshra.s32 v9, $0x17  }
0x20c: {  	v5 =	vadd.s32 v5, v6;
	v6 =	vadd.f32 $9.999449840e-01, v7  }
0x20d: {  	v5 =	vadd.s32 $0xFFFF83FA, v5  }
0x20e: {  	v5 =	vcvt.s32.f32 v5;
	v6 =	vmul.f32 v6, v12;
	_ =	sdelay $0x1  }
0x20f: {  	v5 =	vmul.f32 $6.931471820e-01, v5;
	v6 =	vadd.f32 $0.0e+00, v6;
	_ =	sdelay $0x1  }
0x210: {  	v5 =	vadd.f32 v6, v5  }
0x211: {  	p0 =	slt.s32 s26, $0x11D;
	s25 =	sadd.s32 $0x1, s25  }
0x212: {  	v5 =	vpsel !p0, $0x0, v5;
	p0 =	sne.s32 s25, $0x5  }
.Ltmp4:
0x213: {  	_ = 	snop;
	(pc) =	sbr.rel @p0 .LBB2_6-.Ltmp4, $2  }
0x214: {  	_ =	sdelay $0x2  }
0x215: {  	v4 =	vadd.f32 v5, v4  }
0x216: {  	v3 =	vmul.f32 $-5.000000000e-01, v3;
	_ =	sdelay $0x1  }
0x217: {  	s23 =	sadd.s32 $0x1, s23;
	v3 =	vadd.f32 v3, v4  }
0x218: {  	p0 =	sne.s32 s23, s11  }
.Ltmp5:
0x219: {  	[tilespmem:$0x1C950] =	vst v3;
	(pc) =	sbr.rel @p0 .LBB2_1-.Ltmp5, $4  }
0x21a: {  	[hbm4b:s10+s4] =	stream.linear.scatter [tilespmem:s22], [sflag:$0x3], $0x10, $0x38;
	[tilespmem:$0x1C960] =	vst v63  }
0x21b: {  	_ =	swait.ge [sflag:s13], $0x10  }
0x21c: {  	[sflag:s13] =	ssyncset.done $0x0  }
0x21d: {  	[sflag:s13] =	ssyncadd.s32 $0xFFFFFFF0  }
0x21e: {  	_ =	sfence.sel $0x180000  }
0x21f: {  	[bflag:$0x0] =	sbarrier.arrive $0xFFFF  }
0x220: {  	p0 =	sne.s32 s3, $0x0;
	_ =	strace $0x90000047  }
0x221: {  	s0 =	sadd.s32 @!p0 $0x100000, s0;
	[bflag:$0x2] =	sbarrier.arrive $0xFFFF  }
0x222: {  	[sflag:s0] =	ssyncadd.tile.s32 @!p0 $0x1;
	_ =	shalt  }
.Lfunc_end2:
_tile_overlayer_lowered:
.L_overlay_start_2:
0x223: {  	(tag) =	ssettag $0x2  }
0x224: {  	s0 =	rddreg [dreg:$0x0];
	s2 =	stileid.u32  }
0x225: {  	s1 =	rddreg [dreg:$0x1];
	p0 =	sne.s32 s2, $0x0  }
0x226: {  	s3 =	rddreg [dreg:$0x2];
	[bflag:$0x3] =	sbarrier.arrive $0xFFFF;
	s2 =	simm.s32 @!p0 $0x1C03  }
0x227: {  	[timem:s3], [sflag:s2] =	dma.local @!p0 [hbm:s0], s1  }
0x228: {  	s0 =	simm.s32 @!p0 $0x3  }
0x229: {  	_ =	swait.ge @!p0 [sflag:s0], s1  }
0x22a: {  	s1 =	ssub.s32 @!p0 $0x0, s1;
	[sflag:s0] =	ssyncset.done @!p0 $0x0  }
0x22b: {  	[sflag:s0] =	ssyncadd.s32 @!p0 s1  }
0x22c: {  	[bflag:$0x3] =	sbarrier.arrive $0xFFFF  }
0x22d: {  	_ =	shalt  }

// kernel: kernel.7.cloned.1.call-start
scs
__scs_entry_jumppad:
0x0: {  	(pc) =	sbr.rel $0x88, $3  }
0x1: {  	(tag) =	ssettag $0x0;
	lr =	simm.s32 $0x1  }
0x2: {  	[smem:$0x3F9C] =	sst lr;
	_ =	strace $0xD0000000  }
0x3: {  	_ = 	snop  }
0x4: {  	_ = 	snop  }
0x5: {  	_ = 	snop  }
0x6: {  	_ = 	snop  }
0x7: {  	_ = 	snop  }
__scs_overlays_trampoline_lowered:
0x8: {  	[smem:$0x3FAB] =	sst s0  }
0x9: {  	[smem:$0x3FAC] =	sst s1  }
0xa: {  	[smem:$0x3FAD] =	sst s2  }
0xb: {  	[smem:$0x3FAE] =	sst s3  }
0xc: {  	[smem:$0x3FAF] =	sst s4  }
0xd: {  	[smem:$0x3FB0] =	sst s5  }
0xe: {  	[smem:$0x3FB1] =	sst s6  }
0xf: {  	[smem:$0x3FB2] =	sst s7  }
0x10: {  	[smem:$0x3FB3] =	sst s8  }
0x11: {  	[smem:$0x3FB4] =	sst s9;
	s0 =	simm.s32 @!p0 $0x0  }
0x12: {  	s1 =	sld [smem:$0x3F9A];
	s0 =	simm.s32 @p0 $0x1  }
0x13: {  	[smem:$0x3FB5] =	sst s0;
	s0 =	simm.s32 @!p1 $0x0  }
0x14: {  	s2 =	sld [smem:$0x3F99];
	s0 =	simm.s32 @p1 $0x1  }
0x15: {  	[smem:$0x3FB6] =	sst s0;
	s0 =	simm.s32 @!p2 $0x0  }
0x16: {  	s3 =	sld [smem:$0x3FDB];
	s0 =	simm.s32 @p2 $0x1  }
0x17: {  	s4 =	simm.s32 $0x1BF5;
	[smem:$0x3FB8] =	sst s0  }
0x18: {  	s0 =	sld [smem:$0x3F9B];
	_ =	swait.ge [sflag:s4], $0x0  }
0x19: {  	s7 =	sld [smem:$0x3F9C]  }
0x1a: {  	s8 =	sadd.s32 $0xFFFFE003, lr  }
0x1b: {  	s9 =	sadd.s32 $0xFFFFFEF7, lr;
	s5 =	simm.s32 $0xFFFFFFFF;
	p2 =	slt.u32 s8, $0xFFFFF086  }
0x1c: {  	p1 =	slt.u32 s9, $0xF7A;
	s5 =	simm.s32 @!p2 $0x0  }
0x1d: {  	s5 =	simm.s32 @p1 $0x1;
	p0 =	seq.s32 s7, s2  }
0x1e: {  	s7 =	smul.u32 @!p0 $0xF7A, s2;
	p2 =	seq.s32 @!p0 s5, $0x0  }
0x1f: {  	s9 =	smul.u32 $0xF7A, s1;
	s8 =	simm.s32 @!p0 $0x1BF5;
	p2 =	por !p2, p0  }
0x20: {  	[sflag:s8] =	ssyncset.s32 @!p0 $0xFFFFF086;
	s6 =	sadd.s32 @!p0 s3, s7;
	s7 =	simm.s32 @!p0 $0x108  }
0x21: {  	s3 =	sadd.s32 s3, s9;
	s6 =	sadd.s32 @!p0 $0x88, s6;
	s7 =	simm.s32 @p2 $0x1082  }
0x22: {  	[simem:s7], [sflag:s8] =	dma.local @!p0 [hbm:s6], $0xF7A  }
0x23: {  	s9 =	sor.u32 $0xD0000000, s2;
	s6 =	simm.s32 $0x108;
	_ =	swait.ge @!p0 [sflag:s8], $0x0  }
0x24: {  	s3 =	sadd.s32 $0x88, s3;
	s6 =	simm.s32 @!p1 $0x1082;
	[sflag:s4] =	ssyncset.s32 $0xFFFFF086  }
0x25: {  	[simem:s6], [sflag:s4] =	dma.local [hbm:s3], $0xF7A  }
0x26: {  	[smem:$0x3F9C] =	sst s1;
	(tag) =	ssettag s2;
	_ =	strace s9  }
0x27: {  	s1 =	sld [smem:$0x3FAC]  }
0x28: {  	s2 =	sld [smem:$0x3FAD]  }
0x29: {  	s4 =	sld [smem:$0x3FAF]  }
0x2a: {  	p0 =	seq.s32 s5, $0x0;
	s5 =	sld [smem:$0x3FB0]  }
0x2b: {  	s6 =	sld [smem:$0x3FB1]  }
0x2c: {  	s7 =	sld [smem:$0x3FB2]  }
0x2d: {  	s3 =	simm.s32 $0x108;
	s8 =	sld [smem:$0x3FB3]  }
0x2e: {  	s3 =	simm.s32 @!p0 $0x1082;
	s9 =	sld [smem:$0x3FB4]  }
0x2f: {  	lr =	sadd.s32 s0, s3;
	s0 =	sld [smem:$0x3FAB]  }
0x30: {  	s3 =	sld [smem:$0x3FAE]  }
0x31: {  	[smem:$0x3FB7] =	sst s10  }
0x32: {  	s10 =	sld [smem:$0x3FB5];
	_ =	sdelay $0x3  }
0x33: {  	p0 =	seq.s32 s10, $0x1;
	s10 =	sld [smem:$0x3FB7];
	_ =	sdelay $0x3  }
0x34: {  	[smem:$0x3FB7] =	sst s10  }
0x35: {  	s10 =	sld [smem:$0x3FB6];
	_ =	sdelay $0x3  }
0x36: {  	p1 =	seq.s32 s10, $0x1;
	s10 =	sld [smem:$0x3FB7];
	_ =	sdelay $0x3  }
0x37: {  	[smem:$0x3FB7] =	sst s10  }
0x38: {  	s10 =	sld [smem:$0x3FB8]  }
0x39: {  	_ = 	snop;
	(pc) =	sbr.ind lr, $3  }
0x3a: {  	_ = 	snop  }
0x3b: {  	_ = 	snop  }
0x3c: {  	p2 =	seq.s32 s10, $0x1;
	s10 =	sld [smem:$0x3FB7]  }
0x3d: {  	_ =	shalt  }
0x3e: {  	_ =	shalt  }
0x3f: {  	_ =	shalt  }
0x40: {  	_ =	shalt  }
0x41: {  	_ =	shalt  }
0x42: {  	_ =	shalt  }
0x43: {  	_ =	shalt  }
0x44: {  	_ =	shalt  }
0x45: {  	_ =	shalt  }
0x46: {  	_ =	shalt  }
0x47: {  	_ =	shalt  }
0x48: {  	_ =	shalt  }
0x49: {  	_ =	shalt  }
0x4a: {  	_ =	shalt  }
0x4b: {  	_ =	shalt  }
0x4c: {  	_ =	shalt  }
0x4d: {  	_ =	shalt  }
0x4e: {  	_ =	shalt  }
0x4f: {  	_ =	shalt  }
0x50: {  	_ =	shalt  }
0x51: {  	_ =	shalt  }
0x52: {  	_ =	shalt  }
0x53: {  	_ =	shalt  }
0x54: {  	_ =	shalt  }
0x55: {  	_ =	shalt  }
0x56: {  	_ =	shalt  }
0x57: {  	_ =	shalt  }
0x58: {  	_ =	shalt  }
0x59: {  	_ =	shalt  }
0x5a: {  	_ =	shalt  }
0x5b: {  	_ =	shalt  }
0x5c: {  	_ =	shalt  }
0x5d: {  	_ =	shalt  }
0x5e: {  	_ =	shalt  }
0x5f: {  	_ =	shalt  }
0x60: {  	_ =	shalt  }
0x61: {  	_ =	shalt  }
0x62: {  	_ =	shalt  }
0x63: {  	_ =	shalt  }
0x64: {  	_ =	shalt  }
0x65: {  	_ =	shalt  }
0x66: {  	_ =	shalt  }
0x67: {  	_ =	shalt  }
0x68: {  	_ =	shalt  }
0x69: {  	_ =	shalt  }
0x6a: {  	_ =	shalt  }
0x6b: {  	_ =	shalt  }
0x6c: {  	_ =	shalt  }
0x6d: {  	_ =	shalt  }
0x6e: {  	_ =	shalt  }
0x6f: {  	_ =	shalt  }
0x70: {  	_ =	shalt  }
0x71: {  	_ =	shalt  }
0x72: {  	_ =	shalt  }
0x73: {  	_ =	shalt  }
0x74: {  	_ =	shalt  }
0x75: {  	_ =	shalt  }
0x76: {  	_ =	shalt  }
0x77: {  	_ =	shalt  }
0x78: {  	_ =	shalt  }
0x79: {  	_ =	shalt  }
0x7a: {  	_ =	shalt  }
0x7b: {  	_ =	shalt  }
0x7c: {  	_ =	shalt  }
0x7d: {  	_ =	shalt  }
0x7e: {  	_ =	shalt  }
0x7f: {  	_ =	shalt  }
0x80: {  	_ =	shalt  }
0x81: {  	_ =	shalt  }
0x82: {  	_ =	shalt  }
0x83: {  	_ =	shalt  }
0x84: {  	_ =	shalt  }
0x85: {  	_ =	shalt  }
0x86: {  	_ =	shalt  }
0x87: {  	_ =	shalt  }
.Lfunc_end0:
.L_simem_size_0:
called_computation.1_lowered:
.L_overlay_start_0:
0x88: {  	s2 =	sld [smem:$0x3FD9]  }
0x89: {  	s3 =	sld [smem:$0x3FFE];
	_ =	sdelay $0x1  }
0x8a: {  	s1 =	srdreg.scid  }
0x8b: {  	s0 =	sand.u32 $0x1, s1  }
0x8c: {  	s17 =	sshll.u32 s0, $0xA;
	s2 =	sadd.s32 s3, s2  }
0x8d: {  	s2 =	sadd.s32 s2, s17  }
0x8e: {  	[smem:$0x3FC3] =	sst s2  }
0x8f: {  	_ = 	snop  }
0x90: {  	s18 =	sld [smem:$0x3FC5];
	(tm) =	ssettm $0x1  }
0x91: {  	s19 =	sld [smem:$0x3FFB];
	_ =	sdelay $0x3  }
0x92: {  	_ =	strace s19  }
0x93: {  	s2 =	sld [smem:$0x3FFC];
	_ =	sdelay $0x3  }
0x94: {  	_ =	strace s2  }
0x95: {  	s2 =	sld [smem:$0x3FFD];
	_ =	sdelay $0x3  }
0x96: {  	_ =	strace s2  }
0x97: {  	_ =	strace $0x8FFFFFFF  }
0x98: {  	s20 =	sld [smem:$0x3FDB];
	_ =	sdelay $0x1  }
0x99: {  	s4 =	simm.s32 $_scs_section_size  }
0x9a: {  	s5 =	simm.s32 $_size__tile_overlayer_lowered;
	s6 =	simm.s32 $_tile_overlayer_lowered  }
0x9b: {  	s7 =	simm.s32 $0x1BFF;
	s21 =	sshll.u32 s6, $0x1;
	s4 =	sadd.s32 s4, s20  }
0x9c: {  	s22 =	simm.s32 $0x0;
	s5 =	sshll.u32 s5, $0x1;
	s6 =	sadd.s32 s21, s4  }
0x9d: {  	[timem:s22], [sflag:s7] =	dma.local [hbm:s6], s5  }
0x9e: {  	_ =	swait.ge [sflag:s7], s5  }
0x9f: {  	s5 =	ssub.s32 $0x0, s5;
	[sflag:s7] =	ssyncset.done $0x0  }
0xa0: {  	[sflag:s7] =	ssyncadd.s32 s5;
	_ =	sdelay $0x1  }
0xa1: {  	s23 =	simm.s32 $0x1B8B  }
0xa2: {  	_ =	swait.ge [sflag:s23], $0x1  }
0xa3: {  	[sflag:s23] =	ssyncset.done $0x0  }
0xa4: {  	[sflag:s23] =	ssyncadd.s32 $0xFFFFFFFF  }
0xa5: {  	s5 =	sld [smem:$0x0]  }
0xa6: {  	s6 =	sand.u32 $0xFFFFFFFE, s1  }
0xa7: {  	p0 =	sne.s32 s1, s6  }
0xa8: {  	s6 =	sshll.u32 @p0 s6, $0xE  }
0xa9: {  	s6 =	sadd.s32 @p0 $0x11B8D, s6;
	s7 =	sshll.u32 @p0 s5, $0x11  }
0xaa: {  	s6 =	sor.u32 @p0 s7, s6  }
0xab: {  	[sflag:s6] =	ssyncadd.remote.s32 @p0 $0x1;
	_ =	sdelay $0x1  }
0xac: {  	s6 =	simm.s32 @p0 $0x1B8D  }
0xad: {  	_ =	swait.eq @p0 [sflag:s6], $0x1  }
0xae: {  	[sflag:s6] =	ssyncadd.s32 @p0 $0xFFFFFFFF  }
0xaf: {  	s7 =	sshll.u32 @!p0 s1, $0xE  }
0xb0: {  	s7 =	sor.u32 @!p0 $0x4000, s7;
	s6 =	simm.s32 @!p0 $0x1B8D  }
0xb1: {  	s5 =	sshll.u32 @!p0 s5, $0x11;
	s7 =	sadd.s32 @!p0 $0x11B8D, s7;
	_ =	swait.eq @!p0 [sflag:s6], $0x1  }
0xb2: {  	s5 =	sor.u32 @!p0 s5, s7;
	[sflag:s6] =	ssyncadd.s32 @!p0 $0xFFFFFFFF  }
0xb3: {  	s25 =	simm.s32 $0x1B8E;
	s24 =	sld [smem:$0x3FFE];
	[sflag:s5] =	ssyncadd.remote.s32 @!p0 $0x1  }
0xb4: {  	s26 =	simm.s32 $execute0_lowered;
	[smem:$0x3FD2] =	sst s25  }
0xb5: {  	s6 =	sshll.u32 s26, $0x1;
	_ =	strace $0x80000049;
	[dreg:$0x1] =	wrdreg $0xFFFFFFFF  }
0xb6: {  	s28 =	simm.s32 $_size_execute0_lowered;
	s4 =	sadd.s32 s4, s6;
	[dreg:$0x0] =	wrdreg $0x0  }
0xb7: {  	s6 =	sshll.u32 s28, $0x1;
	[dreg:$0x2] =	wrdreg s4  }
0xb8: {  	[dreg:$0x3] =	wrdreg s6  }
0xb9: {  	[dreg:$0x4] =	wrdreg $0xC0  }
0xba: {  	_ =	task [dreg:s22], $0x5FFFF  }
0xbb: {  	[dreg:$0x1] =	wrdreg $0xFFFFFFFF  }
0xbc: {  	[dreg:$0x0] =	wrdreg $0x60  }
0xbd: {  	[dreg:$0x2] =	wrdreg s24  }
0xbe: {  	[dreg:$0x3] =	wrdreg s18  }
0xbf: {  	[dreg:$0x4] =	wrdreg $0xA  }
0xc0: {  	_ =	task.clear_ibuf [dreg:s22], $0x5FFFF;
	_ =	strace $0x90000049  }
0xc1: {  	s29 =	simm.s32 $0xA;
	_ =	strace $0x8000004B  }
0xc2: {  	_ =	swait.ge [sflag:s29], $0x1  }
0xc3: {  	[sflag:s29] =	ssyncadd.s32 $0xFFFFFFFF  }
0xc4: {  	_ =	strace $0x9000004B  }
0xc5: {  	_ =	sfence  }
0xc6: {  	s30 =	sld [smem:$0x0];
	_ =	sdelay $0x2  }
0xc7: {  	s31 =	sshll.u32 s1, $0xD;
	s1 =	sshrl.u32 s1, $0x2  }
0xc8: {  	s4 =	sand.u32 $0x4000, s31;
	s1 =	sadd.s32 s1, s30  }
0xc9: {  	s0 =	sor.u32 s4, s0;
	s1 =	sshll.u32 s1, $0x11  }
0xca: {  	s0 =	sor.u32 s1, s0  }
0xcb: {  	s0 =	sadd.s32 $0x8F2B, s0  }
0xcc: {  	[sflag:s0] =	ssyncadd.remote.s32 $0x1  }
0xcd: {  	_ =	sfence.sel $0xFFFF  }
0xce: {  	[dreg:$0x0] =	wrdreg $0xFFFFFFFF;
	(pc) =	sbr.abs _section_cstart, $3  }
0xcf: {  	[dreg:$0x1] =	wrdreg $0xFFFFFFFF  }
0xd0: {  	_ =	task.clear_ibuf [dreg:s22], $0x2FFFF;
	_ =	strace $0x9FFFFFFF  }
0xd1: {  	(tm) =	ssettm $0x7FFFFFFF  }
tec
execute0_lowered:
.L_overlay_start_1:
0x0: {  	(tag) =	ssettag $0x1  }
0x1: {  	s1 =	rddreg [dreg:$0x0]  }
0x2: {  	s2 =	rddreg [dreg:$0x1]  }
0x3: {  	s0 =	rddreg [dreg:$0x2];
	s4 =	simm.s32 $0x0  }
0x4: {  	s5 =	srdreg.scid;
	s3 =	stileid.u32;
	s14 =	simm.s32 $0x19A50  }
0x5: {  	s15 =	simm.s32 $0x19E40;
	s16 =	simm.s32 $0x18A90;
	s17 =	simm.s32 $0x1AA10  }
0x6: {  	s18 =	simm.s32 $0x1B9B0;
	s19 =	simm.s32 $0x1;
	s20 =	simm.s32 $0x2  }
0x7: {  	s21 =	simm.s32 $0x1C950;
	s22 =	simm.s32 $0x0;
	[smem:$0x7FF] =	sst s4  }
0x8: {  	s8 =	sand.u32 $0x1, s5;
	s7 =	sshll.u32 s3, $0x1;
	s5 =	sadd.s32 $0x23600, s1  }
0x9: {  	s6 =	sadd.s32 $0x200, s1;
	_ =	strace $0x8000004A;
	s7 =	sor.u32 s8, s7  }
0xa: {  	s10 =	ssub.s32 $0x2, s8;
	s9 =	sshll.u32 s7, $0x1;
	s11 =	smul.u32 $0x1F4, s7  }
0xb: {  	s8 =	sadd.s32 $0x400, s1;
	s31 =	sshrl.u32 s10, $0x1;
	s12 =	sadd.s32 s9, s1  }
0xc: {  	v0 =	vlaneseq.u32;
	s13 =	ssub.s32 s10, s31;
	s9 =	sadd.s32 s5, s11;
	s10 =	sadd.s32 $0x3DA00, s12  }
0xd: {  	v2 =	vimm.s32 $0x1;
	v1 =	vor.u32 $0xFFFFFFF8, v0;
	s11 =	smax.u32 s13, $0x1;
	s12 =	simm.s32 $0x3;
	s13 =	simm.s32 $0x186A0  }
.LBB2_1:
0xe: {  	[tilespmem:s4], [sflag:$0x3] =	stream.linear.gather [hbm4b:s2+s4], $0x186A0, $0x38;
	[tilespmem:$0x1C960] =	vst v63  }
0xf: {  	_ =	swait.ge [sflag:s12], $0x186A0  }
0x10: {  	[sflag:s12] =	ssyncset.done $0x0  }
0x11: {  	[sflag:s12] =	ssyncadd.s32 $0xFFFE7960  }
0x12: {  	[tilespmem:s13], [sflag:$0x3] =	stream.linear.gather [hbm4b:s6+s4], $0x3F0, $0x38;
	[tilespmem:$0x1C960] =	vst v63  }
0x13: {  	_ =	swait.ge [sflag:s12], $0x3F0  }
0x14: {  	[sflag:s12] =	ssyncset.done $0x0  }
0x15: {  	[sflag:s12] =	ssyncadd.s32 $0xFFFFFC10  }
0x16: {  	[tilespmem:s14], [sflag:$0x3] =	stream.linear.gather [hbm4b:s8+s4], $0x3F0, $0x38;
	[tilespmem:$0x1C960] =	vst v63  }
0x17: {  	_ =	swait.ge [sflag:s12], $0x3F0  }
0x18: {  	v3 =	vor.u32 s4, v0;
	[sflag:s12] =	ssyncset.done $0x0  }
0x19: {  	v4 =	vand.u32 v1, v3;
	[sflag:s12] =	ssyncadd.s32 $0xFFFFFC10  }
0x1a: {  	[tilespmem:s15], [sflag:$0x3] =	stream.linear.gather [hbm4b:s1+s4], $0xBD0, $0x38;
	[tilespmem:$0x1C960] =	vst v63  }
0x1b: {  	_ =	swait.ge [sflag:s12], $0xBD0  }
0x1c: {  	[sflag:s12] =	ssyncset.done $0x0  }
0x1d: {  	[sflag:s12] =	ssyncadd.s32 $0xFFFFF430  }
0x1e: {  	v5 =	vld.idx.msk [tilespmem:v4+s13+$0x0], $0xffff;
	_ =	sdelay $0x4  }
0x1f: {  	v6 =	vand.u32 $0x7FFFFFFF, v5  }
0x20: {  	v6 =	vsub.f32 $0.0e+00, v6;
	_ =	sdelay $0x1  }
0x21: {  	v6 =	vmul.f32 $1.442695020e+00, v6;
	_ =	sdelay $0x1  }
0x22: {  	(erf) = vpow2.f32 v6;
	_ =	sdelay $0x8  }
0x23: {  	v6 =	vpop (erf)  }
0x24: {  	v6 =	vadd.f32 $1.000000000e+00, v6;
	_ =	sdelay $0x1  }
0x25: {  	v7 =	vand.u32 $0x7FFFFF, v6  }
0x26: {  	v7 =	vor.u32 $0x3F800000, v7  }
0x27: {  	v7 =	vadd.f32 $-1.000000000e+00, v7;
	_ =	sdelay $0x1  }
0x28: {  	v8 =	vmul.f32 $4.155080770e-02, v7;
	_ =	sdelay $0x1  }
0x29: {  	v8 =	vadd.f32 $-1.578377490e-01, v8;
	_ =	sdelay $0x1  }
0x2a: {  	v8 =	vmul.f32 v8, v7;
	_ =	sdelay $0x1  }
0x2b: {  	v8 =	vadd.f32 $3.065606950e-01, v8;
	_ =	sdelay $0x1  }
0x2c: {  	v8 =	vmul.f32 v8, v7;
	_ =	sdelay $0x1  }
0x2d: {  	v8 =	vadd.f32 $-4.970307350e-01, v8;
	_ =	sdelay $0x1  }
0x2e: {  	v6 =	vshra.s32 v6, $0x17;
	v8 =	vmul.f32 v8, v7  }
0x2f: {  	v6 =	vadd.s32 $0xFFFFFF81, v6  }
0x30: {  	v6 =	vcvt.s32.f32 v6;
	v8 =	vadd.f32 $9.999449840e-01, v8;
	_ =	sdelay $0x1  }
0x31: {  	v6 =	vmul.f32 $6.931471820e-01, v6;
	v7 =	vmul.f32 v8, v7  }
0x32: {  	v8 =	vmul.u32 $0x3, v3  }
0x33: {  	v6 =	vadd.f32 v7, v6  }
0x34: {  	v5 =	vmax.f32 v5, $0.0e+00  }
0x35: {  	v7 =	vadd.s32 $0x1, v8;
	v5 =	vadd.f32 v6, v5;
	_ =	sdelay $0x1  }
0x36: {  	[tilespmem:v4+s13+$0x0] =	vst.idx.msk $0xffff, v5  }
0x37: {  	v6 =	vadd.s32 $0x2, v8;
	v5 =	vld.idx.msk [tilespmem:v8+s15+$0x0], $0xffff;
	_ =	sdelay $0x1  }
0x38: {  	v7 =	vld.idx.msk [tilespmem:v7+s15+$0x0], $0xffff;
	_ =	sdelay $0x2  }
0x39: {  	v6 =	vld.idx.msk [tilespmem:v6+s15+$0x0], $0xffff;
	v8 =	vand.u32 $0x7FFFFFFF, v5  }
0x3a: {  	v8 =	vsub.f32 $0.0e+00, v8  }
0x3b: {  	v9 =	vand.u32 $0x7FFFFFFF, v7  }
0x3c: {  	v9 =	vsub.f32 $0.0e+00, v9;
	v8 =	vmul.f32 $1.442695020e+00, v8;
	_ =	sdelay $0x1  }
0x3d: {  	v10 =	vand.u32 $0x7FFFFFFF, v6;
	v9 =	vmul.f32 $1.442695020e+00, v9;
	(erf) = vpow2.f32 v8  }
0x3e: {  	v10 =	vsub.f32 $0.0e+00, v10  }
0x3f: {  	(erf) = vpow2.f32 v9  }
0x40: {  	v8 =	vmul.f32 $1.442695020e+00, v10;
	_ =	sdelay $0x1  }
0x41: {  	(erf) = vpow2.f32 v8;
	_ =	sdelay $0x3  }
0x42: {  	v8 =	vpop (erf)  }
0x43: {  	v8 =	vadd.f32 $1.000000000e+00, v8  }
0x44: {  	v9 =	vpop (erf)  }
0x45: {  	v9 =	vadd.f32 $1.000000000e+00, v9;
	v58 =	vand.u32 $0x7FFFFF, v8  }
0x46: {  	v10 =	vor.u32 $0x3F800000, v58  }
0x47: {  	v11 =	vpop (erf);
	v12 =	vand.u32 $0x7FFFFF, v9;
	v10 =	vadd.f32 $-1.000000000e+00, v10  }
0x48: {  	v11 =	vadd.f32 $1.000000000e+00, v11;
	v12 =	vor.u32 $0x3F800000, v12  }
0x49: {  	v12 =	vadd.f32 $-1.000000000e+00, v12;
	v14 =	vmul.f32 $4.155080770e-02, v10  }
0x4a: {  	v13 =	vand.u32 $0x7FFFFF, v11  }
0x4b: {  	v13 =	vor.u32 $0x3F800000, v13;
	v15 =	vmul.f32 $4.155080770e-02, v12;
	v14 =	vadd.f32 $-1.578377490e-01, v14  }
0x4c: {  	v13 =	vadd.f32 $-1.000000000e+00, v13  }
0x4d: {  	v15 =	vadd.f32 $-1.578377490e-01, v15;
	v14 =	vmul.f32 v14, v10  }
0x4e: {  	v16 =	vmul.f32 $4.155080770e-02, v13  }
0x4f: {  	v15 =	vmul.f32 v15, v12;
	v14 =	vadd.f32 $3.065606950e-01, v14  }
0x50: {  	v16 =	vadd.f32 $-1.578377490e-01, v16  }
0x51: {  	v15 =	vadd.f32 $3.065606950e-01, v15;
	v14 =	vmul.f32 v14, v10  }
0x52: {  	v16 =	vmul.f32 v16, v13  }
0x53: {  	v15 =	vmul.f32 v15, v12;
	v14 =	vadd.f32 $-4.970307350e-01, v14  }
0x54: {  	v60 =	vshll.u32 v3, $0x2;
	v8 =	vshra.s32 v8, $0x17;
	v16 =	vadd.f32 $3.065606950e-01, v16  }
0x55: {  	v8 =	vadd.s32 $0xFFFFFF81, v8;
	v15 =	vadd.f32 $-4.970307350e-01, v15;
	v14 =	vmul.f32 v14, v10  }
0x56: {  	v9 =	vshra.s32 v9, $0x17;
	v8 =	vcvt.s32.f32 v8;
	v16 =	vmul.f32 v16, v13  }
0x57: {  	v9 =	vadd.s32 $0xFFFFFF81, v9;
	v15 =	vmul.f32 v15, v12;
	v14 =	vadd.f32 $9.999449840e-01, v14  }
0x58: {  	v11 =	vshra.s32 v11, $0x17;
	v9 =	vcvt.s32.f32 v9;
	v16 =	vadd.f32 $-4.970307350e-01, v16  }
0x59: {  	v8 =	vmul.f32 $6.931471820e-01, v8;
	v15 =	vadd.f32 $9.999449840e-01, v15;
	v10 =	vmul.f32 v14, v10  }
0x5a: {  	v4 =	vld.idx.msk [tilespmem:v4+s14+$0x0], $0xffff;
	v3 =	vmax.f32 v5, $0.0e+00;
	v11 =	vadd.s32 $0xFFFFFF81, v11;
	v16 =	vmul.f32 v16, v13  }
0x5b: {  	v9 =	vmul.f32 $6.931471820e-01, v9;
	v12 =	vmul.f32 v15, v12;
	v5 =	vadd.f32 v10, v8  }
0x5c: {  	v11 =	vcvt.s32.f32 v11;
	v59 =	vadd.f32 $9.999449840e-01, v16  }
0x5d: {  	v9 =	vadd.f32 v12, v9;
	v3 =	vadd.f32 v5, v3  }
0x5e: {  	v11 =	vmul.f32 $6.931471820e-01, v11;
	v61 =	vmul.f32 v59, v13;
	v5 =	vmax.f32 v7, $0.0e+00  }
0x5f: {  	v8 =	vor.u32 $0x1, v60;
	v5 =	vadd.f32 v9, v5;
	v62 =	vadd.f32 v3, v4  }
0x60: {  	v7 =	vor.u32 $0x2, v60;
	v3 =	vadd.f32 v61, v11  }
0x61: {  	s23 =	simm.s32 $0x10;
	v6 =	vmax.f32 v6, $0.0e+00;
	v63 =	vadd.f32 v5, v62  }
0x62: {  	v6 =	vadd.f32 v3, v6;
	v3 =	vor.u32 s23, v0;
	v5 =	vor.u32 $0x3, v60  }
0x63: {  	[tilespmem:v60+s16+$0x0] =	vst.idx.msk $0xffff, v4;
	v4 =	vand.u32 v1, v3  }
0x64: {  	[tilespmem:v8+s16+$0x0] =	vst.idx.msk $0xffff, v62  }
0x65: {  	s23 =	simm.s32 $0x20;
	v6 =	vadd.f32 v6, v63;
	[tilespmem:v7+s16+$0x0] =	vst.idx.msk $0xffff, v63  }
.LBB2_2:
0x66: {  	p0 =	sne.s32 s23, $0x3E0;
	s24 =	smov.u32 s23;
	s23 =	sadd.s32 $0x10, s23  }
0x67: {  	[tilespmem:v5+s16+$0x0] =	vst.idx.msk $0xffff, v6  }
0x68: {  	v5 =	vld.idx.msk [tilespmem:v4+s13+$0x0], $0xffff;
	_ =	sdelay $0x5  }
0x69: {  	v6 =	vand.u32 $0x7FFFFFFF, v5  }
0x6a: {  	v6 =	vsub.f32 $0.0e+00, v6;
	_ =	sdelay $0x1  }
0x6b: {  	v6 =	vmul.f32 $1.442695020e+00, v6;
	_ =	sdelay $0x1  }
0x6c: {  	(erf) = vpow2.f32 v6;
	_ =	sdelay $0x8  }
0x6d: {  	v6 =	vpop (erf)  }
0x6e: {  	v6 =	vadd.f32 $1.000000000e+00, v6;
	_ =	sdelay $0x1  }
0x6f: {  	v7 =	vshra.s32 v6, $0x17;
	v6 =	vand.u32 $0x7FFFFF, v6  }
0x70: {  	v7 =	vadd.s32 $0xFFFFFF81, v7;
	v6 =	vor.u32 $0x3F800000, v6  }
0x71: {  	v6 =	vadd.f32 $-1.000000000e+00, v6;
	v7 =	vcvt.s32.f32 v7;
	_ =	sdelay $0x1  }
0x72: {  	v8 =	vmul.f32 $4.155080770e-02, v6;
	_ =	sdelay $0x1  }
0x73: {  	v8 =	vadd.f32 $-1.578377490e-01, v8;
	_ =	sdelay $0x1  }
0x74: {  	v8 =	vmul.f32 v8, v6;
	_ =	sdelay $0x1  }
0x75: {  	v8 =	vadd.f32 $3.065606950e-01, v8;
	_ =	sdelay $0x1  }
0x76: {  	v8 =	vmul.f32 v8, v6;
	_ =	sdelay $0x1  }
0x77: {  	v8 =	vadd.f32 $-4.970307350e-01, v8;
	_ =	sdelay $0x1  }
0x78: {  	v8 =	vmul.f32 v8, v6;
	_ =	sdelay $0x1  }
0x79: {  	v8 =	vadd.f32 $9.999449840e-01, v8;
	_ =	sdelay $0x1  }
0x7a: {  	v7 =	vmul.f32 $6.931471820e-01, v7;
	v6 =	vmul.f32 v8, v6  }
0x7b: {  	v8 =	vmul.u32 $0x3, v3  }
0x7c: {  	v6 =	vadd.f32 v6, v7  }
0x7d: {  	v5 =	vmax.f32 v5, $0.0e+00;
	v7 =	vadd.s32 $0x1, v8  }
0x7e: {  	v5 =	vadd.f32 v6, v5  }
0x7f: {  	v6 =	vadd.s32 $0x2, v8  }
0x80: {  	[tilespmem:v4+s13+$0x0] =	vst.idx.msk $0xffff, v5  }
0x81: {  	v5 =	vld.idx.msk [tilespmem:v8+s15+$0x0], $0xffff  }
0x82: {  	v7 =	vld.idx.msk [tilespmem:v7+s15+$0x0], $0xffff;
	_ =	sdelay $0x1  }
0x83: {  	v6 =	vld.idx.msk [tilespmem:v6+s15+$0x0], $0xffff;
	_ =	sdelay $0x2  }
0x84: {  	v8 =	vand.u32 $0x7FFFFFFF, v5  }
0x85: {  	v8 =	vsub.f32 $0.0e+00, v8;
	v9 =	vand.u32 $0x7FFFFFFF, v7  }
0x86: {  	v9 =	vsub.f32 $0.0e+00, v9  }
0x87: {  	v8 =	vmul.f32 $1.442695020e+00, v8;
	v10 =	vand.u32 $0x7FFFFFFF, v6  }
0x88: {  	v9 =	vmul.f32 $1.442695020e+00, v9;
	v10 =	vsub.f32 $0.0e+00, v10  }
0x89: {  	(erf) = vpow2.f32 v8  }
0x8a: {  	v8 =	vmul.f32 $1.442695020e+00, v10;
	(erf) = vpow2.f32 v9;
	_ =	sdelay $0x1  }
0x8b: {  	(erf) = vpow2.f32 v8;
	_ =	sdelay $0x5  }
0x8c: {  	v8 =	vpop (erf)  }
0x8d: {  	v8 =	vadd.f32 $1.000000000e+00, v8;
	v9 =	vpop (erf)  }
0x8e: {  	v9 =	vadd.f32 $1.000000000e+00, v9  }
0x8f: {  	v10 =	vshra.s32 v8, $0x17;
	v8 =	vand.u32 $0x7FFFFF, v8;
	v11 =	vpop (erf)  }
0x90: {  	v8 =	vor.u32 $0x3F800000, v8;
	v12 =	vand.u32 $0x7FFFFF, v9;
	v11 =	vadd.f32 $1.000000000e+00, v11  }
0x91: {  	v10 =	vadd.s32 $0xFFFFFF81, v10;
	v8 =	vadd.f32 $-1.000000000e+00, v8;
	v12 =	vor.u32 $0x3F800000, v12  }
0x92: {  	v10 =	vcvt.s32.f32 v10;
	v12 =	vadd.f32 $-1.000000000e+00, v12;
	v13 =	vand.u32 $0x7FFFFF, v11  }
0x93: {  	v9 =	vshra.s32 v9, $0x17;
	v14 =	vmul.f32 $4.155080770e-02, v8;
	v13 =	vor.u32 $0x3F800000, v13  }
0x94: {  	v9 =	vadd.s32 $0xFFFFFF81, v9;
	v15 =	vmul.f32 $4.155080770e-02, v12;
	v13 =	vadd.f32 $-1.000000000e+00, v13  }
0x95: {  	v9 =	vcvt.s32.f32 v9;
	v11 =	vshra.s32 v11, $0x17;
	v14 =	vadd.f32 $-1.578377490e-01, v14  }
0x96: {  	v11 =	vadd.s32 $0xFFFFFF81, v11;
	v15 =	vadd.f32 $-1.578377490e-01, v15;
	v16 =	vmul.f32 $4.155080770e-02, v13  }
0x97: {  	v14 =	vmul.f32 v14, v8  }
0x98: {  	v15 =	vmul.f32 v15, v12;
	v16 =	vadd.f32 $-1.578377490e-01, v16  }
0x99: {  	v14 =	vadd.f32 $3.065606950e-01, v14  }
0x9a: {  	v15 =	vadd.f32 $3.065606950e-01, v15;
	v16 =	vmul.f32 v16, v13  }
0x9b: {  	v14 =	vmul.f32 v14, v8  }
0x9c: {  	v15 =	vmul.f32 v15, v12;
	v16 =	vadd.f32 $3.065606950e-01, v16  }
0x9d: {  	v14 =	vadd.f32 $-4.970307350e-01, v14  }
0x9e: {  	v15 =	vadd.f32 $-4.970307350e-01, v15;
	v16 =	vmul.f32 v16, v13  }
0x9f: {  	v14 =	vmul.f32 v14, v8  }
0xa0: {  	v15 =	vmul.f32 v15, v12;
	v16 =	vadd.f32 $-4.970307350e-01, v16  }
0xa1: {  	v14 =	vadd.f32 $9.999449840e-01, v14  }
0xa2: {  	v11 =	vcvt.s32.f32 v11;
	v4 =	vld.idx.msk [tilespmem:v4+s14+$0x0], $0xffff;
	v15 =	vadd.f32 $9.999449840e-01, v15;
	v16 =	vmul.f32 v16, v13  }
0xa3: {  	v3 =	vshll.u32 v3, $0x2;
	v10 =	vmul.f32 $6.931471820e-01, v10;
	v8 =	vmul.f32 v14, v8  }
0xa4: {  	v9 =	vmul.f32 $6.931471820e-01, v9;
	v12 =	vmul.f32 v15, v12;
	v14 =	vadd.f32 $9.999449840e-01, v16  }
0xa5: {  	v5 =	vmax.f32 v5, $0.0e+00;
	v8 =	vadd.f32 v8, v10;
	v10 =	vor.u32 $0x1, v3  }
0xa6: {  	v11 =	vmul.f32 $6.931471820e-01, v11;
	v9 =	vadd.f32 v12, v9;
	v12 =	vmul.f32 v14, v13  }
0xa7: {  	v7 =	vmax.f32 v7, $0.0e+00;
	v8 =	vadd.f32 v8, v5;
	v5 =	vor.u32 $0x3, v3  }
0xa8: {  	v6 =	vmax.f32 v6, $0.0e+00;
	v7 =	vadd.f32 v9, v7;
	[tilespmem:v3+s16+$0x0] =	vst.idx.msk $0xffff, v4;
	v9 =	vor.u32 $0x2, v3  }
.Ltmp0:
0xa9: {  	v3 =	vor.u32 s24, v0;
	v11 =	vadd.f32 v12, v11;
	v8 =	vadd.f32 v8, v4;
	(pc) =	sbr.rel @p0 .LBB2_2-.Ltmp0, $3  }
0xaa: {  	v4 =	vand.u32 v1, v3  }
0xab: {  	v6 =	vadd.f32 v11, v6;
	v7 =	vadd.f32 v7, v8;
	[tilespmem:v10+s16+$0x0] =	vst.idx.msk $0xffff, v8;
	_ =	sdelay $0x1  }
0xac: {  	v6 =	vadd.f32 v6, v7;
	[tilespmem:v9+s16+$0x0] =	vst.idx.msk $0xffff, v7  }
0xad: {  	_ =	sdelay $0x3  }
0xae: {  	[tilespmem:v5+s16+$0x0] =	vst.idx.msk $0xffff, v6  }
0xaf: {  	v5 =	vld.idx.msk [tilespmem:v4+s13+$0x0], $0xffff;
	_ =	sdelay $0x4  }
0xb0: {  	v52 =	vand.u32 $0x7FFFFFFF, v5  }
0xb1: {  	v6 =	vsub.f32 $0.0e+00, v52;
	_ =	sdelay $0x1  }
0xb2: {  	v6 =	vmul.f32 $1.442695020e+00, v6;
	_ =	sdelay $0x1  }
0xb3: {  	(erf) = vpow2.f32 v6;
	_ =	sdelay $0x8  }
0xb4: {  	v6 =	vpop (erf)  }
0xb5: {  	v6 =	vadd.f32 $1.000000000e+00, v6;
	_ =	sdelay $0x1  }
0xb6: {  	v7 =	vand.u32 $0x7FFFFF, v6  }
0xb7: {  	v7 =	vor.u32 $0x3F800000, v7  }
0xb8: {  	v7 =	vadd.f32 $-1.000000000e+00, v7;
	_ =	sdelay $0x1  }
0xb9: {  	v8 =	vmul.f32 $4.155080770e-02, v7;
	_ =	sdelay $0x1  }
0xba: {  	v8 =	vadd.f32 $-1.578377490e-01, v8;
	_ =	sdelay $0x1  }
0xbb: {  	v8 =	vmul.f32 v8, v7;
	_ =	sdelay $0x1  }
0xbc: {  	v8 =	vadd.f32 $3.065606950e-01, v8;
	_ =	sdelay $0x1  }
0xbd: {  	v8 =	vmul.f32 v8, v7;
	_ =	sdelay $0x1  }
0xbe: {  	v8 =	vadd.f32 $-4.970307350e-01, v8;
	_ =	sdelay $0x1  }
0xbf: {  	v6 =	vshra.s32 v6, $0x17;
	v8 =	vmul.f32 v8, v7  }
0xc0: {  	v6 =	vadd.s32 $0xFFFFFF81, v6  }
0xc1: {  	v6 =	vcvt.s32.f32 v6;
	v8 =	vadd.f32 $9.999449840e-01, v8;
	_ =	sdelay $0x1  }
0xc2: {  	v6 =	vmul.f32 $6.931471820e-01, v6;
	v7 =	vmul.f32 v8, v7  }
0xc3: {  	v53 =	vmul.u32 $0x3, v3  }
0xc4: {  	v6 =	vadd.f32 v7, v6  }
0xc5: {  	v5 =	vmax.f32 v5, $0.0e+00  }
0xc6: {  	v54 =	vadd.s32 $0x1, v53;
	v5 =	vadd.f32 v6, v5  }
0xc7: {  	v55 =	vadd.s32 $0x2, v53  }
0xc8: {  	[tilespmem:v4+s13+$0x0] =	vst.idx.msk $0xffff, v5  }
0xc9: {  	v5 =	vld.idx.msk [tilespmem:v53+s15+$0x0], $0xffff;
	_ =	sdelay $0x1  }
0xca: {  	v7 =	vld.idx.msk [tilespmem:v54+s15+$0x0], $0xffff  }
0xcb: {  	v6 =	vld.idx.msk [tilespmem:v55+s15+$0x0], $0xffff;
	_ =	sdelay $0x1  }
0xcc: {  	v8 =	vand.u32 $0x7FFFFFFF, v5  }
0xcd: {  	v8 =	vsub.f32 $0.0e+00, v8  }
0xce: {  	v9 =	vand.u32 $0x7FFFFFFF, v7  }
0xcf: {  	v10 =	vand.u32 $0x7FFFFFFF, v6;
	v9 =	vsub.f32 $0.0e+00, v9;
	v8 =	vmul.f32 $1.442695020e+00, v8  }
0xd0: {  	v10 =	vsub.f32 $0.0e+00, v10  }
0xd1: {  	v9 =	vmul.f32 $1.442695020e+00, v9;
	(erf) = vpow2.f32 v8  }
0xd2: {  	v56 =	vmul.f32 $1.442695020e+00, v10  }
0xd3: {  	(erf) = vpow2.f32 v9  }
0xd4: {  	(erf) = vpow2.f32 v56;
	_ =	sdelay $0x5  }
0xd5: {  	v57 =	vpop (erf)  }
0xd6: {  	v8 =	vadd.f32 $1.000000000e+00, v57  }
0xd7: {  	v9 =	vpop (erf)  }
0xd8: {  	v9 =	vadd.f32 $1.000000000e+00, v9;
	v11 =	vpop (erf);
	v58 =	vand.u32 $0x7FFFFF, v8  }
0xd9: {  	v11 =	vadd.f32 $1.000000000e+00, v11;
	v10 =	vor.u32 $0x3F800000, v58  }
0xda: {  	v12 =	vand.u32 $0x7FFFFF, v9;
	v10 =	vadd.f32 $-1.000000000e+00, v10  }
0xdb: {  	v12 =	vor.u32 $0x3F800000, v12;
	v13 =	vand.u32 $0x7FFFFF, v11  }
0xdc: {  	v12 =	vadd.f32 $-1.000000000e+00, v12;
	v13 =	vor.u32 $0x3F800000, v13;
	v14 =	vmul.f32 $4.155080770e-02, v10  }
0xdd: {  	v13 =	vadd.f32 $-1.000000000e+00, v13  }
0xde: {  	v15 =	vmul.f32 $4.155080770e-02, v12;
	v14 =	vadd.f32 $-1.578377490e-01, v14  }
0xdf: {  	v16 =	vmul.f32 $4.155080770e-02, v13  }
0xe0: {  	v15 =	vadd.f32 $-1.578377490e-01, v15;
	v14 =	vmul.f32 v14, v10  }
0xe1: {  	v16 =	vadd.f32 $-1.578377490e-01, v16  }
0xe2: {  	v15 =	vmul.f32 v15, v12;
	v14 =	vadd.f32 $3.065606950e-01, v14  }
0xe3: {  	v16 =	vmul.f32 v16, v13  }
0xe4: {  	v15 =	vadd.f32 $3.065606950e-01, v15;
	v14 =	vmul.f32 v14, v10  }
0xe5: {  	v16 =	vadd.f32 $3.065606950e-01, v16  }
0xe6: {  	v8 =	vshra.s32 v8, $0x17;
	v15 =	vmul.f32 v15, v12;
	v14 =	vadd.f32 $-4.970307350e-01, v14  }
0xe7: {  	v8 =	vadd.s32 $0xFFFFFF81, v8;
	v16 =	vmul.f32 v16, v13  }
0xe8: {  	v9 =	vshra.s32 v9, $0x17;
	v15 =	vadd.f32 $-4.970307350e-01, v15;
	v14 =	vmul.f32 v14, v10  }
0xe9: {  	v9 =	vadd.s32 $0xFFFFFF81, v9;
	v8 =	vcvt.s32.f32 v8;
	v16 =	vadd.f32 $-4.970307350e-01, v16  }
0xea: {  	v11 =	vshra.s32 v11, $0x17;
	v15 =	vmul.f32 v15, v12;
	v14 =	vadd.f32 $9.999449840e-01, v14  }
0xeb: {  	v9 =	vcvt.s32.f32 v9;
	v11 =	vadd.s32 $0xFFFFFF81, v11;
	v16 =	vmul.f32 v16, v13  }
0xec: {  	v8 =	vmul.f32 $6.931471820e-01, v8;
	v15 =	vadd.f32 $9.999449840e-01, v15;
	v10 =	vmul.f32 v14, v10  }
0xed: {  	v4 =	vld.idx.msk [tilespmem:v4+s14+$0x0], $0xffff;
	v11 =	vcvt.s32.f32 v11;
	v59 =	vadd.f32 $9.999449840e-01, v16  }
0xee: {  	v9 =	vmul.f32 $6.931471820e-01, v9;
	v12 =	vmul.f32 v15, v12;
	v8 =	vadd.f32 v10, v8  }
0xef: {  	v5 =	vmax.f32 v5, $0.0e+00;
	v11 =	vmul.f32 $6.931471820e-01, v11;
	v60 =	vmul.f32 v59, v13  }
0xf0: {  	v3 =	vshll.u32 v3, $0x2;
	v9 =	vadd.f32 v12, v9;
	v5 =	vadd.f32 v8, v5  }
0xf1: {  	v61 =	vor.u32 $0x1, v3;
	v7 =	vmax.f32 v7, $0.0e+00;
	v10 =	vadd.f32 v60, v11  }
0xf2: {  	v62 =	vor.u32 $0x2, v3;
	v7 =	vadd.f32 v9, v7;
	v5 =	vadd.f32 v5, v4  }
0xf3: {  	v63 =	vor.u32 $0x3, v3;
	v6 =	vmax.f32 v6, $0.0e+00  }
0xf4: {  	v6 =	vadd.f32 v10, v6;
	v7 =	vadd.f32 v7, v5  }
0xf5: {  	[tilespmem:v3+s16+$0x0] =	vst.idx.msk $0xffff, v4  }
0xf6: {  	[tilespmem:v61+s16+$0x0] =	vst.idx.msk $0xffff, v5;
	v3 =	vadd.f32 v6, v7  }
0xf7: {  	[tilespmem:v62+s16+$0x0] =	vst.idx.msk $0xffff, v7  }
0xf8: {  	s23 =	simm.s32 $0x0;
	s24 =	simm.s32 $0x0;
	[tilespmem:v63+s16+$0x0] =	vst.idx.msk $0xffff, v3  }
0xf9: {  	v3 =	vimm.f32 $0.0e+00;
	[tilespmem:s17], [sflag:$0x1] =	stream.linear.gather [hbm4b:s9+s23], $0xFA0, $0x38;
	[tilespmem:$0x1C960] =	vst v63  }
.LBB2_4:
0xfa: {  	s25 =	sshll.u32 s24, $0x6  }
0xfb: {  	s26 =	sor.u32 s7, s25  }
0xfc: {  	s25 =	sor.u32 $0x20, s26  }
0xfd: {  	s28 =	smin.u32 s25, $0xD6  }
0xfe: {  	s28 =	smul.u32 $0x1F4, s28;
	_ =	sdelay $0x1  }
0xff: {  	v4 =	vor.u32 s23, v0;
	s28 =	sadd.s32 s5, s28  }
0x100: {  	[tilespmem:s18], [sflag:$0x2] =	stream.linear.gather [hbm4b:s28+s23], $0xFA0, $0x38;
	[tilespmem:$0x1C960] =	vst v63  }
0x101: {  	_ =	swait.ge [sflag:s19], $0xFA0  }
0x102: {  	[sflag:s19] =	ssyncset.done $0x0  }
0x103: {  	[sflag:s19] =	ssyncadd.s32 $0xFFFFF060  }
0x104: {  	v4 =	vld.idx.msk [tilespmem:v4+s17+$0x0], $0xffff;
	_ =	sdelay $0x3  }
0x105: {  	s28 =	simm.s32 $0x10  }
0x106: {  	v5 =	vor.u32 s28, v0;
	v6 =	vshrl.u32 v4, $0xA  }
0x107: {  	v7 =	vshra.s32 v4, $0xD;
	v8 =	vand.u32 $0x7, v6;
	v6 =	vshll.u32 v4, $0x2  }
0x108: {  	v6 =	vand.u32 $0xFFC, v6;
	v9 =	vmin.u32 v8, $0x3;
	v10 =	vmax.u32 v8, $0x1  }
0x109: {  	v10 =	vsub.s32 v10, v2;
	v9 =	vor.u32 v6, v9  }
0x10a: {  	v6 =	vadd.s32 v6, v10  }
0x10b: {  	v4 =	vand.u32 $0x3FF, v4;
	v10 =	vld.idx.msk [tilespmem:v5+s17+$0x0], $0xffff;
	_ =	sdelay $0x1  }
0x10c: {  	v7 =	vld.idx.msk [tilespmem:v7+s4+$0x0], $0xffff  }
0x10d: {  	v9 =	vld.idx.msk [tilespmem:v9+s16+$0x0], $0xffff  }
0x10e: {  	s28 =	simm.s32 $0x20;
	v6 =	vld.idx.msk [tilespmem:v6+s16+$0x0], $0xffff  }
0x10f: {  	v11 =	vor.u32 s28, v0;
	v4 =	vld.idx.msk [tilespmem:v4+s13+$0x0], $0xffff;
	v5 =	vshrl.u32 v10, $0xA  }
0x110: {  	v12 =	vshra.s32 v10, $0xD;
	v13 =	vshll.u32 v10, $0x2;
	v5 =	vand.u32 $0x7, v5  }
0x111: {  	v13 =	vand.u32 $0xFFC, v13;
	v14 =	vmin.u32 v5, $0x3;
	v15 =	vmax.u32 v5, $0x1  }
0x112: {  	v15 =	vsub.s32 v15, v2;
	v14 =	vor.u32 v13, v14;
	v9 =	vsub.f32 v9, v7  }
0x113: {  	v6 =	vsub.f32 v6, v7;
	v7 =	vadd.s32 v13, v15  }
0x114: {  	v10 =	vand.u32 $0x3FF, v10;
	v9 =	vmul.f32 v9, v4  }
0x115: {  	v11 =	vld.idx.msk [tilespmem:v11+s17+$0x0], $0xffff;
	v4 =	vmul.f32 v6, v4  }
0x116: {  	v6 =	vmul.f32 $1.442695020e+00, v9;
	v9 =	vld.idx.msk [tilespmem:v12+s4+$0x0], $0xffff  }
0x117: {  	v12 =	vld.idx.msk [tilespmem:v14+s16+$0x0], $0xffff;
	v4 =	vmul.f32 $1.442695020e+00, v4  }
0x118: {  	(erf) = vpow2.f32 v6;
	v7 =	vld.idx.msk [tilespmem:v7+s16+$0x0], $0xffff  }
0x119: {  	(erf) = vpow2.f32 v4;
	v4 =	vld.idx.msk [tilespmem:v10+s13+$0x0], $0xffff  }
0x11a: {  	v13 =	vshll.u32 v11, $0x2;
	v6 =	vshrl.u32 v11, $0xA  }
0x11b: {  	v13 =	vand.u32 $0xFFC, v13;
	v6 =	vand.u32 $0x7, v6  }
0x11c: {  	s28 =	simm.s32 $0x30;
	v14 =	vshra.s32 v11, $0xD;
	v15 =	vmin.u32 v6, $0x3;
	v12 =	vsub.f32 v12, v9  }
0x11d: {  	v10 =	vor.u32 s28, v0;
	v15 =	vor.u32 v13, v15  }
0x11e: {  	v16 =	vmax.u32 v6, $0x1;
	v7 =	vsub.f32 v7, v9;
	v12 =	vmul.f32 v12, v4  }
0x11f: {  	v11 =	vand.u32 $0x3FF, v11;
	v16 =	vsub.s32 v16, v2  }
0x120: {  	v9 =	vadd.s32 v13, v16;
	v4 =	vmul.f32 v7, v4  }
0x121: {  	v13 =	vld.idx.msk [tilespmem:v14+s4+$0x0], $0xffff;
	v7 =	vmul.f32 $1.442695020e+00, v12  }
0x122: {  	v15 =	vld.idx.msk [tilespmem:v15+s16+$0x0], $0xffff;
	v4 =	vmul.f32 $1.442695020e+00, v4;
	v12 =	vpop (erf)  }
0x123: {  	v10 =	vld.idx.msk [tilespmem:v10+s17+$0x0], $0xffff;
	(erf) = vpow2.f32 v7;
	v14 =	vpop (erf)  }
0x124: {  	s28 =	simm.s32 $0x40;
	v7 =	vadd.f32 $1.000000000e+00, v12;
	(erf) = vpow2.f32 v4;
	v4 =	vadd.f32 $1.000000000e+00, v14;
	v14 =	vld.idx.msk [tilespmem:v11+s13+$0x0], $0xffff  }
0x125: {  	v9 =	vld.idx.msk [tilespmem:v9+s16+$0x0], $0xffff;
	v12 =	vor.u32 s28, v0  }
0x126: {  	(erf) = vrcp.f32 v7  }
0x127: {  	v15 =	vsub.f32 v15, v13;
	(erf) = vrcp.f32 v4  }
0x128: {  	v16 =	vshra.s32 v10, $0xD;
	v11 =	vshll.u32 v10, $0x2;
	v4 =	vshrl.u32 v10, $0xA  }
0x129: {  	v7 =	vand.u32 $0x7, v4;
	v4 =	vand.u32 $0xFFC, v11;
	v15 =	vmul.f32 v15, v14  }
0x12a: {  	v9 =	vsub.f32 v9, v13;
	v17 =	vmin.u32 v7, $0x3;
	v11 =	vld.idx.msk [tilespmem:v12+s17+$0x0], $0xffff;
	v12 =	vmax.u32 v7, $0x1  }
0x12b: {  	v12 =	vsub.s32 v12, v2;
	v13 =	vor.u32 v4, v17;
	v15 =	vmul.f32 $1.442695020e+00, v15  }
0x12c: {  	v9 =	vmul.f32 v9, v14;
	v12 =	vadd.s32 v4, v12  }
0x12d: {  	vm0 =	veq.s32 v8, $0x0;
	s28 =	simm.s32 $0x50;
	v14 =	vand.u32 $0x3FF, v10;
	v18 =	vpop (erf)  }
0x12e: {  	vm1 =	veq.s32 v8, $0x4;
	v20 =	vor.u32 s28, v0;
	v9 =	vmul.f32 $1.442695020e+00, v9;
	v19 =	vpop (erf)  }
0x12f: {  	v21 =	vld.idx.msk [tilespmem:v16+s4+$0x0], $0xffff;
	v17 =	vimm.f32 $1.000000000e+00;
	v4 =	vimm.s32 $0x0;
	(erf) = vpow2.f32 v15;
	v15 =	vpop (erf)  }
0x130: {  	v16 =	vadd.f32 $1.000000000e+00, v19;
	v13 =	vld.idx.msk [tilespmem:v13+s16+$0x0], $0xffff;
	(erf) = vpow2.f32 v9;
	v9 =	vadd.f32 $1.000000000e+00, v18;
	v8 =	vpop (erf)  }
0x131: {  	v18 =	vshrl.u32 v11, $0xA;
	v12 =	vld.idx.msk [tilespmem:v12+s16+$0x0], $0xffff;
	v15 =	vsel vm1, $0x0, v15;
	v8 =	vsel vm0, $0x3F800000, v8  }
0x132: {  	v14 =	vld.idx.msk [tilespmem:v14+s13+$0x0], $0xffff;
	(erf) = vrcp.f32 v9;
	v9 =	vand.u32 $0x7, v18;
	v8 =	vsub.f32 v8, v15  }
0x133: {  	v10 =	vshra.s32 v11, $0xD;
	(erf) = vrcp.f32 v16;
	v16 =	vmin.u32 v9, $0x3  }
0x134: {  	v18 =	vmax.u32 v9, $0x1;
	v15 =	vshll.u32 v11, $0x2;
	v8 =	vmax.f32 v8, $9.999999960e-13  }
0x135: {  	v15 =	vand.u32 $0xFFC, v15;
	v13 =	vsub.f32 v13, v21;
	v8 =	vmul.f32 v8, v17  }
0x136: {  	v16 =	vor.u32 v15, v16;
	v17 =	vsub.s32 v18, v2;
	v18 =	vsub.f32 v12, v21;
	v12 =	vld.idx.msk [tilespmem:v20+s17+$0x0], $0xffff  }
0x137: {  	s28 =	simm.s32 $0x60;
	v15 =	vadd.s32 v15, v17;
	v17 =	vmul.f32 v13, v14;
	v13 =	vand.u32 $0x7FFFFF, v8  }
.LBB2_5:
0x138: {  	p0 =	sne.s32 s28, $0xF90;
	v11 =	vand.u32 $0x3FF, v11;
	v14 =	vmul.f32 v18, v14;
	v18 =	vpop (erf);
	v13 =	vor.u32 $0x3F800000, v13  }
0x139: {  	v8 =	vshra.s32 v8, $0x17;
	v17 =	vmul.f32 $1.442695020e+00, v17;
	v19 =	vpop (erf)  }
0x13a: {  	v20 =	vor.u32 s28, v0;
	v4 =	vadd.s32 v4, v8;
	v21 =	vld.idx.msk [tilespmem:v10+s4+$0x0], $0xffff;
	v14 =	vmul.f32 $1.442695020e+00, v14  }
0x13b: {  	vm0 =	veq.s32 v5, $0x0;
	v10 =	vshra.s32 v12, $0xD;
	v8 =	vld.idx.msk [tilespmem:v16+s16+$0x0], $0xffff;
	(erf) = vpow2.f32 v17;
	v16 =	vpop (erf)  }
0x13c: {  	vm1 =	veq.s32 v5, $0x4;
	v17 =	vadd.f32 $1.000000000e+00, v18;
	v15 =	vld.idx.msk [tilespmem:v15+s16+$0x0], $0xffff;
	(erf) = vpow2.f32 v14;
	v5 =	vpop (erf)  }
0x13d: {  	v18 =	vadd.f32 $1.000000000e+00, v19;
	v16 =	vsel vm1, $0x0, v16;
	v14 =	vld.idx.msk [tilespmem:v11+s13+$0x0], $0xffff;
	v22 =	vsel vm0, $0x3F800000, v5;
	v5 =	vmovc v6;
	v6 =	vmovc v7  }
0x13e: {  	v19 =	vshrl.u32 v12, $0xA;
	v7 =	vmovc v9;
	v11 =	vmovc v12;
	(erf) = vrcp.f32 v17;
	v16 =	vsub.f32 v22, v16  }
.Ltmp1:
0x13f: {  	v9 =	vand.u32 $0x7, v19;
	v12 =	vshll.u32 v11, $0x2;
	(erf) = vrcp.f32 v18;
	(pc) =	sbr.rel @p0 .LBB2_5-.Ltmp1, $4  }
0x140: {  	v17 =	vand.u32 $0xFFC, v12;
	v18 =	vmin.u32 v9, $0x3;
	v16 =	vmax.f32 v16, $9.999999960e-13  }
0x141: {  	v19 =	vmax.u32 v9, $0x1;
	v12 =	vld.idx.msk [tilespmem:v20+s17+$0x0], $0xffff;
	v20 =	vsub.f32 v8, v21;
	v8 =	vmul.f32 v16, v13  }
0x142: {  	v13 =	vsub.s32 v19, v2;
	v16 =	vor.u32 v17, v18;
	v18 =	vsub.f32 v15, v21  }
0x143: {  	s28 =	sadd.s32 $0x10, s28;
	v15 =	vadd.s32 v17, v13;
	v17 =	vmul.f32 v20, v14;
	v13 =	vand.u32 $0x7FFFFF, v8  }
0x144: {  	_ =	sdelay $0x1  }
0x145: {  	v11 =	vand.u32 $0x3FF, v11;
	v14 =	vmul.f32 v18, v14;
	v18 =	vshrl.u32 v12, $0xA  }
0x146: {  	v19 =	vshra.s32 v12, $0xD;
	v20 =	vshll.u32 v12, $0x2;
	v18 =	vand.u32 $0x7, v18  }
0x147: {  	v10 =	vld.idx.msk [tilespmem:v10+s4+$0x0], $0xffff;
	v20 =	vand.u32 $0xFFC, v20;
	v21 =	vmin.u32 v18, $0x3;
	v22 =	vmax.u32 v18, $0x1  }
0x148: {  	v16 =	vld.idx.msk [tilespmem:v16+s16+$0x0], $0xffff;
	v17 =	vmul.f32 $1.442695020e+00, v17;
	v22 =	vsub.s32 v22, v2;
	v21 =	vor.u32 v20, v21  }
0x149: {  	v15 =	vld.idx.msk [tilespmem:v15+s16+$0x0], $0xffff;
	v20 =	vadd.s32 v20, v22  }
0x14a: {  	v14 =	vmul.f32 $1.442695020e+00, v14;
	(erf) = vpow2.f32 v17;
	v11 =	vld.idx.msk [tilespmem:v11+s13+$0x0], $0xffff  }
0x14b: {  	v12 =	vand.u32 $0x3FF, v12  }
0x14c: {  	(erf) = vpow2.f32 v14;
	v14 =	vld.idx.msk [tilespmem:v19+s4+$0x0], $0xffff  }
0x14d: {  	v16 =	vsub.f32 v16, v10;
	v19 =	vpop (erf);
	v17 =	vld.idx.msk [tilespmem:v21+s16+$0x0], $0xffff  }
0x14e: {  	v10 =	vsub.f32 v15, v10;
	v19 =	vadd.f32 $1.000000000e+00, v19;
	v15 =	vld.idx.msk [tilespmem:v20+s16+$0x0], $0xffff;
	v20 =	vpop (erf)  }
0x14f: {  	v16 =	vmul.f32 v16, v11;
	v20 =	vadd.f32 $1.000000000e+00, v20  }
0x150: {  	v12 =	vld.idx.msk [tilespmem:v12+s13+$0x0], $0xffff;
	v10 =	vmul.f32 v10, v11  }
0x151: {  	(erf) = vrcp.f32 v19;
	v11 =	vpop (erf);
	v16 =	vmul.f32 $1.442695020e+00, v16  }
0x152: {  	v10 =	vmul.f32 $1.442695020e+00, v10;
	v19 =	vpop (erf);
	(erf) = vrcp.f32 v20  }
0x153: {  	v17 =	vsub.f32 v17, v14;
	(erf) = vpow2.f32 v16;
	v20 =	vpop (erf);
	v14 =	vsub.f32 v15, v14  }
0x154: {  	(erf) = vpow2.f32 v10;
	v10 =	vadd.f32 $1.000000000e+00, v20  }
0x155: {  	v15 =	vpop (erf);
	v16 =	vmul.f32 v17, v12;
	v12 =	vmul.f32 v14, v12  }
0x156: {  	v15 =	vadd.f32 $1.000000000e+00, v15;
	(erf) = vrcp.f32 v10  }
0x157: {  	v10 =	vmul.f32 $1.442695020e+00, v16;
	v12 =	vmul.f32 $1.442695020e+00, v12  }
0x158: {  	vm1 =	veq.s32 v5, $0x4;
	(erf) = vrcp.f32 v15  }
0x159: {  	vm0 =	veq.s32 v5, $0x0;
	v11 =	vsel vm1, $0x0, v11;
	(erf) = vpow2.f32 v10  }
0x15a: {  	v5 =	vpop (erf);
	v10 =	vsel vm0, $0x3F800000, v19;
	(erf) = vpow2.f32 v12  }
0x15b: {  	v10 =	vsub.f32 v10, v11;
	v12 =	vpop (erf)  }
0x15c: {  	v13 =	vor.u32 $0x3F800000, v13;
	v11 =	vpop (erf)  }
0x15d: {  	vm6 =	veq.s32 v6, $0x0;
	v10 =	vmax.f32 v10, $9.999999960e-13;
	v14 =	vpop (erf);
	v11 =	vadd.f32 $1.000000000e+00, v11  }
0x15e: {  	vm7 =	veq.s32 v6, $0x4;
	v10 =	vmul.f32 v10, v13;
	v13 =	vadd.f32 $1.000000000e+00, v14  }
0x15f: {  	v5 =	vsel vm7, $0x0, v5;
	(erf) = vrcp.f32 v11;
	v11 =	vsel vm6, $0x3F800000, v12  }
0x160: {  	v6 =	vpop (erf);
	(erf) = vrcp.f32 v13;
	v5 =	vsub.f32 v11, v5  }
0x161: {  	v12 =	vpop (erf);
	v13 =	vand.u32 $0x7FFFFF, v10  }
0x162: {  	v13 =	vor.u32 $0x3F800000, v13;
	v11 =	vpop (erf);
	v5 =	vmax.f32 v5, $9.999999960e-13  }
0x163: {  	vm9 =	veq.s32 v7, $0x4;
	v14 =	vpop (erf);
	v11 =	vadd.f32 $1.000000000e+00, v11;
	v5 =	vmul.f32 v5, v13  }
0x164: {  	vm8 =	veq.s32 v7, $0x0;
	v6 =	vsel vm9, $0x0, v6;
	v14 =	vadd.f32 $1.000000000e+00, v14  }
0x165: {  	v7 =	vsel vm8, $0x3F800000, v12;
	(erf) = vrcp.f32 v11;
	v11 =	vand.u32 $0x7FFFFF, v5  }
0x166: {  	v6 =	vsub.f32 v7, v6;
	(erf) = vrcp.f32 v14;
	_ =	sdelay $0x1  }
0x167: {  	p0 =	seq.s32 s24, $0x3;
	v6 =	vmax.f32 v6, $9.999999960e-13;
	v7 =	vor.u32 $0x3F800000, v11;
	v11 =	vpop (erf)  }
0x168: {  	vm10 =	veq.s32 v9, $0x0;
	vm11 =	veq.s32 v9, $0x4;
	s28 =	smin.u32 @!p0 s26, $0x96;
	v6 =	vmul.f32 v6, v7;
	v9 =	vpop (erf)  }
0x169: {  	s28 =	smul.u32 @!p0 $0xFA0, s28;
	v7 =	vsel vm10, $0x3F800000, v9;
	v9 =	vsel vm11, $0x0, v11  }
0x16a: {  	v7 =	vsub.f32 v7, v9;
	v9 =	vand.u32 $0x7FFFFF, v6  }
0x16b: {  	s28 =	sshrl.u32 @!p0 s28, $0x3;
	v9 =	vor.u32 $0x3F800000, v9  }
0x16c: {  	s29 =	simm.s32 $0x0;
	s28 =	sadd.s32 @!p0 s5, s28  }
0x16d: {  	s30 =	simm.s32 @!p0 $0x0;
	s28 =	sadd.s32 @!p0 $0x7D00, s28;
	v12 =	vor.u32 s29, v0;
	s29 =	simm.s32 @!p0 $0x1AA10;
	v7 =	vmax.f32 v7, $9.999999960e-13;
	v11 =	vpop (erf)  }
0x16e: {  	vm12 =	veq.s32 v18, $0x0;
	vm13 =	veq.s32 v18, $0x4;
	[tilespmem:s29], [sflag:$0x1] =	stream.linear.gather @!p0 [hbm4b:s28+s30], $0xFA0, $0x38;
	v7 =	vmul.f32 v7, v9;
	v9 =	vpop (erf);
	[tilespmem:$0x1C960] =	vst v63  }
0x16f: {  	v11 =	vsel vm13, $0x0, v11;
	v9 =	vsel vm12, $0x3F800000, v9;
	_ =	swait.ge [sflag:s20], $0xFA0  }
0x170: {  	v9 =	vsub.f32 v9, v11;
	[sflag:s20] =	ssyncset.done $0x0  }
0x171: {  	v11 =	vand.u32 $0x7FFFFF, v7;
	[sflag:s20] =	ssyncadd.s32 $0xFFFFF060  }
0x172: {  	v11 =	vor.u32 $0x3F800000, v11;
	v9 =	vmax.f32 v9, $9.999999960e-13;
	v12 =	vld.idx.msk [tilespmem:v12+s18+$0x0], $0xffff  }
0x173: {  	v11 =	vmul.f32 v9, v11;
	_ =	sdelay $0x1  }
0x174: {  	s30 =	simm.s32 $0x10;
	v9 =	vand.u32 $0x7FFFFF, v11  }
0x175: {  	v15 =	vor.u32 s30, v0;
	v9 =	vor.u32 $0x3F800000, v9  }
0x176: {  	v13 =	vadd.f32 $-1.000000000e+00, v9;
	v9 =	vshrl.u32 v12, $0xA;
	v17 =	vshll.u32 v12, $0x2  }
0x177: {  	v16 =	vshra.s32 v12, $0xD;
	v9 =	vand.u32 $0x7, v9;
	v17 =	vand.u32 $0xFFC, v17  }
0x178: {  	v14 =	vmul.f32 $4.155080770e-02, v13;
	v18 =	vmin.u32 v9, $0x3;
	v19 =	vmax.u32 v9, $0x1  }
0x179: {  	v19 =	vsub.s32 v19, v2;
	v18 =	vor.u32 v17, v18  }
0x17a: {  	v15 =	vld.idx.msk [tilespmem:v15+s18+$0x0], $0xffff;
	v14 =	vadd.f32 $-1.578377490e-01, v14;
	v17 =	vadd.s32 v17, v19;
	_ =	sdelay $0x1  }
0x17b: {  	v8 =	vshra.s32 v8, $0x17;
	v12 =	vand.u32 $0x3FF, v12;
	v14 =	vmul.f32 v14, v13  }
0x17c: {  	v4 =	vadd.s32 v4, v8;
	v8 =	vshra.s32 v10, $0x17;
	v16 =	vld.idx.msk [tilespmem:v16+s4+$0x0], $0xffff  }
0x17d: {  	v4 =	vadd.s32 v4, v8;
	v5 =	vshra.s32 v5, $0x17;
	v10 =	vadd.f32 $3.065606950e-01, v14;
	v14 =	vld.idx.msk [tilespmem:v18+s16+$0x0], $0xffff  }
0x17e: {  	v5 =	vadd.s32 v4, v5;
	v4 =	vshrl.u32 v15, $0xA;
	v8 =	vld.idx.msk [tilespmem:v17+s16+$0x0], $0xffff  }
0x17f: {  	v4 =	vand.u32 $0x7, v4  }
0x180: {  	s31 =	simm.s32 $0x20;
	v20 =	vmin.u32 v4, $0x3;
	v12 =	vld.idx.msk [tilespmem:v12+s13+$0x0], $0xffff;
	v18 =	vshll.u32 v15, $0x2  }
0x181: {  	v63 =	vmax.u32 v4, $0x1;
	v17 =	vor.u32 s31, v0;
	v18 =	vand.u32 $0xFFC, v18  }
0x182: {  	v19 =	vshra.s32 v15, $0xD;
	v10 =	vmul.f32 v10, v13;
	v20 =	vor.u32 v18, v20  }
0x183: {  	v14 =	vsub.f32 v14, v16;
	v8 =	vsub.f32 v8, v16;
	v16 =	vsub.s32 v63, v2  }
0x184: {  	v6 =	vshra.s32 v6, $0x17;
	v10 =	vadd.f32 $-4.970307350e-01, v10;
	v16 =	vadd.s32 v18, v16  }
0x185: {  	v5 =	vadd.s32 v5, v6;
	v6 =	vmul.f32 v14, v12;
	v14 =	vand.u32 $0x3FF, v15  }
0x186: {  	v7 =	vshra.s32 v7, $0x17;
	v10 =	vmul.f32 v10, v13;
	v15 =	vld.idx.msk [tilespmem:v17+s18+$0x0], $0xffff;
	v8 =	vmul.f32 v8, v12  }
0x187: {  	v5 =	vadd.s32 v5, v7;
	v7 =	vld.idx.msk [tilespmem:v19+s4+$0x0], $0xffff;
	v6 =	vmul.f32 $1.442695020e+00, v6  }
0x188: {  	v11 =	vshra.s32 v11, $0x17;
	v10 =	vadd.f32 $9.999449840e-01, v10;
	v12 =	vld.idx.msk [tilespmem:v20+s16+$0x0], $0xffff;
	v8 =	vmul.f32 $1.442695020e+00, v8  }
0x189: {  	v5 =	vadd.s32 v5, v11;
	(erf) = vpow2.f32 v6;
	v11 =	vld.idx.msk [tilespmem:v16+s16+$0x0], $0xffff  }
0x18a: {  	s29 =	simm.s32 $0x30;
	v5 =	vadd.s32 $0xFFFF83FA, v5;
	v10 =	vmul.f32 v10, v13;
	(erf) = vpow2.f32 v8;
	v8 =	vld.idx.msk [tilespmem:v14+s13+$0x0], $0xffff  }
0x18b: {  	v13 =	vor.u32 s29, v0;
	v6 =	vshrl.u32 v15, $0xA;
	v14 =	vshll.u32 v15, $0x2  }
0x18c: {  	v16 =	vshra.s32 v15, $0xD;
	v6 =	vand.u32 $0x7, v6;
	v14 =	vand.u32 $0xFFC, v14  }
0x18d: {  	v12 =	vsub.f32 v12, v7;
	v17 =	vmin.u32 v6, $0x3;
	v18 =	vmax.u32 v6, $0x1  }
0x18e: {  	v18 =	vsub.s32 v18, v2;
	v17 =	vor.u32 v14, v17;
	v7 =	vsub.f32 v11, v7  }
0x18f: {  	v5 =	vcvt.s32.f32 v5;
	v11 =	vadd.s32 v14, v18;
	v12 =	vmul.f32 v12, v8  }
0x190: {  	v14 =	vand.u32 $0x3FF, v15;
	v7 =	vmul.f32 v7, v8;
	v8 =	vadd.f32 $0.0e+00, v10  }
0x191: {  	v15 =	vld.idx.msk [tilespmem:v16+s4+$0x0], $0xffff  }
0x192: {  	v5 =	vmul.f32 $6.931471820e-01, v5;
	v10 =	vld.idx.msk [tilespmem:v13+s18+$0x0], $0xffff;
	v12 =	vmul.f32 $1.442695020e+00, v12  }
0x193: {  	v13 =	vpop (erf);
	v16 =	vld.idx.msk [tilespmem:v17+s16+$0x0], $0xffff;
	v7 =	vmul.f32 $1.442695020e+00, v7  }
0x194: {  	v5 =	vadd.f32 v8, v5;
	(erf) = vpow2.f32 v12;
	v8 =	vpop (erf)  }
0x195: {  	s30 =	simm.s32 $0x40;
	v12 =	vadd.f32 $1.000000000e+00, v13;
	(erf) = vpow2.f32 v7;
	v7 =	vadd.f32 $1.000000000e+00, v8;
	v8 =	vld.idx.msk [tilespmem:v14+s13+$0x0], $0xffff  }
0x196: {  	v13 =	vor.u32 s30, v0;
	v17 =	vld.idx.msk [tilespmem:v11+s16+$0x0], $0xffff  }
0x197: {  	(erf) = vrcp.f32 v12  }
0x198: {  	v16 =	vsub.f32 v16, v15;
	(erf) = vrcp.f32 v7  }
0x199: {  	v12 =	vshra.s32 v10, $0xD;
	v11 =	vshll.u32 v10, $0x2;
	v7 =	vshrl.u32 v10, $0xA  }
0x19a: {  	v14 =	vand.u32 $0xFFC, v11;
	v7 =	vand.u32 $0x7, v7;
	v16 =	vmul.f32 v16, v8  }
0x19b: {  	v11 =	vld.idx.msk [tilespmem:v13+s18+$0x0], $0xffff;
	v15 =	vsub.f32 v17, v15;
	v18 =	vmin.u32 v7, $0x3;
	v13 =	vmax.u32 v7, $0x1  }
0x19c: {  	v13 =	vsub.s32 v13, v2;
	v17 =	vor.u32 v14, v18;
	v16 =	vmul.f32 $1.442695020e+00, v16  }
0x19d: {  	p6 =	slt.s32 s26, $0xD7;
	vm14 =	veq.s32 v9, $0x0;
	v8 =	vmul.f32 v15, v8;
	v13 =	vadd.s32 v14, v13  }
0x19e: {  	vm15 =	veq.s32 v9, $0x4;
	s31 =	simm.s32 $0x50;
	v5 =	vpsel !p6, $0x0, v5;
	v14 =	vand.u32 $0x3FF, v10;
	v18 =	vpop (erf)  }
0x19f: {  	v20 =	vor.u32 s31, v0;
	v3 =	vadd.f32 v5, v3;
	v8 =	vmul.f32 $1.442695020e+00, v8;
	v19 =	vpop (erf)  }
0x1a0: {  	v5 =	vimm.s32 $0x0;
	v15 =	vimm.f32 $1.000000000e+00;
	v12 =	vld.idx.msk [tilespmem:v12+s4+$0x0], $0xffff;
	(erf) = vpow2.f32 v16;
	v16 =	vpop (erf)  }
0x1a1: {  	v17 =	vld.idx.msk [tilespmem:v17+s16+$0x0], $0xffff;
	(erf) = vpow2.f32 v8;
	v8 =	vadd.f32 $1.000000000e+00, v18;
	v18 =	vadd.f32 $1.000000000e+00, v19;
	v9 =	vpop (erf)  }
0x1a2: {  	v19 =	vshrl.u32 v11, $0xA;
	v13 =	vld.idx.msk [tilespmem:v13+s16+$0x0], $0xffff;
	v16 =	vsel vm15, $0x0, v16;
	v9 =	vsel vm14, $0x3F800000, v9  }
0x1a3: {  	v14 =	vld.idx.msk [tilespmem:v14+s13+$0x0], $0xffff;
	(erf) = vrcp.f32 v8;
	v8 =	vand.u32 $0x7, v19;
	v9 =	vsub.f32 v9, v16  }
0x1a4: {  	v10 =	vshra.s32 v11, $0xD;
	(erf) = vrcp.f32 v18;
	v18 =	vmin.u32 v8, $0x3  }
0x1a5: {  	v19 =	vmax.u32 v8, $0x1;
	v16 =	vshll.u32 v11, $0x2;
	v9 =	vmax.f32 v9, $9.999999960e-13  }
0x1a6: {  	v16 =	vand.u32 $0xFFC, v16;
	v17 =	vsub.f32 v17, v12;
	v9 =	vmul.f32 v9, v15  }
0x1a7: {  	v19 =	vsub.s32 v19, v2;
	v15 =	vor.u32 v16, v18;
	v18 =	vsub.f32 v13, v12;
	v12 =	vld.idx.msk [tilespmem:v20+s18+$0x0], $0xffff  }
0x1a8: {  	s26 =	simm.s32 $0x60;
	v16 =	vadd.s32 v16, v19;
	v17 =	vmul.f32 v17, v14;
	v13 =	vand.u32 $0x7FFFFF, v9  }
.LBB2_7:
0x1a9: {  	p0 =	sne.s32 s26, $0xF90;
	v11 =	vand.u32 $0x3FF, v11;
	v14 =	vmul.f32 v18, v14;
	v18 =	vpop (erf);
	v13 =	vor.u32 $0x3F800000, v13  }
0x1aa: {  	v9 =	vshra.s32 v9, $0x17;
	v17 =	vmul.f32 $1.442695020e+00, v17;
	v19 =	vpop (erf)  }
0x1ab: {  	v20 =	vor.u32 s26, v0;
	v5 =	vadd.s32 v5, v9;
	v21 =	vld.idx.msk [tilespmem:v10+s4+$0x0], $0xffff;
	v14 =	vmul.f32 $1.442695020e+00, v14  }
0x1ac: {  	vm0 =	veq.s32 v4, $0x0;
	v10 =	vshra.s32 v12, $0xD;
	v9 =	vld.idx.msk [tilespmem:v15+s16+$0x0], $0xffff;
	(erf) = vpow2.f32 v17;
	v15 =	vpop (erf)  }
0x1ad: {  	vm1 =	veq.s32 v4, $0x4;
	v17 =	vadd.f32 $1.000000000e+00, v18;
	v16 =	vld.idx.msk [tilespmem:v16+s16+$0x0], $0xffff;
	(erf) = vpow2.f32 v14;
	v4 =	vpop (erf)  }
0x1ae: {  	v18 =	vadd.f32 $1.000000000e+00, v19;
	v15 =	vsel vm1, $0x0, v15;
	v14 =	vld.idx.msk [tilespmem:v11+s13+$0x0], $0xffff;
	v22 =	vsel vm0, $0x3F800000, v4;
	v4 =	vmovc v6;
	v6 =	vmovc v7  }
0x1af: {  	v19 =	vshrl.u32 v12, $0xA;
	v7 =	vmovc v8;
	v11 =	vmovc v12;
	(erf) = vrcp.f32 v17;
	v15 =	vsub.f32 v22, v15  }
.Ltmp2:
0x1b0: {  	v8 =	vand.u32 $0x7, v19;
	v12 =	vshll.u32 v11, $0x2;
	(erf) = vrcp.f32 v18;
	(pc) =	sbr.rel @p0 .LBB2_7-.Ltmp2, $4  }
0x1b1: {  	v17 =	vand.u32 $0xFFC, v12;
	v18 =	vmin.u32 v8, $0x3;
	v15 =	vmax.f32 v15, $9.999999960e-13  }
0x1b2: {  	v19 =	vmax.u32 v8, $0x1;
	v12 =	vld.idx.msk [tilespmem:v20+s18+$0x0], $0xffff;
	v20 =	vsub.f32 v9, v21;
	v9 =	vmul.f32 v15, v13  }
0x1b3: {  	v13 =	vsub.s32 v19, v2;
	v15 =	vor.u32 v17, v18;
	v18 =	vsub.f32 v16, v21  }
0x1b4: {  	s26 =	sadd.s32 $0x10, s26;
	v16 =	vadd.s32 v17, v13;
	v17 =	vmul.f32 v20, v14;
	v13 =	vand.u32 $0x7FFFFF, v9  }
0x1b5: {  	_ =	sdelay $0x1  }
0x1b6: {  	v11 =	vand.u32 $0x3FF, v11;
	v14 =	vmul.f32 v18, v14;
	v27 =	vshrl.u32 v12, $0xA  }
0x1b7: {  	v19 =	vshra.s32 v12, $0xD;
	v20 =	vshll.u32 v12, $0x2;
	v18 =	vand.u32 $0x7, v27  }
0x1b8: {  	v20 =	vand.u32 $0xFFC, v20;
	v21 =	vmin.u32 v18, $0x3;
	v22 =	vmax.u32 v18, $0x1  }
0x1b9: {  	v10 =	vld.idx.msk [tilespmem:v10+s4+$0x0], $0xffff;
	v17 =	vmul.f32 $1.442695020e+00, v17;
	v22 =	vsub.s32 v22, v2;
	v21 =	vor.u32 v20, v21  }
0x1ba: {  	v15 =	vld.idx.msk [tilespmem:v15+s16+$0x0], $0xffff;
	v14 =	vmul.f32 $1.442695020e+00, v14;
	v20 =	vadd.s32 v20, v22  }
0x1bb: {  	v16 =	vld.idx.msk [tilespmem:v16+s16+$0x0], $0xffff;
	v28 =	vand.u32 $0x3FF, v12;
	(erf) = vpow2.f32 v17  }
0x1bc: {  	(erf) = vpow2.f32 v14;
	v11 =	vld.idx.msk [tilespmem:v11+s13+$0x0], $0xffff  }
0x1bd: {  	v29 =	vld.idx.msk [tilespmem:v19+s4+$0x0], $0xffff  }
0x1be: {  	v30 =	vld.idx.msk [tilespmem:v21+s16+$0x0], $0xffff  }
0x1bf: {  	v15 =	vsub.f32 v15, v10;
	v31 =	vld.idx.msk [tilespmem:v20+s16+$0x0], $0xffff  }
0x1c0: {  	v32 =	vpop (erf);
	v10 =	vsub.f32 v16, v10;
	v12 =	vld.idx.msk [tilespmem:v28+s13+$0x0], $0xffff  }
0x1c1: {  	v33 =	vpop (erf);
	v15 =	vmul.f32 v15, v11;
	v20 =	vadd.f32 $1.000000000e+00, v32  }
0x1c2: {  	v34 =	vpop (erf);
	v16 =	vadd.f32 $1.000000000e+00, v33;
	v10 =	vmul.f32 v10, v11  }
0x1c3: {  	v35 =	vpop (erf);
	v15 =	vmul.f32 $1.442695020e+00, v15;
	(erf) = vrcp.f32 v20;
	v17 =	vsub.f32 v30, v29  }
0x1c4: {  	v36 =	vpop (erf);
	v10 =	vmul.f32 $1.442695020e+00, v10;
	(erf) = vrcp.f32 v16;
	v14 =	vsub.f32 v31, v29  }
0x1c5: {  	v37 =	vpop (erf);
	v16 =	vadd.f32 $1.000000000e+00, v36;
	(erf) = vpow2.f32 v15;
	v17 =	vmul.f32 v17, v12  }
0x1c6: {  	v38 =	vadd.f32 $1.000000000e+00, v37;
	(erf) = vpow2.f32 v10;
	v12 =	vmul.f32 v14, v12  }
0x1c7: {  	(erf) = vrcp.f32 v16;
	v39 =	vmul.f32 $1.442695020e+00, v17  }
0x1c8: {  	(erf) = vrcp.f32 v38;
	v40 =	vmul.f32 $1.442695020e+00, v12  }
0x1c9: {  	(erf) = vpow2.f32 v39  }
0x1ca: {  	(erf) = vpow2.f32 v40;
	_ =	sdelay $0x1  }
0x1cb: {  	vm0 =	veq.s32 v4, $0x0;
	vm1 =	veq.s32 v4, $0x4;
	v4 =	vpop (erf)  }
0x1cc: {  	v42 =	vpop (erf)  }
0x1cd: {  	v41 =	vsel vm0, $0x3F800000, v35;
	v11 =	vsel vm1, $0x0, v34;
	v43 =	vpop (erf)  }
0x1ce: {  	v10 =	vsub.f32 v41, v11;
	v44 =	vpop (erf);
	v11 =	vadd.f32 $1.000000000e+00, v43  }
0x1cf: {  	v45 =	vpop (erf);
	v14 =	vadd.f32 $1.000000000e+00, v44  }
0x1d0: {  	v13 =	vor.u32 $0x3F800000, v13;
	v46 =	vpop (erf);
	(erf) = vrcp.f32 v11  }
0x1d1: {  	vm8 =	veq.s32 v6, $0x0;
	v10 =	vmax.f32 v10, $9.999999960e-13;
	(erf) = vrcp.f32 v14;
	v48 =	vpop (erf)  }
0x1d2: {  	vm9 =	veq.s32 v6, $0x4;
	v10 =	vmul.f32 v10, v13;
	v49 =	vpop (erf);
	v12 =	vadd.f32 $1.000000000e+00, v48  }
0x1d3: {  	v4 =	vsel vm9, $0x0, v4;
	v47 =	vsel vm8, $0x3F800000, v42;
	v11 =	vadd.f32 $1.000000000e+00, v49  }
0x1d4: {  	v4 =	vsub.f32 v47, v4;
	(erf) = vrcp.f32 v12  }
0x1d5: {  	vm10 =	veq.s32 v7, $0x0;
	v50 =	vand.u32 $0x7FFFFF, v10;
	(erf) = vrcp.f32 v11  }
0x1d6: {  	vm11 =	veq.s32 v7, $0x4;
	v4 =	vmax.f32 v4, $9.999999960e-13;
	v14 =	vor.u32 $0x3F800000, v50  }
0x1d7: {  	v7 =	vsel vm11, $0x0, v45;
	v6 =	vsel vm10, $0x3F800000, v46;
	v4 =	vmul.f32 v4, v14  }
0x1d8: {  	v6 =	vsub.f32 v6, v7  }
0x1d9: {  	vm12 =	veq.s32 v8, $0x0;
	v51 =	vand.u32 $0x7FFFFF, v4;
	v52 =	vpop (erf)  }
0x1da: {  	vm13 =	veq.s32 v8, $0x4;
	v6 =	vmax.f32 v6, $9.999999960e-13;
	v7 =	vor.u32 $0x3F800000, v51;
	v53 =	vpop (erf)  }
0x1db: {  	v6 =	vmul.f32 v6, v7;
	v8 =	vsel vm13, $0x0, v52;
	v7 =	vsel vm12, $0x3F800000, v53  }
0x1dc: {  	v7 =	vsub.f32 v7, v8  }
0x1dd: {  	vm14 =	veq.s32 v18, $0x0;
	v54 =	vand.u32 $0x7FFFFF, v6;
	v56 =	vpop (erf)  }
0x1de: {  	vm15 =	veq.s32 v18, $0x4;
	v55 =	vor.u32 $0x3F800000, v54;
	v7 =	vmax.f32 v7, $9.999999960e-13;
	v57 =	vpop (erf)  }
0x1df: {  	v7 =	vmul.f32 v7, v55;
	v11 =	vsel vm15, $0x0, v56;
	v58 =	vsel vm14, $0x3F800000, v57  }
0x1e0: {  	v8 =	vsub.f32 v58, v11  }
0x1e1: {  	v59 =	vand.u32 $0x7FFFFF, v7  }
0x1e2: {  	v11 =	vor.u32 $0x3F800000, v59;
	v8 =	vmax.f32 v8, $9.999999960e-13  }
0x1e3: {  	v8 =	vmul.f32 v8, v11;
	_ =	sdelay $0x1  }
0x1e4: {  	v11 =	vand.u32 $0x7FFFFF, v8  }
0x1e5: {  	v11 =	vor.u32 $0x3F800000, v11  }
0x1e6: {  	v11 =	vadd.f32 $-1.000000000e+00, v11;
	_ =	sdelay $0x1  }
0x1e7: {  	v60 =	vmul.f32 $4.155080770e-02, v11;
	_ =	sdelay $0x1  }
0x1e8: {  	v12 =	vadd.f32 $-1.578377490e-01, v60;
	_ =	sdelay $0x1  }
0x1e9: {  	v12 =	vmul.f32 v12, v11;
	_ =	sdelay $0x1  }
0x1ea: {  	v12 =	vadd.f32 $3.065606950e-01, v12;
	_ =	sdelay $0x1  }
0x1eb: {  	v9 =	vshra.s32 v9, $0x17;
	v12 =	vmul.f32 v12, v11  }
0x1ec: {  	v5 =	vadd.s32 v5, v9;
	v61 =	vshra.s32 v10, $0x17  }
0x1ed: {  	v5 =	vadd.s32 v5, v61;
	v4 =	vshra.s32 v4, $0x17;
	v62 =	vadd.f32 $-4.970307350e-01, v12  }
0x1ee: {  	v4 =	vadd.s32 v5, v4;
	v5 =	vshra.s32 v6, $0x17  }
0x1ef: {  	v4 =	vadd.s32 v4, v5;
	v5 =	vshra.s32 v7, $0x17;
	v63 =	vmul.f32 v62, v11  }
0x1f0: {  	v4 =	vadd.s32 v4, v5;
	v5 =	vshra.s32 v8, $0x17  }
0x1f1: {  	v4 =	vadd.s32 v4, v5;
	v5 =	vadd.f32 $9.999449840e-01, v63  }
0x1f2: {  	v4 =	vadd.s32 $0xFFFF83FA, v4  }
0x1f3: {  	v4 =	vcvt.s32.f32 v4;
	v5 =	vmul.f32 v5, v11;
	_ =	sdelay $0x1  }
0x1f4: {  	v4 =	vmul.f32 $6.931471820e-01, v4;
	v5 =	vadd.f32 $0.0e+00, v5;
	_ =	sdelay $0x1  }
0x1f5: {  	v4 =	vadd.f32 v5, v4  }
0x1f6: {  	p0 =	slt.s32 s25, $0xD7;
	s24 =	sadd.s32 $0x1, s24  }
0x1f7: {  	v4 =	vpsel !p0, $0x0, v4;
	p0 =	sne.s32 s24, $0x4  }
.Ltmp3:
0x1f8: {  	_ = 	snop;
	(pc) =	sbr.rel @p0 .LBB2_4-.Ltmp3, $2  }
0x1f9: {  	_ =	sdelay $0x2  }
0x1fa: {  	v3 =	vadd.f32 v4, v3  }
0x1fb: {  	s22 =	sadd.s32 $0x1, s22  }
0x1fc: {  	p0 =	sne.s32 s22, s11  }
.Ltmp4:
0x1fd: {  	[tilespmem:$0x1C950] =	vst v3;
	(pc) =	sbr.rel @p0 .LBB2_1-.Ltmp4, $4  }
0x1fe: {  	[hbm4b:s10+s4] =	stream.linear.scatter [tilespmem:s21], [sflag:$0x3], $0x10, $0x38;
	[tilespmem:$0x1C960] =	vst v63  }
0x1ff: {  	_ =	swait.ge [sflag:s12], $0x10  }
0x200: {  	[sflag:s12] =	ssyncset.done $0x0  }
0x201: {  	[sflag:s12] =	ssyncadd.s32 $0xFFFFFFF0  }
0x202: {  	_ =	sfence.sel $0x180000  }
0x203: {  	[bflag:$0x0] =	sbarrier.arrive $0xFFFF  }
0x204: {  	p0 =	sne.s32 s3, $0x0;
	_ =	strace $0x9000004A  }
0x205: {  	s0 =	sadd.s32 @!p0 $0x100000, s0;
	[bflag:$0x2] =	sbarrier.arrive $0xFFFF  }
0x206: {  	[sflag:s0] =	ssyncadd.tile.s32 @!p0 $0x1;
	_ =	shalt  }
.Lfunc_end2:
_tile_overlayer_lowered:
.L_overlay_start_2:
0x207: {  	(tag) =	ssettag $0x2  }
0x208: {  	s0 =	rddreg [dreg:$0x0];
	s2 =	stileid.u32  }
0x209: {  	s1 =	rddreg [dreg:$0x1];
	p0 =	sne.s32 s2, $0x0  }
0x20a: {  	s3 =	rddreg [dreg:$0x2];
	[bflag:$0x3] =	sbarrier.arrive $0xFFFF;
	s2 =	simm.s32 @!p0 $0x1C03  }
0x20b: {  	[timem:s3], [sflag:s2] =	dma.local @!p0 [hbm:s0], s1  }
0x20c: {  	s0 =	simm.s32 @!p0 $0x3  }
0x20d: {  	_ =	swait.ge @!p0 [sflag:s0], s1  }
0x20e: {  	s1 =	ssub.s32 @!p0 $0x0, s1;
	[sflag:s0] =	ssyncset.done @!p0 $0x0  }
0x20f: {  	[sflag:s0] =	ssyncadd.s32 @!p0 s1  }
0x210: {  	[bflag:$0x3] =	sbarrier.arrive $0xFFFF  }
0x211: {  	_ =	shalt  }

</sc_bundles>
